<compile_context>
chip_gen: v7x
topology: tpu7x:2x2x1
jax: 0.10.2.dev20260603
libtpu: 0.0.44.dev20260713+nightly
codegen_flags: <defaults>
</compile_context>

<pallas_src>
import functools
import math

import jax
import jax.numpy as jnp
from jax import lax
from jax.experimental import pallas as pl
from jax.experimental.pallas import tpu as pltpu
from jax.experimental.pallas import tpu_sc as plsc

NC = 2
NS = 16
NW = NC * NS
CH = 128

_F32 = jnp.float32


def _build_deg_kernel(n_nodes, d, n_chunks):
  rows_per_sub = n_nodes // NS
  zr = 32
  assert rows_per_sub % zr == 0 and rows_per_sub % 8 == 0
  chunks_per_sub = -(-n_chunks // NS)
  mesh = plsc.VectorSubcoreMesh(core_axis_name="c", subcore_axis_name="s")

  @functools.partial(
      pl.kernel,
      out_type=jax.ShapeDtypeStruct((NC, n_nodes, d), _F32),
      mesh=mesh,
      scratch_types=(
          [pltpu.VMEM((CH,), jnp.int32) for _ in range(3)] +
          [pltpu.VMEM((CH, d), _F32),
           pltpu.VMEM((zr, d), _F32),
           pltpu.VMEM_SHARED((n_nodes, d), _F32)] +
          [pltpu.SemaphoreType.DMA for _ in range(5)]
      ),
  )
  def deg_kernel(src_hbm, dst_hbm, deg_hbm, *refs):
    idx_v = refs[0:3]
    ones_v = refs[3]
    zb = refs[4]
    deg_sh = refs[5]
    sem_i = refs[6:9]
    sem_s = refs[9:11]

    cid = lax.axis_index("c")
    sid = lax.axis_index("s")
    base = sid * rows_per_sub

    def chunk_of(t):
      return sid + t * NS

    def guard(t, fn, *a):
      @pl.when(chunk_of(t) < n_chunks)
      def _():
        fn(*a)

    def issue_idx(t, bi):
      ch = chunk_of(t)

      @pl.when(cid == 0)
      def _():
        pltpu.async_copy(src_hbm.at[pl.ds(ch * CH, CH)], idx_v[bi], sem_i[bi])

      @pl.when(cid == 1)
      def _():
        pltpu.async_copy(dst_hbm.at[pl.ds(ch * CH, CH)], idx_v[bi], sem_i[bi])

    def issue_scatter(bi, bs):
      pltpu.make_async_copy(src_hbm.at[pl.ds(0, CH)], idx_v[bi], sem_i[bi]).wait()
      pltpu.async_copy(ones_v, deg_sh.at[idx_v[bi]], sem_s[bs], add=True)

    def drain_scatter(bi, bs):
      pltpu.make_async_copy(ones_v, deg_sh.at[idx_v[bi]], sem_s[bs]).wait()

    guard(0, issue_idx, 0, 0)
    guard(1, issue_idx, 1, 1)

    def fill_ones(i, c):
      for j in range(d // 16):
        ones_v[i, pl.ds(j * 16, 16)] = jnp.ones((16,), _F32)
      return c
    lax.fori_loop(0, CH, fill_ones, 0)

    def fill_zb(i, c):
      for j in range(d // 16):
        zb[i, pl.ds(j * 16, 16)] = jnp.zeros((16,), _F32)
      return c
    lax.fori_loop(0, zr, fill_zb, 0)

    def zero_slice(t, c):
      pltpu.sync_copy(zb, deg_sh.at[pl.ds(base + t * zr, zr)])
      return c
    lax.fori_loop(0, rows_per_sub // zr, zero_slice, 0)
    plsc.subcore_barrier()

    def step(t, bi, bs, drain=True):
      guard(t, issue_scatter, bi, bs)
      if drain:
        guard(t - 1, drain_scatter, (bi - 1) % 3, (bs - 1) % 2)
      guard(t + 2, issue_idx, t + 2, (bi + 2) % 3)

    step(0, 0, 0, drain=False)
    step(1, 1, 1)

    def edge_loop(i, c):
      t0 = 2 + i * 6
      for k in range(6):
        t = t0 + k

        @pl.when(chunk_of(t - 1) < n_chunks)
        def _(t=t, k=k):
          step(t, (2 + k) % 3, (2 + k) % 2)
      return c
    nsteps = chunks_per_sub - 1
    lax.fori_loop(0, (nsteps + 5) // 6, edge_loop, 0)
    plsc.subcore_barrier()

    pltpu.sync_copy(deg_sh.at[pl.ds(base, rows_per_sub)],
                    deg_hbm.at[cid, pl.ds(base, rows_per_sub)])

  return deg_kernel


def _build_agg_kernel(n_nodes, d, n_chunks):
  rows_per_sub = n_nodes // NS
  zr = 32
  assert rows_per_sub % zr == 0 and rows_per_sub % 8 == 0
  chunks_per_worker = -(-n_chunks // NW)
  mesh = plsc.VectorSubcoreMesh(core_axis_name="c", subcore_axis_name="s")

  @functools.partial(
      pl.kernel,
      out_type=jax.ShapeDtypeStruct((NC, n_nodes, d), _F32),
      mesh=mesh,
      scratch_types=[
          pltpu.VMEM((CH,), jnp.int32),
          pltpu.VMEM((CH,), jnp.int32),
          pltpu.VMEM((CH,), jnp.int32),
          pltpu.VMEM((CH,), jnp.int32),
          pltpu.VMEM((CH, d), _F32),
          pltpu.VMEM((CH, d), _F32),
          pltpu.VMEM((zr, d), _F32),
          pltpu.VMEM_SHARED((n_nodes, d), _F32),
          pltpu.SemaphoreType.DMA,
          pltpu.SemaphoreType.DMA,
          pltpu.SemaphoreType.DMA,
          pltpu.SemaphoreType.DMA,
      ],
  )
  def agg_kernel(x_hbm, src_hbm, dst_hbm, agg_hbm,
                 idx_s, idx_s2, idx_d, idx_d2, rows_v, rows_v2, zb, acc_sh,
                 sem_a, sem_b, sem_ia, sem_ib):
    cid = lax.axis_index("c")
    sid = lax.axis_index("s")
    wid = sid * NC + cid
    base = sid * rows_per_sub

    def issue_idx(ch, idxb, dstb, sem):
      pltpu.async_copy(src_hbm.at[pl.ds(ch * CH, CH)], idxb, sem)
      pltpu.async_copy(dst_hbm.at[pl.ds(ch * CH, CH)], dstb, sem)

    def wait_idx(idxb, dstb, sem):
      pltpu.make_async_copy(src_hbm.at[pl.ds(0, CH)], idxb, sem).wait()
      pltpu.make_async_copy(src_hbm.at[pl.ds(0, CH)], dstb, sem).wait()

    @pl.when(wid < n_chunks)
    def _():
      issue_idx(wid, idx_s, idx_d, sem_ia)

    @pl.when(wid + NW < n_chunks)
    def _():
      issue_idx(wid + NW, idx_s2, idx_d2, sem_ib)

    def fill_zb(i, c):
      for j in range(d // 16):
        zb[i, pl.ds(j * 16, 16)] = jnp.zeros((16,), _F32)
      return c
    lax.fori_loop(0, zr, fill_zb, 0)

    def zero_slice(t, c):
      pltpu.sync_copy(zb, acc_sh.at[pl.ds(base + t * zr, zr)])
      return c
    lax.fori_loop(0, rows_per_sub // zr, zero_slice, 0)

    @pl.when(wid < n_chunks)
    def _():
      wait_idx(idx_s, idx_d, sem_ia)
      pltpu.async_copy(x_hbm.at[idx_s], rows_v, sem_a)
    plsc.subcore_barrier()

    def step(c0, c1, c2, idxA, dstA, rowsA, semA, semIA,
             idxB, dstB, rowsB, semB, semIB):
      @pl.when(c1 < n_chunks)
      def _():
        wait_idx(idxB, dstB, semIB)
        pltpu.async_copy(x_hbm.at[idxB], rowsB, semB)

      @pl.when(c0 < n_chunks)
      def _():
        pltpu.make_async_copy(x_hbm.at[idxA], rowsA, semA).wait()
        pltpu.sync_copy(rowsA, acc_sh.at[dstA], add=True)

      @pl.when(c2 < n_chunks)
      def _():
        issue_idx(c2, idxA, dstA, semIA)

    def edge_loop(j, c):
      c0 = wid + (2 * j) * NW
      step(c0, c0 + NW, c0 + 2 * NW,
           idx_s, idx_d, rows_v, sem_a, sem_ia,
           idx_s2, idx_d2, rows_v2, sem_b, sem_ib)
      step(c0 + NW, c0 + 2 * NW, c0 + 3 * NW,
           idx_s2, idx_d2, rows_v2, sem_b, sem_ib,
           idx_s, idx_d, rows_v, sem_a, sem_ia)
      return c
    lax.fori_loop(0, (chunks_per_worker + 1) // 2, edge_loop, 0)
    plsc.subcore_barrier()

    pltpu.sync_copy(acc_sh.at[pl.ds(base, rows_per_sub)],
                    agg_hbm.at[cid, pl.ds(base, rows_per_sub)])

  return agg_kernel


def _scale_body(feat_ref, dego_ref, out_ref):
  deg = dego_ref[0, :, 0:1] + 1.0
  out_ref[...] = feat_ref[...] * lax.rsqrt(deg)


def _gelu_exact(x):
  return 0.5 * x * (1.0 + lax.erf(x * (1.0 / math.sqrt(2.0))))


def _mid_body(agg1_ref, xs_ref, deg_ref, w1_ref, b1_ref, w2_ref,
              out_ref):
  a1 = agg1_ref[0] + agg1_ref[1] + xs_ref[...]
  ii = lax.rsqrt(deg_ref[1, :, 0:1] + 1.0)
  oo = lax.rsqrt(deg_ref[0, :, 0:1] + 1.0)
  h = jnp.dot(a1, w1_ref[...], preferred_element_type=_F32) * ii + b1_ref[...]
  h = _gelu_exact(h)
  out_ref[...] = jnp.dot(h * oo, w2_ref[...], preferred_element_type=_F32)


def _final_body(agg2_ref, m2_ref, degi_ref, b2_ref, out_ref):
  ii = lax.rsqrt(degi_ref[0, :, 0:1] + 1.0)
  y = (agg2_ref[0] + agg2_ref[1] + m2_ref[...]) * ii + b2_ref[...]
  nrm = jnp.sqrt(jnp.sum(y * y, axis=1, keepdims=True))
  out_ref[...] = y / jnp.maximum(nrm, 1e-12)


def kernel(features, edge_index, W1, b1, W2, b2):
  n, d_in = features.shape
  d_h = W1.shape[1]
  d_out = W2.shape[1]
  e = edge_index.shape[1]
  assert e % CH == 0 and n % NS == 0
  n_chunks = e // CH

  src1d = edge_index[0]
  dst1d = edge_index[1]
  np_pad = -(-n // (NS * 64)) * (NS * 64)

  deg_k = _build_deg_kernel(np_pad, d_in, n_chunks)
  agg_k = _build_agg_kernel(np_pad, d_in, n_chunks)

  deg_p = deg_k(src1d, dst1d)

  br = 400
  grid = (n // br,)
  dego_spec = pl.BlockSpec((1, br, d_in), lambda i: (0, i, 0))
  degi_spec = pl.BlockSpec((1, br, d_in), lambda i: (1, i, 0))
  degb_spec = pl.BlockSpec((2, br, d_in), lambda i: (0, i, 0))
  row_spec = pl.BlockSpec((br, d_in), lambda i: (i, 0))
  agg_spec = pl.BlockSpec((2, br, d_in), lambda i: (0, i, 0))

  xs = pl.pallas_call(
      _scale_body,
      grid=grid,
      in_specs=[row_spec, dego_spec],
      out_specs=row_spec,
      out_shape=jax.ShapeDtypeStruct((n, d_in), _F32),
  )(features, deg_p)

  agg1_p = agg_k(xs, src1d, dst1d)

  m2 = pl.pallas_call(
      _mid_body,
      grid=grid,
      in_specs=[
          agg_spec,
          row_spec,
          degb_spec,
          pl.BlockSpec((d_in, d_h), lambda i: (0, 0)),
          pl.BlockSpec((1, d_h), lambda i: (0, 0)),
          pl.BlockSpec((d_h, d_out), lambda i: (0, 0)),
      ],
      out_specs=pl.BlockSpec((br, d_out), lambda i: (i, 0)),
      out_shape=jax.ShapeDtypeStruct((n, d_out), _F32),
  )(agg1_p, xs, deg_p, W1, b1.reshape(1, d_h), W2)

  agg2_p = agg_k(m2, src1d, dst1d)

  out = pl.pallas_call(
      _final_body,
      grid=grid,
      in_specs=[
          pl.BlockSpec((2, br, d_out), lambda i: (0, i, 0)),
          pl.BlockSpec((br, d_out), lambda i: (i, 0)),
          degi_spec,
          pl.BlockSpec((1, d_out), lambda i: (0, 0)),
      ],
      out_specs=pl.BlockSpec((br, d_out), lambda i: (i, 0)),
      out_shape=jax.ShapeDtypeStruct((n, d_out), _F32),
  )(agg2_p, m2, deg_p, b2.reshape(1, d_out))

  return out

# --- scband reference (transcript-rebuilt; emitter-appended) ---
"""Pipeline reference for scband-gnn-68547678044223 (READ-ONLY COPY).

The authoritative reference and input builder live on the scoring server;
editing this copy changes nothing except your own understanding.
"""

import jax, jax.numpy as jnp
import numpy as np

N = 10000
E = 320000
D_IN = 128
D_H = 256
D_OUT = 128


def setup_inputs(seed: int = 0) -> dict:
    key = jax.random.key(seed)
    k1, k2, k3, k4, k5, k6 = jax.random.split(key, 6)
    features = jax.random.normal(k1, (N, D_IN), dtype=jnp.float32)
    edge_index = jax.random.randint(k2, (2, E), 0, N, dtype=jnp.int32)
    # GraphConv weights (glorot-ish init) and biases
    W1 = jax.random.normal(k3, (D_IN, D_H), dtype=jnp.float32) * (1.0 / np.sqrt(D_IN))
    b1 = jnp.zeros((D_H,), dtype=jnp.float32)
    W2 = jax.random.normal(k4, (D_H, D_OUT), dtype=jnp.float32) * (1.0 / np.sqrt(D_H))
    b2 = jnp.zeros((D_OUT,), dtype=jnp.float32)
    return {"features": features, "edge_index": edge_index, "W1": W1, "b1": b1, "W2": W2, "b2": b2}


def reference(features, edge_index, W1, b1, W2, b2):
    n = features.shape[0]
    # g = dgl.add_self_loop(g)
    loops = jnp.arange(n, dtype=edge_index.dtype)
    src = jnp.concatenate([edge_index[0], loops])
    dst = jnp.concatenate([edge_index[1], loops])
    # symmetric 'both' normalization as in dgl.nn.GraphConv
    deg_out = jnp.bincount(src, length=n).astype(features.dtype)
    deg_in = jnp.bincount(dst, length=n).astype(features.dtype)
    out_isqrt = jnp.where(deg_out > 0, deg_out ** -0.5, 0.0)
    in_isqrt = jnp.where(deg_in > 0, deg_in ** -0.5, 0.0)

    def conv(x, W, b):
        h = (x * out_isqrt[:, None]) @ W
        agg = jax.ops.segment_sum(h[src], dst, num_segments=n)
        return agg * in_isqrt[:, None] + b

    h = conv(features, W1, b1)
    h = jax.nn.gelu(h, approximate=False)  # torch F.gelu exact
    h = conv(h, W2, b2)
    # F.normalize(h, p=2, dim=1)
    nrm = jnp.linalg.norm(h, axis=1, keepdims=True)
    return h / jnp.maximum(nrm, 1e-12)

if __name__ == "__main__":
    import jax
    _d = setup_inputs()
    print(jax.jit(kernel)(*tuple(_d.values())))

</pallas_src>

<mosaic_0001>
#map = affine_map<(d0, d1) -> (0)>
#map1 = affine_map<(d0, d1) -> (0, 0, 0)>
module attributes {stable_mosaic.version = 14 : i64} {
  func.func @deg_kernel(%arg0: i32, %arg1: i32, %arg2: memref<320000xi32, #tpu.memory_space<hbm>>, %arg3: memref<320000xi32, #tpu.memory_space<hbm>>, %arg4: memref<2x10240x128xf32, #tpu.memory_space<hbm>>, %arg5: memref<128xi32, #tpu.memory_space<vmem>>, %arg6: memref<128xi32, #tpu.memory_space<vmem>>, %arg7: memref<128xi32, #tpu.memory_space<vmem>>, %arg8: memref<128x128xf32, #tpu.memory_space<vmem>>, %arg9: memref<32x128xf32, #tpu.memory_space<vmem>>, %arg10: memref<10240x128xf32, #tpu.memory_space<vmem_shared>>, %arg11: memref<!tpu.dma_semaphore, #tpu.memory_space<semaphore_mem>>, %arg12: memref<!tpu.dma_semaphore, #tpu.memory_space<semaphore_mem>>, %arg13: memref<!tpu.dma_semaphore, #tpu.memory_space<semaphore_mem>>, %arg14: memref<!tpu.dma_semaphore, #tpu.memory_space<semaphore_mem>>, %arg15: memref<!tpu.dma_semaphore, #tpu.memory_space<semaphore_mem>>) attributes {dimension_semantics = [#tpu.dimension_semantics<core_parallel>, #tpu.dimension_semantics<subcore_parallel>], iteration_bounds = array<i64: 2, 16>, scalar_prefetch = 0 : i64, scratch_operands = 11 : i64, tpu.core_type = #tpu.core_type<sc_vector_subcore>, window_params = [{transform_indices = #map}, {transform_indices = #map}, {transform_indices = #map1}]} {
    %mul3A = arith.constant 640 : i32
    %mul3A_0 = arith.muli %arg1, %mul3A : i32
    %add3A = arith.constant 0 : i32
    %add3A_1 = arith.addi %arg1, %add3A : i32
    %lt3A = arith.constant 2500 : i32
    %lt3A_2 = arith.cmpi slt, %add3A_1, %lt3A : i32
    %convert_element_type3A = arith.extui %lt3A_2 : i1 to i32
    %cond3A = arith.constant 0 : i32
    %cond3A_3 = arith.cmpi ne, %convert_element_type3A, %cond3A : i32
    scf.if %cond3A_3 {
      %add3A_70 = arith.constant 0 : i32
      %add3A_71 = arith.addi %arg1, %add3A_70 : i32
      %eq3A = arith.constant 0 : i32
      %eq3A_72 = arith.cmpi eq, %arg0, %eq3A : i32
      %convert_element_type3A_73 = arith.extui %eq3A_72 : i1 to i32
      %cond3A_74 = arith.constant 0 : i32
      %cond3A_75 = arith.cmpi ne, %convert_element_type3A_73, %cond3A_74 : i32
      scf.if %cond3A_75 {
        %mul3A_81 = arith.constant 128 : i32
        %mul3A_82 = arith.muli %add3A_71, %mul3A_81 : i32
        %dma_start3A = tpu.memref_slice %arg2[%mul3A_82] : memref<320000xi32, #tpu.memory_space<hbm>> -> memref<128xi32, #tpu.memory_space<hbm>>
        %dma_start3A_83 = tpu.memref_slice %arg2[%mul3A_82] : memref<320000xi32, #tpu.memory_space<hbm>> -> memref<128xi32, #tpu.memory_space<hbm>>
        tpu.enqueue_dma source(%dma_start3A_83 : memref<128xi32, #tpu.memory_space<hbm>>) target(%arg5 : memref<128xi32, #tpu.memory_space<vmem>>) target_semaphore(%arg11 : memref<!tpu.dma_semaphore, #tpu.memory_space<semaphore_mem>>)
      } else {
      }
      %eq3A_76 = arith.constant 1 : i32
      %eq3A_77 = arith.cmpi eq, %arg0, %eq3A_76 : i32
      %convert_element_type3A_78 = arith.extui %eq3A_77 : i1 to i32
      %cond3A_79 = arith.constant 0 : i32
      %cond3A_80 = arith.cmpi ne, %convert_element_type3A_78, %cond3A_79 : i32
      scf.if %cond3A_80 {
        %mul3A_81 = arith.constant 128 : i32
        %mul3A_82 = arith.muli %add3A_71, %mul3A_81 : i32
        %dma_start3A = tpu.memref_slice %arg3[%mul3A_82] : memref<320000xi32, #tpu.memory_space<hbm>> -> memref<128xi32, #tpu.memory_space<hbm>>
        %dma_start3A_83 = tpu.memref_slice %arg3[%mul3A_82] : memref<320000xi32, #tpu.memory_space<hbm>> -> memref<128xi32, #tpu.memory_space<hbm>>
        tpu.enqueue_dma source(%dma_start3A_83 : memref<128xi32, #tpu.memory_space<hbm>>) target(%arg5 : memref<128xi32, #tpu.memory_space<vmem>>) target_semaphore(%arg11 : memref<!tpu.dma_semaphore, #tpu.memory_space<semaphore_mem>>)
      } else {
      }
    } else {
    }
    %add3A_4 = arith.constant 16 : i32
    %add3A_5 = arith.addi %arg1, %add3A_4 : i32
    %lt3A_6 = arith.constant 2500 : i32
    %lt3A_7 = arith.cmpi slt, %add3A_5, %lt3A_6 : i32
    %convert_element_type3A_8 = arith.extui %lt3A_7 : i1 to i32
    %cond3A_9 = arith.constant 0 : i32
    %cond3A_10 = arith.cmpi ne, %convert_element_type3A_8, %cond3A_9 : i32
    scf.if %cond3A_10 {
      %add3A_70 = arith.constant 16 : i32
      %add3A_71 = arith.addi %arg1, %add3A_70 : i32
      %eq3A = arith.constant 0 : i32
      %eq3A_72 = arith.cmpi eq, %arg0, %eq3A : i32
      %convert_element_type3A_73 = arith.extui %eq3A_72 : i1 to i32
      %cond3A_74 = arith.constant 0 : i32
      %cond3A_75 = arith.cmpi ne, %convert_element_type3A_73, %cond3A_74 : i32
      scf.if %cond3A_75 {
        %mul3A_81 = arith.constant 128 : i32
        %mul3A_82 = arith.muli %add3A_71, %mul3A_81 : i32
        %dma_start3A = tpu.memref_slice %arg2[%mul3A_82] : memref<320000xi32, #tpu.memory_space<hbm>> -> memref<128xi32, #tpu.memory_space<hbm>>
        %dma_start3A_83 = tpu.memref_slice %arg2[%mul3A_82] : memref<320000xi32, #tpu.memory_space<hbm>> -> memref<128xi32, #tpu.memory_space<hbm>>
        tpu.enqueue_dma source(%dma_start3A_83 : memref<128xi32, #tpu.memory_space<hbm>>) target(%arg6 : memref<128xi32, #tpu.memory_space<vmem>>) target_semaphore(%arg12 : memref<!tpu.dma_semaphore, #tpu.memory_space<semaphore_mem>>)
      } else {
      }
      %eq3A_76 = arith.constant 1 : i32
      %eq3A_77 = arith.cmpi eq, %arg0, %eq3A_76 : i32
      %convert_element_type3A_78 = arith.extui %eq3A_77 : i1 to i32
      %cond3A_79 = arith.constant 0 : i32
      %cond3A_80 = arith.cmpi ne, %convert_element_type3A_78, %cond3A_79 : i32
      scf.if %cond3A_80 {
        %mul3A_81 = arith.constant 128 : i32
        %mul3A_82 = arith.muli %add3A_71, %mul3A_81 : i32
        %dma_start3A = tpu.memref_slice %arg3[%mul3A_82] : memref<320000xi32, #tpu.memory_space<hbm>> -> memref<128xi32, #tpu.memory_space<hbm>>
        %dma_start3A_83 = tpu.memref_slice %arg3[%mul3A_82] : memref<320000xi32, #tpu.memory_space<hbm>> -> memref<128xi32, #tpu.memory_space<hbm>>
        tpu.enqueue_dma source(%dma_start3A_83 : memref<128xi32, #tpu.memory_space<hbm>>) target(%arg6 : memref<128xi32, #tpu.memory_space<vmem>>) target_semaphore(%arg12 : memref<!tpu.dma_semaphore, #tpu.memory_space<semaphore_mem>>)
      } else {
      }
    } else {
    }
    %scan3A = arith.constant 0 : i32
    %scan3A_11 = arith.constant 0 : i32
    %scan3A_12 = arith.constant 128 : i32
    %scan3A_13 = arith.addi %scan3A_11, %scan3A_12 : i32
    %scan3A_14 = arith.constant 1 : i32
    scf.for %scan3A_70 = %scan3A_11 to %scan3A_13 step %scan3A_14  : i32 {
      %broadcast_in_dim3A = arith.constant 1.000000e+00 : f32
      %broadcast_in_dim3A_71 = vector.broadcast %broadcast_in_dim3A : f32 to vector<16xf32>
      %swap3A = arith.index_cast %scan3A_70 : i32 to index
      %swap3A_72 = arith.constant 0 : index
      %swap3A_73 = tpu.vector_load %arg8[%swap3A, %swap3A_72] {strides = array<i32>} : memref<128x128xf32, #tpu.memory_space<vmem>>, vector<1x16xf32>,
      %swap3A_74 = vector.shape_cast %swap3A_73 : vector<1x16xf32> to vector<16xf32>
      %swap3A_75 = vector.shape_cast %broadcast_in_dim3A_71 : vector<16xf32> to vector<1x16xf32>
      tpu.vector_store %arg8[%swap3A, %swap3A_72], %swap3A_75 {strides = array<i32>} : memref<128x128xf32, #tpu.memory_space<vmem>>, vector<1x16xf32>,
      %broadcast_in_dim3A_76 = arith.constant 1.000000e+00 : f32
      %broadcast_in_dim3A_77 = vector.broadcast %broadcast_in_dim3A_76 : f32 to vector<16xf32>
      %swap3A_78 = arith.index_cast %scan3A_70 : i32 to index
      %swap3A_79 = arith.constant 16 : index
      %swap3A_80 = tpu.vector_load %arg8[%swap3A_78, %swap3A_79] {strides = array<i32>} : memref<128x128xf32, #tpu.memory_space<vmem>>, vector<1x16xf32>,
      %swap3A_81 = vector.shape_cast %swap3A_80 : vector<1x16xf32> to vector<16xf32>
      %swap3A_82 = vector.shape_cast %broadcast_in_dim3A_77 : vector<16xf32> to vector<1x16xf32>
      tpu.vector_store %arg8[%swap3A_78, %swap3A_79], %swap3A_82 {strides = array<i32>} : memref<128x128xf32, #tpu.memory_space<vmem>>, vector<1x16xf32>,
      %broadcast_in_dim3A_83 = arith.constant 1.000000e+00 : f32
      %broadcast_in_dim3A_84 = vector.broadcast %broadcast_in_dim3A_83 : f32 to vector<16xf32>
      %swap3A_85 = arith.index_cast %scan3A_70 : i32 to index
      %swap3A_86 = arith.constant 32 : index
      %swap3A_87 = tpu.vector_load %arg8[%swap3A_85, %swap3A_86] {strides = array<i32>} : memref<128x128xf32, #tpu.memory_space<vmem>>, vector<1x16xf32>,
      %swap3A_88 = vector.shape_cast %swap3A_87 : vector<1x16xf32> to vector<16xf32>
      %swap3A_89 = vector.shape_cast %broadcast_in_dim3A_84 : vector<16xf32> to vector<1x16xf32>
      tpu.vector_store %arg8[%swap3A_85, %swap3A_86], %swap3A_89 {strides = array<i32>} : memref<128x128xf32, #tpu.memory_space<vmem>>, vector<1x16xf32>,
      %broadcast_in_dim3A_90 = arith.constant 1.000000e+00 : f32
      %broadcast_in_dim3A_91 = vector.broadcast %broadcast_in_dim3A_90 : f32 to vector<16xf32>
      %swap3A_92 = arith.index_cast %scan3A_70 : i32 to index
      %swap3A_93 = arith.constant 48 : index
      %swap3A_94 = tpu.vector_load %arg8[%swap3A_92, %swap3A_93] {strides = array<i32>} : memref<128x128xf32, #tpu.memory_space<vmem>>, vector<1x16xf32>,
      %swap3A_95 = vector.shape_cast %swap3A_94 : vector<1x16xf32> to vector<16xf32>
      %swap3A_96 = vector.shape_cast %broadcast_in_dim3A_91 : vector<16xf32> to vector<1x16xf32>
      tpu.vector_store %arg8[%swap3A_92, %swap3A_93], %swap3A_96 {strides = array<i32>} : memref<128x128xf32, #tpu.memory_space<vmem>>, vector<1x16xf32>,
      %broadcast_in_dim3A_97 = arith.constant 1.000000e+00 : f32
      %broadcast_in_dim3A_98 = vector.broadcast %broadcast_in_dim3A_97 : f32 to vector<16xf32>
      %swap3A_99 = arith.index_cast %scan3A_70 : i32 to index
      %swap3A_100 = arith.constant 64 : index
      %swap3A_101 = tpu.vector_load %arg8[%swap3A_99, %swap3A_100] {strides = array<i32>} : memref<128x128xf32, #tpu.memory_space<vmem>>, vector<1x16xf32>,
      %swap3A_102 = vector.shape_cast %swap3A_101 : vector<1x16xf32> to vector<16xf32>
      %swap3A_103 = vector.shape_cast %broadcast_in_dim3A_98 : vector<16xf32> to vector<1x16xf32>
      tpu.vector_store %arg8[%swap3A_99, %swap3A_100], %swap3A_103 {strides = array<i32>} : memref<128x128xf32, #tpu.memory_space<vmem>>, vector<1x16xf32>,
      %broadcast_in_dim3A_104 = arith.constant 1.000000e+00 : f32
      %broadcast_in_dim3A_105 = vector.broadcast %broadcast_in_dim3A_104 : f32 to vector<16xf32>
      %swap3A_106 = arith.index_cast %scan3A_70 : i32 to index
      %swap3A_107 = arith.constant 80 : index
      %swap3A_108 = tpu.vector_load %arg8[%swap3A_106, %swap3A_107] {strides = array<i32>} : memref<128x128xf32, #tpu.memory_space<vmem>>, vector<1x16xf32>,
      %swap3A_109 = vector.shape_cast %swap3A_108 : vector<1x16xf32> to vector<16xf32>
      %swap3A_110 = vector.shape_cast %broadcast_in_dim3A_105 : vector<16xf32> to vector<1x16xf32>
      tpu.vector_store %arg8[%swap3A_106, %swap3A_107], %swap3A_110 {strides = array<i32>} : memref<128x128xf32, #tpu.memory_space<vmem>>, vector<1x16xf32>,
      %broadcast_in_dim3A_111 = arith.constant 1.000000e+00 : f32
      %broadcast_in_dim3A_112 = vector.broadcast %broadcast_in_dim3A_111 : f32 to vector<16xf32>
      %swap3A_113 = arith.index_cast %scan3A_70 : i32 to index
      %swap3A_114 = arith.constant 96 : index
      %swap3A_115 = tpu.vector_load %arg8[%swap3A_113, %swap3A_114] {strides = array<i32>} : memref<128x128xf32, #tpu.memory_space<vmem>>, vector<1x16xf32>,
      %swap3A_116 = vector.shape_cast %swap3A_115 : vector<1x16xf32> to vector<16xf32>
      %swap3A_117 = vector.shape_cast %broadcast_in_dim3A_112 : vector<16xf32> to vector<1x16xf32>
      tpu.vector_store %arg8[%swap3A_113, %swap3A_114], %swap3A_117 {strides = array<i32>} : memref<128x128xf32, #tpu.memory_space<vmem>>, vector<1x16xf32>,
      %broadcast_in_dim3A_118 = arith.constant 1.000000e+00 : f32
      %broadcast_in_dim3A_119 = vector.broadcast %broadcast_in_dim3A_118 : f32 to vector<16xf32>
      %swap3A_120 = arith.index_cast %scan3A_70 : i32 to index
      %swap3A_121 = arith.constant 112 : index
      %swap3A_122 = tpu.vector_load %arg8[%swap3A_120, %swap3A_121] {strides = array<i32>} : memref<128x128xf32, #tpu.memory_space<vmem>>, vector<1x16xf32>,
      %swap3A_123 = vector.shape_cast %swap3A_122 : vector<1x16xf32> to vector<16xf32>
      %swap3A_124 = vector.shape_cast %broadcast_in_dim3A_119 : vector<16xf32> to vector<1x16xf32>
      tpu.vector_store %arg8[%swap3A_120, %swap3A_121], %swap3A_124 {strides = array<i32>} : memref<128x128xf32, #tpu.memory_space<vmem>>, vector<1x16xf32>,
    }
    %scan3A_15 = arith.constant 128 : i32
    %scan3A_16 = arith.constant 0 : i32
    %scan3A_17 = arith.constant 0 : i32
    %scan3A_18 = arith.constant 32 : i32
    %scan3A_19 = arith.addi %scan3A_17, %scan3A_18 : i32
    %scan3A_20 = arith.constant 1 : i32
    scf.for %scan3A_70 = %scan3A_17 to %scan3A_19 step %scan3A_20  : i32 {
      %broadcast_in_dim3A = arith.constant 0.000000e+00 : f32
      %broadcast_in_dim3A_71 = vector.broadcast %broadcast_in_dim3A : f32 to vector<16xf32>
      %swap3A = arith.index_cast %scan3A_70 : i32 to index
      %swap3A_72 = arith.constant 0 : index
      %swap3A_73 = tpu.vector_load %arg9[%swap3A, %swap3A_72] {strides = array<i32>} : memref<32x128xf32, #tpu.memory_space<vmem>>, vector<1x16xf32>,
      %swap3A_74 = vector.shape_cast %swap3A_73 : vector<1x16xf32> to vector<16xf32>
      %swap3A_75 = vector.shape_cast %broadcast_in_dim3A_71 : vector<16xf32> to vector<1x16xf32>
      tpu.vector_store %arg9[%swap3A, %swap3A_72], %swap3A_75 {strides = array<i32>} : memref<32x128xf32, #tpu.memory_space<vmem>>, vector<1x16xf32>,
      %broadcast_in_dim3A_76 = arith.constant 0.000000e+00 : f32
      %broadcast_in_dim3A_77 = vector.broadcast %broadcast_in_dim3A_76 : f32 to vector<16xf32>
      %swap3A_78 = arith.index_cast %scan3A_70 : i32 to index
      %swap3A_79 = arith.constant 16 : index
      %swap3A_80 = tpu.vector_load %arg9[%swap3A_78, %swap3A_79] {strides = array<i32>} : memref<32x128xf32, #tpu.memory_space<vmem>>, vector<1x16xf32>,
      %swap3A_81 = vector.shape_cast %swap3A_80 : vector<1x16xf32> to vector<16xf32>
      %swap3A_82 = vector.shape_cast %broadcast_in_dim3A_77 : vector<16xf32> to vector<1x16xf32>
      tpu.vector_store %arg9[%swap3A_78, %swap3A_79], %swap3A_82 {strides = array<i32>} : memref<32x128xf32, #tpu.memory_space<vmem>>, vector<1x16xf32>,
      %broadcast_in_dim3A_83 = arith.constant 0.000000e+00 : f32
      %broadcast_in_dim3A_84 = vector.broadcast %broadcast_in_dim3A_83 : f32 to vector<16xf32>
      %swap3A_85 = arith.index_cast %scan3A_70 : i32 to index
      %swap3A_86 = arith.constant 32 : index
      %swap3A_87 = tpu.vector_load %arg9[%swap3A_85, %swap3A_86] {strides = array<i32>} : memref<32x128xf32, #tpu.memory_space<vmem>>, vector<1x16xf32>,
      %swap3A_88 = vector.shape_cast %swap3A_87 : vector<1x16xf32> to vector<16xf32>
      %swap3A_89 = vector.shape_cast %broadcast_in_dim3A_84 : vector<16xf32> to vector<1x16xf32>
      tpu.vector_store %arg9[%swap3A_85, %swap3A_86], %swap3A_89 {strides = array<i32>} : memref<32x128xf32, #tpu.memory_space<vmem>>, vector<1x16xf32>,
      %broadcast_in_dim3A_90 = arith.constant 0.000000e+00 : f32
      %broadcast_in_dim3A_91 = vector.broadcast %broadcast_in_dim3A_90 : f32 to vector<16xf32>
      %swap3A_92 = arith.index_cast %scan3A_70 : i32 to index
      %swap3A_93 = arith.constant 48 : index
      %swap3A_94 = tpu.vector_load %arg9[%swap3A_92, %swap3A_93] {strides = array<i32>} : memref<32x128xf32, #tpu.memory_space<vmem>>, vector<1x16xf32>,
      %swap3A_95 = vector.shape_cast %swap3A_94 : vector<1x16xf32> to vector<16xf32>
      %swap3A_96 = vector.shape_cast %broadcast_in_dim3A_91 : vector<16xf32> to vector<1x16xf32>
      tpu.vector_store %arg9[%swap3A_92, %swap3A_93], %swap3A_96 {strides = array<i32>} : memref<32x128xf32, #tpu.memory_space<vmem>>, vector<1x16xf32>,
      %broadcast_in_dim3A_97 = arith.constant 0.000000e+00 : f32
      %broadcast_in_dim3A_98 = vector.broadcast %broadcast_in_dim3A_97 : f32 to vector<16xf32>
      %swap3A_99 = arith.index_cast %scan3A_70 : i32 to index
      %swap3A_100 = arith.constant 64 : index
      %swap3A_101 = tpu.vector_load %arg9[%swap3A_99, %swap3A_100] {strides = array<i32>} : memref<32x128xf32, #tpu.memory_space<vmem>>, vector<1x16xf32>,
      %swap3A_102 = vector.shape_cast %swap3A_101 : vector<1x16xf32> to vector<16xf32>
      %swap3A_103 = vector.shape_cast %broadcast_in_dim3A_98 : vector<16xf32> to vector<1x16xf32>
      tpu.vector_store %arg9[%swap3A_99, %swap3A_100], %swap3A_103 {strides = array<i32>} : memref<32x128xf32, #tpu.memory_space<vmem>>, vector<1x16xf32>,
      %broadcast_in_dim3A_104 = arith.constant 0.000000e+00 : f32
      %broadcast_in_dim3A_105 = vector.broadcast %broadcast_in_dim3A_104 : f32 to vector<16xf32>
      %swap3A_106 = arith.index_cast %scan3A_70 : i32 to index
      %swap3A_107 = arith.constant 80 : index
      %swap3A_108 = tpu.vector_load %arg9[%swap3A_106, %swap3A_107] {strides = array<i32>} : memref<32x128xf32, #tpu.memory_space<vmem>>, vector<1x16xf32>,
      %swap3A_109 = vector.shape_cast %swap3A_108 : vector<1x16xf32> to vector<16xf32>
      %swap3A_110 = vector.shape_cast %broadcast_in_dim3A_105 : vector<16xf32> to vector<1x16xf32>
      tpu.vector_store %arg9[%swap3A_106, %swap3A_107], %swap3A_110 {strides = array<i32>} : memref<32x128xf32, #tpu.memory_space<vmem>>, vector<1x16xf32>,
      %broadcast_in_dim3A_111 = arith.constant 0.000000e+00 : f32
      %broadcast_in_dim3A_112 = vector.broadcast %broadcast_in_dim3A_111 : f32 to vector<16xf32>
      %swap3A_113 = arith.index_cast %scan3A_70 : i32 to index
      %swap3A_114 = arith.constant 96 : index
      %swap3A_115 = tpu.vector_load %arg9[%swap3A_113, %swap3A_114] {strides = array<i32>} : memref<32x128xf32, #tpu.memory_space<vmem>>, vector<1x16xf32>,
      %swap3A_116 = vector.shape_cast %swap3A_115 : vector<1x16xf32> to vector<16xf32>
      %swap3A_117 = vector.shape_cast %broadcast_in_dim3A_112 : vector<16xf32> to vector<1x16xf32>
      tpu.vector_store %arg9[%swap3A_113, %swap3A_114], %swap3A_117 {strides = array<i32>} : memref<32x128xf32, #tpu.memory_space<vmem>>, vector<1x16xf32>,
      %broadcast_in_dim3A_118 = arith.constant 0.000000e+00 : f32
      %broadcast_in_dim3A_119 = vector.broadcast %broadcast_in_dim3A_118 : f32 to vector<16xf32>
      %swap3A_120 = arith.index_cast %scan3A_70 : i32 to index
      %swap3A_121 = arith.constant 112 : index
      %swap3A_122 = tpu.vector_load %arg9[%swap3A_120, %swap3A_121] {strides = array<i32>} : memref<32x128xf32, #tpu.memory_space<vmem>>, vector<1x16xf32>,
      %swap3A_123 = vector.shape_cast %swap3A_122 : vector<1x16xf32> to vector<16xf32>
      %swap3A_124 = vector.shape_cast %broadcast_in_dim3A_119 : vector<16xf32> to vector<1x16xf32>
      tpu.vector_store %arg9[%swap3A_120, %swap3A_121], %swap3A_124 {strides = array<i32>} : memref<32x128xf32, #tpu.memory_space<vmem>>, vector<1x16xf32>,
    }
    %scan3A_21 = arith.constant 32 : i32
    %scan3A_22 = arith.constant 0 : i32
    %scan3A_23 = arith.constant 0 : i32
    %scan3A_24 = arith.constant 20 : i32
    %scan3A_25 = arith.addi %scan3A_23, %scan3A_24 : i32
    %scan3A_26 = arith.constant 1 : i32
    scf.for %scan3A_70 = %scan3A_23 to %scan3A_25 step %scan3A_26  : i32 {
      %mul3A_71 = arith.constant 32 : i32
      %mul3A_72 = arith.muli %scan3A_70, %mul3A_71 : i32
      %add3A_73 = arith.addi %mul3A_0, %mul3A_72 : i32
      "tpu.region"() ({
        %run_scoped3A = tpu.sem_alloc : memref<!tpu.dma_semaphore, #tpu.memory_space<semaphore_mem>>
        %dma_start3A = arith.constant 0 : i32
        %dma_start3A_74 = tpu.memref_slice %arg10[%add3A_73, %dma_start3A] : memref<10240x128xf32, #tpu.memory_space<vmem_shared>> -> memref<32x128xf32, #tpu.memory_space<vmem_shared>>
        %dma_start3A_75 = arith.constant 0 : i32
        %dma_start3A_76 = tpu.memref_slice %arg10[%add3A_73, %dma_start3A_75] : memref<10240x128xf32, #tpu.memory_space<vmem_shared>> -> memref<32x128xf32, #tpu.memory_space<vmem_shared>>
        tpu.enqueue_dma source(%arg9 : memref<32x128xf32, #tpu.memory_space<vmem>>) target(%dma_start3A_76 : memref<32x128xf32, #tpu.memory_space<vmem_shared>>) target_semaphore(%run_scoped3A : memref<!tpu.dma_semaphore, #tpu.memory_space<semaphore_mem>>)
        %dma_wait3A = arith.constant 0 : i32
        %dma_wait3A_77 = tpu.memref_slice %arg10[%add3A_73, %dma_wait3A] : memref<10240x128xf32, #tpu.memory_space<vmem_shared>> -> memref<32x128xf32, #tpu.memory_space<vmem_shared>>
        %dma_wait3A_78 = arith.constant 0 : i32
        %dma_wait3A_79 = tpu.memref_slice %arg10[%add3A_73, %dma_wait3A_78] : memref<10240x128xf32, #tpu.memory_space<vmem_shared>> -> memref<32x128xf32, #tpu.memory_space<vmem_shared>>
        tpu.wait_dma2 semaphore(%run_scoped3A : memref<!tpu.dma_semaphore, #tpu.memory_space<semaphore_mem>>) src(%arg9 : memref<32x128xf32, #tpu.memory_space<vmem>>) dst(%dma_wait3A_79 : memref<32x128xf32, #tpu.memory_space<vmem_shared>>)
        tpu.yield
      }) : () -> ()
    }
    %scan3A_27 = arith.constant 20 : i32
    %barrier3A = arith.constant 0 : index
    tpu.barrier barrier_id(%barrier3A)
    %add3A_28 = arith.constant 0 : i32
    %add3A_29 = arith.addi %arg1, %add3A_28 : i32
    %lt3A_30 = arith.constant 2500 : i32
    %lt3A_31 = arith.cmpi slt, %add3A_29, %lt3A_30 : i32
    %convert_element_type3A_32 = arith.extui %lt3A_31 : i1 to i32
    %cond3A_33 = arith.constant 0 : i32
    %cond3A_34 = arith.cmpi ne, %convert_element_type3A_32, %cond3A_33 : i32
    scf.if %cond3A_34 {
      %dma_wait3A = arith.constant 0 : i32
      %dma_wait3A_70 = tpu.memref_slice %arg2[%dma_wait3A] : memref<320000xi32, #tpu.memory_space<hbm>> -> memref<128xi32, #tpu.memory_space<hbm>>
      %dma_wait3A_71 = arith.constant 0 : i32
      %dma_wait3A_72 = tpu.memref_slice %arg2[%dma_wait3A_71] : memref<320000xi32, #tpu.memory_space<hbm>> -> memref<128xi32, #tpu.memory_space<hbm>>
      tpu.wait_dma2 semaphore(%arg11 : memref<!tpu.dma_semaphore, #tpu.memory_space<semaphore_mem>>) src(%dma_wait3A_72 : memref<128xi32, #tpu.memory_space<hbm>>) dst(%arg5 : memref<128xi32, #tpu.memory_space<vmem>>)
      %dma_start3A = arith.constant 0 : i32
      %dma_start3A_73 = arith.constant 0 : i32
      %dma_start3A_74 = tpu.memref_slice %arg10[%dma_start3A, %dma_start3A_73] : memref<10240x128xf32, #tpu.memory_space<vmem_shared>> -> memref<10240x128xf32, #tpu.memory_space<vmem_shared>>
      tpu.enqueue_indirect_dma source(%arg8 : memref<128x128xf32, #tpu.memory_space<vmem>>) target(%dma_start3A_74 : memref<10240x128xf32, #tpu.memory_space<vmem_shared>>) offsets(%arg5 : memref<128xi32, #tpu.memory_space<vmem>>) semaphore(%arg14 : memref<!tpu.dma_semaphore, #tpu.memory_space<semaphore_mem>>) {add = true}
    } else {
    }
    %add3A_35 = arith.constant 32 : i32
    %add3A_36 = arith.addi %arg1, %add3A_35 : i32
    %lt3A_37 = arith.constant 2500 : i32
    %lt3A_38 = arith.cmpi slt, %add3A_36, %lt3A_37 : i32
    %convert_element_type3A_39 = arith.extui %lt3A_38 : i1 to i32
    %cond3A_40 = arith.constant 0 : i32
    %cond3A_41 = arith.cmpi ne, %convert_element_type3A_39, %cond3A_40 : i32
    scf.if %cond3A_41 {
      %add3A_70 = arith.constant 32 : i32
      %add3A_71 = arith.addi %arg1, %add3A_70 : i32
      %eq3A = arith.constant 0 : i32
      %eq3A_72 = arith.cmpi eq, %arg0, %eq3A : i32
      %convert_element_type3A_73 = arith.extui %eq3A_72 : i1 to i32
      %cond3A_74 = arith.constant 0 : i32
      %cond3A_75 = arith.cmpi ne, %convert_element_type3A_73, %cond3A_74 : i32
      scf.if %cond3A_75 {
        %mul3A_81 = arith.constant 128 : i32
        %mul3A_82 = arith.muli %add3A_71, %mul3A_81 : i32
        %dma_start3A = tpu.memref_slice %arg2[%mul3A_82] : memref<320000xi32, #tpu.memory_space<hbm>> -> memref<128xi32, #tpu.memory_space<hbm>>
        %dma_start3A_83 = tpu.memref_slice %arg2[%mul3A_82] : memref<320000xi32, #tpu.memory_space<hbm>> -> memref<128xi32, #tpu.memory_space<hbm>>
        tpu.enqueue_dma source(%dma_start3A_83 : memref<128xi32, #tpu.memory_space<hbm>>) target(%arg7 : memref<128xi32, #tpu.memory_space<vmem>>) target_semaphore(%arg13 : memref<!tpu.dma_semaphore, #tpu.memory_space<semaphore_mem>>)
      } else {
      }
      %eq3A_76 = arith.constant 1 : i32
      %eq3A_77 = arith.cmpi eq, %arg0, %eq3A_76 : i32
      %convert_element_type3A_78 = arith.extui %eq3A_77 : i1 to i32
      %cond3A_79 = arith.constant 0 : i32
      %cond3A_80 = arith.cmpi ne, %convert_element_type3A_78, %cond3A_79 : i32
      scf.if %cond3A_80 {
        %mul3A_81 = arith.constant 128 : i32
        %mul3A_82 = arith.muli %add3A_71, %mul3A_81 : i32
        %dma_start3A = tpu.memref_slice %arg3[%mul3A_82] : memref<320000xi32, #tpu.memory_space<hbm>> -> memref<128xi32, #tpu.memory_space<hbm>>
        %dma_start3A_83 = tpu.memref_slice %arg3[%mul3A_82] : memref<320000xi32, #tpu.memory_space<hbm>> -> memref<128xi32, #tpu.memory_space<hbm>>
        tpu.enqueue_dma source(%dma_start3A_83 : memref<128xi32, #tpu.memory_space<hbm>>) target(%arg7 : memref<128xi32, #tpu.memory_space<vmem>>) target_semaphore(%arg13 : memref<!tpu.dma_semaphore, #tpu.memory_space<semaphore_mem>>)
      } else {
      }
    } else {
    }
    %add3A_42 = arith.constant 16 : i32
    %add3A_43 = arith.addi %arg1, %add3A_42 : i32
    %lt3A_44 = arith.constant 2500 : i32
    %lt3A_45 = arith.cmpi slt, %add3A_43, %lt3A_44 : i32
    %convert_element_type3A_46 = arith.extui %lt3A_45 : i1 to i32
    %cond3A_47 = arith.constant 0 : i32
    %cond3A_48 = arith.cmpi ne, %convert_element_type3A_46, %cond3A_47 : i32
    scf.if %cond3A_48 {
      %dma_wait3A = arith.constant 0 : i32
      %dma_wait3A_70 = tpu.memref_slice %arg2[%dma_wait3A] : memref<320000xi32, #tpu.memory_space<hbm>> -> memref<128xi32, #tpu.memory_space<hbm>>
      %dma_wait3A_71 = arith.constant 0 : i32
      %dma_wait3A_72 = tpu.memref_slice %arg2[%dma_wait3A_71] : memref<320000xi32, #tpu.memory_space<hbm>> -> memref<128xi32, #tpu.memory_space<hbm>>
      tpu.wait_dma2 semaphore(%arg12 : memref<!tpu.dma_semaphore, #tpu.memory_space<semaphore_mem>>) src(%dma_wait3A_72 : memref<128xi32, #tpu.memory_space<hbm>>) dst(%arg6 : memref<128xi32, #tpu.memory_space<vmem>>)
      %dma_start3A = arith.constant 0 : i32
      %dma_start3A_73 = arith.constant 0 : i32
      %dma_start3A_74 = tpu.memref_slice %arg10[%dma_start3A, %dma_start3A_73] : memref<10240x128xf32, #tpu.memory_space<vmem_shared>> -> memref<10240x128xf32, #tpu.memory_space<vmem_shared>>
      tpu.enqueue_indirect_dma source(%arg8 : memref<128x128xf32, #tpu.memory_space<vmem>>) target(%dma_start3A_74 : memref<10240x128xf32, #tpu.memory_space<vmem_shared>>) offsets(%arg6 : memref<128xi32, #tpu.memory_space<vmem>>) semaphore(%arg15 : memref<!tpu.dma_semaphore, #tpu.memory_space<semaphore_mem>>) {add = true}
    } else {
    }
    %add3A_49 = arith.constant 0 : i32
    %add3A_50 = arith.addi %arg1, %add3A_49 : i32
    %lt3A_51 = arith.constant 2500 : i32
    %lt3A_52 = arith.cmpi slt, %add3A_50, %lt3A_51 : i32
    %convert_element_type3A_53 = arith.extui %lt3A_52 : i1 to i32
    %cond3A_54 = arith.constant 0 : i32
    %cond3A_55 = arith.cmpi ne, %convert_element_type3A_53, %cond3A_54 : i32
    scf.if %cond3A_55 {
      %dma_wait3A = arith.constant 0 : i32
      %dma_wait3A_70 = arith.constant 0 : i32
      %dma_wait3A_71 = tpu.memref_slice %arg10[%dma_wait3A, %dma_wait3A_70] : memref<10240x128xf32, #tpu.memory_space<vmem_shared>> -> memref<10240x128xf32, #tpu.memory_space<vmem_shared>>
      tpu.wait_indirect_dma semaphore(%arg14 : memref<!tpu.dma_semaphore, #tpu.memory_space<semaphore_mem>>) src(%arg8 : memref<128x128xf32, #tpu.memory_space<vmem>>) dst(%dma_wait3A_71 : memref<10240x128xf32, #tpu.memory_space<vmem_shared>>)
    } else {
    }
    %add3A_56 = arith.constant 48 : i32
    %add3A_57 = arith.addi %arg1, %add3A_56 : i32
    %lt3A_58 = arith.constant 2500 : i32
    %lt3A_59 = arith.cmpi slt, %add3A_57, %lt3A_58 : i32
    %convert_element_type3A_60 = arith.extui %lt3A_59 : i1 to i32
    %cond3A_61 = arith.constant 0 : i32
    %cond3A_62 = arith.cmpi ne, %convert_element_type3A_60, %cond3A_61 : i32
    scf.if %cond3A_62 {
      %add3A_70 = arith.constant 48 : i32
      %add3A_71 = arith.addi %arg1, %add3A_70 : i32
      %eq3A = arith.constant 0 : i32
      %eq3A_72 = arith.cmpi eq, %arg0, %eq3A : i32
      %convert_element_type3A_73 = arith.extui %eq3A_72 : i1 to i32
      %cond3A_74 = arith.constant 0 : i32
      %cond3A_75 = arith.cmpi ne, %convert_element_type3A_73, %cond3A_74 : i32
      scf.if %cond3A_75 {
        %mul3A_81 = arith.constant 128 : i32
        %mul3A_82 = arith.muli %add3A_71, %mul3A_81 : i32
        %dma_start3A = tpu.memref_slice %arg2[%mul3A_82] : memref<320000xi32, #tpu.memory_space<hbm>> -> memref<128xi32, #tpu.memory_space<hbm>>
        %dma_start3A_83 = tpu.memref_slice %arg2[%mul3A_82] : memref<320000xi32, #tpu.memory_space<hbm>> -> memref<128xi32, #tpu.memory_space<hbm>>
        tpu.enqueue_dma source(%dma_start3A_83 : memref<128xi32, #tpu.memory_space<hbm>>) target(%arg5 : memref<128xi32, #tpu.memory_space<vmem>>) target_semaphore(%arg11 : memref<!tpu.dma_semaphore, #tpu.memory_space<semaphore_mem>>)
      } else {
      }
      %eq3A_76 = arith.constant 1 : i32
      %eq3A_77 = arith.cmpi eq, %arg0, %eq3A_76 : i32
      %convert_element_type3A_78 = arith.extui %eq3A_77 : i1 to i32
      %cond3A_79 = arith.constant 0 : i32
      %cond3A_80 = arith.cmpi ne, %convert_element_type3A_78, %cond3A_79 : i32
      scf.if %cond3A_80 {
        %mul3A_81 = arith.constant 128 : i32
        %mul3A_82 = arith.muli %add3A_71, %mul3A_81 : i32
        %dma_start3A = tpu.memref_slice %arg3[%mul3A_82] : memref<320000xi32, #tpu.memory_space<hbm>> -> memref<128xi32, #tpu.memory_space<hbm>>
        %dma_start3A_83 = tpu.memref_slice %arg3[%mul3A_82] : memref<320000xi32, #tpu.memory_space<hbm>> -> memref<128xi32, #tpu.memory_space<hbm>>
        tpu.enqueue_dma source(%dma_start3A_83 : memref<128xi32, #tpu.memory_space<hbm>>) target(%arg5 : memref<128xi32, #tpu.memory_space<vmem>>) target_semaphore(%arg11 : memref<!tpu.dma_semaphore, #tpu.memory_space<semaphore_mem>>)
      } else {
      }
    } else {
    }
    %scan3A_63 = arith.constant 0 : i32
    %scan3A_64 = arith.constant 0 : i32
    %scan3A_65 = arith.constant 26 : i32
    %scan3A_66 = arith.addi %scan3A_64, %scan3A_65 : i32
    %scan3A_67 = arith.constant 1 : i32
    scf.for %scan3A_70 = %scan3A_64 to %scan3A_66 step %scan3A_67  : i32 {
      %mul3A_71 = arith.constant 6 : i32
      %mul3A_72 = arith.muli %scan3A_70, %mul3A_71 : i32
      %add3A_73 = arith.constant 2 : i32
      %add3A_74 = arith.addi %add3A_73, %mul3A_72 : i32
      %add3A_75 = arith.constant 0 : i32
      %add3A_76 = arith.addi %add3A_74, %add3A_75 : i32
      %sub3A = arith.constant 1 : i32
      %sub3A_77 = arith.subi %add3A_76, %sub3A : i32
      %mul3A_78 = arith.constant 16 : i32
      %mul3A_79 = arith.muli %sub3A_77, %mul3A_78 : i32
      %add3A_80 = arith.addi %arg1, %mul3A_79 : i32
      %lt3A_81 = arith.constant 2500 : i32
      %lt3A_82 = arith.cmpi slt, %add3A_80, %lt3A_81 : i32
      %convert_element_type3A_83 = arith.extui %lt3A_82 : i1 to i32
      %cond3A_84 = arith.constant 0 : i32
      %cond3A_85 = arith.cmpi ne, %convert_element_type3A_83, %cond3A_84 : i32
      scf.if %cond3A_85 {
        %mul3A_146 = arith.constant 16 : i32
        %mul3A_147 = arith.muli %add3A_76, %mul3A_146 : i32
        %add3A_148 = arith.addi %arg1, %mul3A_147 : i32
        %lt3A_149 = arith.constant 2500 : i32
        %lt3A_150 = arith.cmpi slt, %add3A_148, %lt3A_149 : i32
        %convert_element_type3A_151 = arith.extui %lt3A_150 : i1 to i32
        %cond3A_152 = arith.constant 0 : i32
        %cond3A_153 = arith.cmpi ne, %convert_element_type3A_151, %cond3A_152 : i32
        scf.if %cond3A_153 {
          %dma_wait3A = arith.constant 0 : i32
          %dma_wait3A_176 = tpu.memref_slice %arg2[%dma_wait3A] : memref<320000xi32, #tpu.memory_space<hbm>> -> memref<128xi32, #tpu.memory_space<hbm>>
          %dma_wait3A_177 = arith.constant 0 : i32
          %dma_wait3A_178 = tpu.memref_slice %arg2[%dma_wait3A_177] : memref<320000xi32, #tpu.memory_space<hbm>> -> memref<128xi32, #tpu.memory_space<hbm>>
          tpu.wait_dma2 semaphore(%arg13 : memref<!tpu.dma_semaphore, #tpu.memory_space<semaphore_mem>>) src(%dma_wait3A_178 : memref<128xi32, #tpu.memory_space<hbm>>) dst(%arg7 : memref<128xi32, #tpu.memory_space<vmem>>)
          %dma_start3A = arith.constant 0 : i32
          %dma_start3A_179 = arith.constant 0 : i32
          %dma_start3A_180 = tpu.memref_slice %arg10[%dma_start3A, %dma_start3A_179] : memref<10240x128xf32, #tpu.memory_space<vmem_shared>> -> memref<10240x128xf32, #tpu.memory_space<vmem_shared>>
          tpu.enqueue_indirect_dma source(%arg8 : memref<128x128xf32, #tpu.memory_space<vmem>>) target(%dma_start3A_180 : memref<10240x128xf32, #tpu.memory_space<vmem_shared>>) offsets(%arg7 : memref<128xi32, #tpu.memory_space<vmem>>) semaphore(%arg14 : memref<!tpu.dma_semaphore, #tpu.memory_space<semaphore_mem>>) {add = true}
        } else {
        }
        %sub3A_154 = arith.constant 1 : i32
        %sub3A_155 = arith.subi %add3A_76, %sub3A_154 : i32
        %mul3A_156 = arith.constant 16 : i32
        %mul3A_157 = arith.muli %sub3A_155, %mul3A_156 : i32
        %add3A_158 = arith.addi %arg1, %mul3A_157 : i32
        %lt3A_159 = arith.constant 2500 : i32
        %lt3A_160 = arith.cmpi slt, %add3A_158, %lt3A_159 : i32
        %convert_element_type3A_161 = arith.extui %lt3A_160 : i1 to i32
        %cond3A_162 = arith.constant 0 : i32
        %cond3A_163 = arith.cmpi ne, %convert_element_type3A_161, %cond3A_162 : i32
        scf.if %cond3A_163 {
          %dma_wait3A = arith.constant 0 : i32
          %dma_wait3A_176 = arith.constant 0 : i32
          %dma_wait3A_177 = tpu.memref_slice %arg10[%dma_wait3A, %dma_wait3A_176] : memref<10240x128xf32, #tpu.memory_space<vmem_shared>> -> memref<10240x128xf32, #tpu.memory_space<vmem_shared>>
          tpu.wait_indirect_dma semaphore(%arg15 : memref<!tpu.dma_semaphore, #tpu.memory_space<semaphore_mem>>) src(%arg8 : memref<128x128xf32, #tpu.memory_space<vmem>>) dst(%dma_wait3A_177 : memref<10240x128xf32, #tpu.memory_space<vmem_shared>>)
        } else {
        }
        %add3A_164 = arith.constant 2 : i32
        %add3A_165 = arith.addi %add3A_76, %add3A_164 : i32
        %add3A_166 = arith.constant 2 : i32
        %add3A_167 = arith.addi %add3A_76, %add3A_166 : i32
        %mul3A_168 = arith.constant 16 : i32
        %mul3A_169 = arith.muli %add3A_165, %mul3A_168 : i32
        %add3A_170 = arith.addi %arg1, %mul3A_169 : i32
        %lt3A_171 = arith.constant 2500 : i32
        %lt3A_172 = arith.cmpi slt, %add3A_170, %lt3A_171 : i32
        %convert_element_type3A_173 = arith.extui %lt3A_172 : i1 to i32
        %cond3A_174 = arith.constant 0 : i32
        %cond3A_175 = arith.cmpi ne, %convert_element_type3A_173, %cond3A_174 : i32
        scf.if %cond3A_175 {
          %mul3A_176 = arith.constant 16 : i32
          %mul3A_177 = arith.muli %add3A_167, %mul3A_176 : i32
          %add3A_178 = arith.addi %arg1, %mul3A_177 : i32
          %eq3A = arith.constant 0 : i32
          %eq3A_179 = arith.cmpi eq, %arg0, %eq3A : i32
          %convert_element_type3A_180 = arith.extui %eq3A_179 : i1 to i32
          %cond3A_181 = arith.constant 0 : i32
          %cond3A_182 = arith.cmpi ne, %convert_element_type3A_180, %cond3A_181 : i32
          scf.if %cond3A_182 {
            %mul3A_188 = arith.constant 128 : i32
            %mul3A_189 = arith.muli %add3A_178, %mul3A_188 : i32
            %dma_start3A = tpu.memref_slice %arg2[%mul3A_189] : memref<320000xi32, #tpu.memory_space<hbm>> -> memref<128xi32, #tpu.memory_space<hbm>>
            %dma_start3A_190 = tpu.memref_slice %arg2[%mul3A_189] : memref<320000xi32, #tpu.memory_space<hbm>> -> memref<128xi32, #tpu.memory_space<hbm>>
            tpu.enqueue_dma source(%dma_start3A_190 : memref<128xi32, #tpu.memory_space<hbm>>) target(%arg6 : memref<128xi32, #tpu.memory_space<vmem>>) target_semaphore(%arg12 : memref<!tpu.dma_semaphore, #tpu.memory_space<semaphore_mem>>)
          } else {
          }
          %eq3A_183 = arith.constant 1 : i32
          %eq3A_184 = arith.cmpi eq, %arg0, %eq3A_183 : i32
          %convert_element_type3A_185 = arith.extui %eq3A_184 : i1 to i32
          %cond3A_186 = arith.constant 0 : i32
          %cond3A_187 = arith.cmpi ne, %convert_element_type3A_185, %cond3A_186 : i32
          scf.if %cond3A_187 {
            %mul3A_188 = arith.constant 128 : i32
            %mul3A_189 = arith.muli %add3A_178, %mul3A_188 : i32
            %dma_start3A = tpu.memref_slice %arg3[%mul3A_189] : memref<320000xi32, #tpu.memory_space<hbm>> -> memref<128xi32, #tpu.memory_space<hbm>>
            %dma_start3A_190 = tpu.memref_slice %arg3[%mul3A_189] : memref<320000xi32, #tpu.memory_space<hbm>> -> memref<128xi32, #tpu.memory_space<hbm>>
            tpu.enqueue_dma source(%dma_start3A_190 : memref<128xi32, #tpu.memory_space<hbm>>) target(%arg6 : memref<128xi32, #tpu.memory_space<vmem>>) target_semaphore(%arg12 : memref<!tpu.dma_semaphore, #tpu.memory_space<semaphore_mem>>)
          } else {
          }
        } else {
        }
      } else {
      }
      %add3A_86 = arith.constant 1 : i32
      %add3A_87 = arith.addi %add3A_74, %add3A_86 : i32
      %sub3A_88 = arith.constant 1 : i32
      %sub3A_89 = arith.subi %add3A_87, %sub3A_88 : i32
      %mul3A_90 = arith.constant 16 : i32
      %mul3A_91 = arith.muli %sub3A_89, %mul3A_90 : i32
      %add3A_92 = arith.addi %arg1, %mul3A_91 : i32
      %lt3A_93 = arith.constant 2500 : i32
      %lt3A_94 = arith.cmpi slt, %add3A_92, %lt3A_93 : i32
      %convert_element_type3A_95 = arith.extui %lt3A_94 : i1 to i32
      %cond3A_96 = arith.constant 0 : i32
      %cond3A_97 = arith.cmpi ne, %convert_element_type3A_95, %cond3A_96 : i32
      scf.if %cond3A_97 {
        %mul3A_146 = arith.constant 16 : i32
        %mul3A_147 = arith.muli %add3A_87, %mul3A_146 : i32
        %add3A_148 = arith.addi %arg1, %mul3A_147 : i32
        %lt3A_149 = arith.constant 2500 : i32
        %lt3A_150 = arith.cmpi slt, %add3A_148, %lt3A_149 : i32
        %convert_element_type3A_151 = arith.extui %lt3A_150 : i1 to i32
        %cond3A_152 = arith.constant 0 : i32
        %cond3A_153 = arith.cmpi ne, %convert_element_type3A_151, %cond3A_152 : i32
        scf.if %cond3A_153 {
          %dma_wait3A = arith.constant 0 : i32
          %dma_wait3A_176 = tpu.memref_slice %arg2[%dma_wait3A] : memref<320000xi32, #tpu.memory_space<hbm>> -> memref<128xi32, #tpu.memory_space<hbm>>
          %dma_wait3A_177 = arith.constant 0 : i32
          %dma_wait3A_178 = tpu.memref_slice %arg2[%dma_wait3A_177] : memref<320000xi32, #tpu.memory_space<hbm>> -> memref<128xi32, #tpu.memory_space<hbm>>
          tpu.wait_dma2 semaphore(%arg11 : memref<!tpu.dma_semaphore, #tpu.memory_space<semaphore_mem>>) src(%dma_wait3A_178 : memref<128xi32, #tpu.memory_space<hbm>>) dst(%arg5 : memref<128xi32, #tpu.memory_space<vmem>>)
          %dma_start3A = arith.constant 0 : i32
          %dma_start3A_179 = arith.constant 0 : i32
          %dma_start3A_180 = tpu.memref_slice %arg10[%dma_start3A, %dma_start3A_179] : memref<10240x128xf32, #tpu.memory_space<vmem_shared>> -> memref<10240x128xf32, #tpu.memory_space<vmem_shared>>
          tpu.enqueue_indirect_dma source(%arg8 : memref<128x128xf32, #tpu.memory_space<vmem>>) target(%dma_start3A_180 : memref<10240x128xf32, #tpu.memory_space<vmem_shared>>) offsets(%arg5 : memref<128xi32, #tpu.memory_space<vmem>>) semaphore(%arg15 : memref<!tpu.dma_semaphore, #tpu.memory_space<semaphore_mem>>) {add = true}
        } else {
        }
        %sub3A_154 = arith.constant 1 : i32
        %sub3A_155 = arith.subi %add3A_87, %sub3A_154 : i32
        %mul3A_156 = arith.constant 16 : i32
        %mul3A_157 = arith.muli %sub3A_155, %mul3A_156 : i32
        %add3A_158 = arith.addi %arg1, %mul3A_157 : i32
        %lt3A_159 = arith.constant 2500 : i32
        %lt3A_160 = arith.cmpi slt, %add3A_158, %lt3A_159 : i32
        %convert_element_type3A_161 = arith.extui %lt3A_160 : i1 to i32
        %cond3A_162 = arith.constant 0 : i32
        %cond3A_163 = arith.cmpi ne, %convert_element_type3A_161, %cond3A_162 : i32
        scf.if %cond3A_163 {
          %dma_wait3A = arith.constant 0 : i32
          %dma_wait3A_176 = arith.constant 0 : i32
          %dma_wait3A_177 = tpu.memref_slice %arg10[%dma_wait3A, %dma_wait3A_176] : memref<10240x128xf32, #tpu.memory_space<vmem_shared>> -> memref<10240x128xf32, #tpu.memory_space<vmem_shared>>
          tpu.wait_indirect_dma semaphore(%arg14 : memref<!tpu.dma_semaphore, #tpu.memory_space<semaphore_mem>>) src(%arg8 : memref<128x128xf32, #tpu.memory_space<vmem>>) dst(%dma_wait3A_177 : memref<10240x128xf32, #tpu.memory_space<vmem_shared>>)
        } else {
        }
        %add3A_164 = arith.constant 2 : i32
        %add3A_165 = arith.addi %add3A_87, %add3A_164 : i32
        %add3A_166 = arith.constant 2 : i32
        %add3A_167 = arith.addi %add3A_87, %add3A_166 : i32
        %mul3A_168 = arith.constant 16 : i32
        %mul3A_169 = arith.muli %add3A_165, %mul3A_168 : i32
        %add3A_170 = arith.addi %arg1, %mul3A_169 : i32
        %lt3A_171 = arith.constant 2500 : i32
        %lt3A_172 = arith.cmpi slt, %add3A_170, %lt3A_171 : i32
        %convert_element_type3A_173 = arith.extui %lt3A_172 : i1 to i32
        %cond3A_174 = arith.constant 0 : i32
        %cond3A_175 = arith.cmpi ne, %convert_element_type3A_173, %cond3A_174 : i32
        scf.if %cond3A_175 {
          %mul3A_176 = arith.constant 16 : i32
          %mul3A_177 = arith.muli %add3A_167, %mul3A_176 : i32
          %add3A_178 = arith.addi %arg1, %mul3A_177 : i32
          %eq3A = arith.constant 0 : i32
          %eq3A_179 = arith.cmpi eq, %arg0, %eq3A : i32
          %convert_element_type3A_180 = arith.extui %eq3A_179 : i1 to i32
          %cond3A_181 = arith.constant 0 : i32
          %cond3A_182 = arith.cmpi ne, %convert_element_type3A_180, %cond3A_181 : i32
          scf.if %cond3A_182 {
            %mul3A_188 = arith.constant 128 : i32
            %mul3A_189 = arith.muli %add3A_178, %mul3A_188 : i32
            %dma_start3A = tpu.memref_slice %arg2[%mul3A_189] : memref<320000xi32, #tpu.memory_space<hbm>> -> memref<128xi32, #tpu.memory_space<hbm>>
            %dma_start3A_190 = tpu.memref_slice %arg2[%mul3A_189] : memref<320000xi32, #tpu.memory_space<hbm>> -> memref<128xi32, #tpu.memory_space<hbm>>
            tpu.enqueue_dma source(%dma_start3A_190 : memref<128xi32, #tpu.memory_space<hbm>>) target(%arg7 : memref<128xi32, #tpu.memory_space<vmem>>) target_semaphore(%arg13 : memref<!tpu.dma_semaphore, #tpu.memory_space<semaphore_mem>>)
          } else {
          }
          %eq3A_183 = arith.constant 1 : i32
          %eq3A_184 = arith.cmpi eq, %arg0, %eq3A_183 : i32
          %convert_element_type3A_185 = arith.extui %eq3A_184 : i1 to i32
          %cond3A_186 = arith.constant 0 : i32
          %cond3A_187 = arith.cmpi ne, %convert_element_type3A_185, %cond3A_186 : i32
          scf.if %cond3A_187 {
            %mul3A_188 = arith.constant 128 : i32
            %mul3A_189 = arith.muli %add3A_178, %mul3A_188 : i32
            %dma_start3A = tpu.memref_slice %arg3[%mul3A_189] : memref<320000xi32, #tpu.memory_space<hbm>> -> memref<128xi32, #tpu.memory_space<hbm>>
            %dma_start3A_190 = tpu.memref_slice %arg3[%mul3A_189] : memref<320000xi32, #tpu.memory_space<hbm>> -> memref<128xi32, #tpu.memory_space<hbm>>
            tpu.enqueue_dma source(%dma_start3A_190 : memref<128xi32, #tpu.memory_space<hbm>>) target(%arg7 : memref<128xi32, #tpu.memory_space<vmem>>) target_semaphore(%arg13 : memref<!tpu.dma_semaphore, #tpu.memory_space<semaphore_mem>>)
          } else {
          }
        } else {
        }
      } else {
      }
      %add3A_98 = arith.constant 2 : i32
      %add3A_99 = arith.addi %add3A_74, %add3A_98 : i32
      %sub3A_100 = arith.constant 1 : i32
      %sub3A_101 = arith.subi %add3A_99, %sub3A_100 : i32
      %mul3A_102 = arith.constant 16 : i32
      %mul3A_103 = arith.muli %sub3A_101, %mul3A_102 : i32
      %add3A_104 = arith.addi %arg1, %mul3A_103 : i32
      %lt3A_105 = arith.constant 2500 : i32
      %lt3A_106 = arith.cmpi slt, %add3A_104, %lt3A_105 : i32
      %convert_element_type3A_107 = arith.extui %lt3A_106 : i1 to i32
      %cond3A_108 = arith.constant 0 : i32
      %cond3A_109 = arith.cmpi ne, %convert_element_type3A_107, %cond3A_108 : i32
      scf.if %cond3A_109 {
        %mul3A_146 = arith.constant 16 : i32
        %mul3A_147 = arith.muli %add3A_99, %mul3A_146 : i32
        %add3A_148 = arith.addi %arg1, %mul3A_147 : i32
        %lt3A_149 = arith.constant 2500 : i32
        %lt3A_150 = arith.cmpi slt, %add3A_148, %lt3A_149 : i32
        %convert_element_type3A_151 = arith.extui %lt3A_150 : i1 to i32
        %cond3A_152 = arith.constant 0 : i32
        %cond3A_153 = arith.cmpi ne, %convert_element_type3A_151, %cond3A_152 : i32
        scf.if %cond3A_153 {
          %dma_wait3A = arith.constant 0 : i32
          %dma_wait3A_176 = tpu.memref_slice %arg2[%dma_wait3A] : memref<320000xi32, #tpu.memory_space<hbm>> -> memref<128xi32, #tpu.memory_space<hbm>>
          %dma_wait3A_177 = arith.constant 0 : i32
          %dma_wait3A_178 = tpu.memref_slice %arg2[%dma_wait3A_177] : memref<320000xi32, #tpu.memory_space<hbm>> -> memref<128xi32, #tpu.memory_space<hbm>>
          tpu.wait_dma2 semaphore(%arg12 : memref<!tpu.dma_semaphore, #tpu.memory_space<semaphore_mem>>) src(%dma_wait3A_178 : memref<128xi32, #tpu.memory_space<hbm>>) dst(%arg6 : memref<128xi32, #tpu.memory_space<vmem>>)
          %dma_start3A = arith.constant 0 : i32
          %dma_start3A_179 = arith.constant 0 : i32
          %dma_start3A_180 = tpu.memref_slice %arg10[%dma_start3A, %dma_start3A_179] : memref<10240x128xf32, #tpu.memory_space<vmem_shared>> -> memref<10240x128xf32, #tpu.memory_space<vmem_shared>>
          tpu.enqueue_indirect_dma source(%arg8 : memref<128x128xf32, #tpu.memory_space<vmem>>) target(%dma_start3A_180 : memref<10240x128xf32, #tpu.memory_space<vmem_shared>>) offsets(%arg6 : memref<128xi32, #tpu.memory_space<vmem>>) semaphore(%arg14 : memref<!tpu.dma_semaphore, #tpu.memory_space<semaphore_mem>>) {add = true}
        } else {
        }
        %sub3A_154 = arith.constant 1 : i32
        %sub3A_155 = arith.subi %add3A_99, %sub3A_154 : i32
        %mul3A_156 = arith.constant 16 : i32
        %mul3A_157 = arith.muli %sub3A_155, %mul3A_156 : i32
        %add3A_158 = arith.addi %arg1, %mul3A_157 : i32
        %lt3A_159 = arith.constant 2500 : i32
        %lt3A_160 = arith.cmpi slt, %add3A_158, %lt3A_159 : i32
        %convert_element_type3A_161 = arith.extui %lt3A_160 : i1 to i32
        %cond3A_162 = arith.constant 0 : i32
        %cond3A_163 = arith.cmpi ne, %convert_element_type3A_161, %cond3A_162 : i32
        scf.if %cond3A_163 {
          %dma_wait3A = arith.constant 0 : i32
          %dma_wait3A_176 = arith.constant 0 : i32
          %dma_wait3A_177 = tpu.memref_slice %arg10[%dma_wait3A, %dma_wait3A_176] : memref<10240x128xf32, #tpu.memory_space<vmem_shared>> -> memref<10240x128xf32, #tpu.memory_space<vmem_shared>>
          tpu.wait_indirect_dma semaphore(%arg15 : memref<!tpu.dma_semaphore, #tpu.memory_space<semaphore_mem>>) src(%arg8 : memref<128x128xf32, #tpu.memory_space<vmem>>) dst(%dma_wait3A_177 : memref<10240x128xf32, #tpu.memory_space<vmem_shared>>)
        } else {
        }
        %add3A_164 = arith.constant 2 : i32
        %add3A_165 = arith.addi %add3A_99, %add3A_164 : i32
        %add3A_166 = arith.constant 2 : i32
        %add3A_167 = arith.addi %add3A_99, %add3A_166 : i32
        %mul3A_168 = arith.constant 16 : i32
        %mul3A_169 = arith.muli %add3A_165, %mul3A_168 : i32
        %add3A_170 = arith.addi %arg1, %mul3A_169 : i32
        %lt3A_171 = arith.constant 2500 : i32
        %lt3A_172 = arith.cmpi slt, %add3A_170, %lt3A_171 : i32
        %convert_element_type3A_173 = arith.extui %lt3A_172 : i1 to i32
        %cond3A_174 = arith.constant 0 : i32
        %cond3A_175 = arith.cmpi ne, %convert_element_type3A_173, %cond3A_174 : i32
        scf.if %cond3A_175 {
          %mul3A_176 = arith.constant 16 : i32
          %mul3A_177 = arith.muli %add3A_167, %mul3A_176 : i32
          %add3A_178 = arith.addi %arg1, %mul3A_177 : i32
          %eq3A = arith.constant 0 : i32
          %eq3A_179 = arith.cmpi eq, %arg0, %eq3A : i32
          %convert_element_type3A_180 = arith.extui %eq3A_179 : i1 to i32
          %cond3A_181 = arith.constant 0 : i32
          %cond3A_182 = arith.cmpi ne, %convert_element_type3A_180, %cond3A_181 : i32
          scf.if %cond3A_182 {
            %mul3A_188 = arith.constant 128 : i32
            %mul3A_189 = arith.muli %add3A_178, %mul3A_188 : i32
            %dma_start3A = tpu.memref_slice %arg2[%mul3A_189] : memref<320000xi32, #tpu.memory_space<hbm>> -> memref<128xi32, #tpu.memory_space<hbm>>
            %dma_start3A_190 = tpu.memref_slice %arg2[%mul3A_189] : memref<320000xi32, #tpu.memory_space<hbm>> -> memref<128xi32, #tpu.memory_space<hbm>>
            tpu.enqueue_dma source(%dma_start3A_190 : memref<128xi32, #tpu.memory_space<hbm>>) target(%arg5 : memref<128xi32, #tpu.memory_space<vmem>>) target_semaphore(%arg11 : memref<!tpu.dma_semaphore, #tpu.memory_space<semaphore_mem>>)
          } else {
          }
          %eq3A_183 = arith.constant 1 : i32
          %eq3A_184 = arith.cmpi eq, %arg0, %eq3A_183 : i32
          %convert_element_type3A_185 = arith.extui %eq3A_184 : i1 to i32
          %cond3A_186 = arith.constant 0 : i32
          %cond3A_187 = arith.cmpi ne, %convert_element_type3A_185, %cond3A_186 : i32
          scf.if %cond3A_187 {
            %mul3A_188 = arith.constant 128 : i32
            %mul3A_189 = arith.muli %add3A_178, %mul3A_188 : i32
            %dma_start3A = tpu.memref_slice %arg3[%mul3A_189] : memref<320000xi32, #tpu.memory_space<hbm>> -> memref<128xi32, #tpu.memory_space<hbm>>
            %dma_start3A_190 = tpu.memref_slice %arg3[%mul3A_189] : memref<320000xi32, #tpu.memory_space<hbm>> -> memref<128xi32, #tpu.memory_space<hbm>>
            tpu.enqueue_dma source(%dma_start3A_190 : memref<128xi32, #tpu.memory_space<hbm>>) target(%arg5 : memref<128xi32, #tpu.memory_space<vmem>>) target_semaphore(%arg11 : memref<!tpu.dma_semaphore, #tpu.memory_space<semaphore_mem>>)
          } else {
          }
        } else {
        }
      } else {
      }
      %add3A_110 = arith.constant 3 : i32
      %add3A_111 = arith.addi %add3A_74, %add3A_110 : i32
      %sub3A_112 = arith.constant 1 : i32
      %sub3A_113 = arith.subi %add3A_111, %sub3A_112 : i32
      %mul3A_114 = arith.constant 16 : i32
      %mul3A_115 = arith.muli %sub3A_113, %mul3A_114 : i32
      %add3A_116 = arith.addi %arg1, %mul3A_115 : i32
      %lt3A_117 = arith.constant 2500 : i32
      %lt3A_118 = arith.cmpi slt, %add3A_116, %lt3A_117 : i32
      %convert_element_type3A_119 = arith.extui %lt3A_118 : i1 to i32
      %cond3A_120 = arith.constant 0 : i32
      %cond3A_121 = arith.cmpi ne, %convert_element_type3A_119, %cond3A_120 : i32
      scf.if %cond3A_121 {
        %mul3A_146 = arith.constant 16 : i32
        %mul3A_147 = arith.muli %add3A_111, %mul3A_146 : i32
        %add3A_148 = arith.addi %arg1, %mul3A_147 : i32
        %lt3A_149 = arith.constant 2500 : i32
        %lt3A_150 = arith.cmpi slt, %add3A_148, %lt3A_149 : i32
        %convert_element_type3A_151 = arith.extui %lt3A_150 : i1 to i32
        %cond3A_152 = arith.constant 0 : i32
        %cond3A_153 = arith.cmpi ne, %convert_element_type3A_151, %cond3A_152 : i32
        scf.if %cond3A_153 {
          %dma_wait3A = arith.constant 0 : i32
          %dma_wait3A_176 = tpu.memref_slice %arg2[%dma_wait3A] : memref<320000xi32, #tpu.memory_space<hbm>> -> memref<128xi32, #tpu.memory_space<hbm>>
          %dma_wait3A_177 = arith.constant 0 : i32
          %dma_wait3A_178 = tpu.memref_slice %arg2[%dma_wait3A_177] : memref<320000xi32, #tpu.memory_space<hbm>> -> memref<128xi32, #tpu.memory_space<hbm>>
          tpu.wait_dma2 semaphore(%arg13 : memref<!tpu.dma_semaphore, #tpu.memory_space<semaphore_mem>>) src(%dma_wait3A_178 : memref<128xi32, #tpu.memory_space<hbm>>) dst(%arg7 : memref<128xi32, #tpu.memory_space<vmem>>)
          %dma_start3A = arith.constant 0 : i32
          %dma_start3A_179 = arith.constant 0 : i32
          %dma_start3A_180 = tpu.memref_slice %arg10[%dma_start3A, %dma_start3A_179] : memref<10240x128xf32, #tpu.memory_space<vmem_shared>> -> memref<10240x128xf32, #tpu.memory_space<vmem_shared>>
          tpu.enqueue_indirect_dma source(%arg8 : memref<128x128xf32, #tpu.memory_space<vmem>>) target(%dma_start3A_180 : memref<10240x128xf32, #tpu.memory_space<vmem_shared>>) offsets(%arg7 : memref<128xi32, #tpu.memory_space<vmem>>) semaphore(%arg15 : memref<!tpu.dma_semaphore, #tpu.memory_space<semaphore_mem>>) {add = true}
        } else {
        }
        %sub3A_154 = arith.constant 1 : i32
        %sub3A_155 = arith.subi %add3A_111, %sub3A_154 : i32
        %mul3A_156 = arith.constant 16 : i32
        %mul3A_157 = arith.muli %sub3A_155, %mul3A_156 : i32
        %add3A_158 = arith.addi %arg1, %mul3A_157 : i32
        %lt3A_159 = arith.constant 2500 : i32
        %lt3A_160 = arith.cmpi slt, %add3A_158, %lt3A_159 : i32
        %convert_element_type3A_161 = arith.extui %lt3A_160 : i1 to i32
        %cond3A_162 = arith.constant 0 : i32
        %cond3A_163 = arith.cmpi ne, %convert_element_type3A_161, %cond3A_162 : i32
        scf.if %cond3A_163 {
          %dma_wait3A = arith.constant 0 : i32
          %dma_wait3A_176 = arith.constant 0 : i32
          %dma_wait3A_177 = tpu.memref_slice %arg10[%dma_wait3A, %dma_wait3A_176] : memref<10240x128xf32, #tpu.memory_space<vmem_shared>> -> memref<10240x128xf32, #tpu.memory_space<vmem_shared>>
          tpu.wait_indirect_dma semaphore(%arg14 : memref<!tpu.dma_semaphore, #tpu.memory_space<semaphore_mem>>) src(%arg8 : memref<128x128xf32, #tpu.memory_space<vmem>>) dst(%dma_wait3A_177 : memref<10240x128xf32, #tpu.memory_space<vmem_shared>>)
        } else {
        }
        %add3A_164 = arith.constant 2 : i32
        %add3A_165 = arith.addi %add3A_111, %add3A_164 : i32
        %add3A_166 = arith.constant 2 : i32
        %add3A_167 = arith.addi %add3A_111, %add3A_166 : i32
        %mul3A_168 = arith.constant 16 : i32
        %mul3A_169 = arith.muli %add3A_165, %mul3A_168 : i32
        %add3A_170 = arith.addi %arg1, %mul3A_169 : i32
        %lt3A_171 = arith.constant 2500 : i32
        %lt3A_172 = arith.cmpi slt, %add3A_170, %lt3A_171 : i32
        %convert_element_type3A_173 = arith.extui %lt3A_172 : i1 to i32
        %cond3A_174 = arith.constant 0 : i32
        %cond3A_175 = arith.cmpi ne, %convert_element_type3A_173, %cond3A_174 : i32
        scf.if %cond3A_175 {
          %mul3A_176 = arith.constant 16 : i32
          %mul3A_177 = arith.muli %add3A_167, %mul3A_176 : i32
          %add3A_178 = arith.addi %arg1, %mul3A_177 : i32
          %eq3A = arith.constant 0 : i32
          %eq3A_179 = arith.cmpi eq, %arg0, %eq3A : i32
          %convert_element_type3A_180 = arith.extui %eq3A_179 : i1 to i32
          %cond3A_181 = arith.constant 0 : i32
          %cond3A_182 = arith.cmpi ne, %convert_element_type3A_180, %cond3A_181 : i32
          scf.if %cond3A_182 {
            %mul3A_188 = arith.constant 128 : i32
            %mul3A_189 = arith.muli %add3A_178, %mul3A_188 : i32
            %dma_start3A = tpu.memref_slice %arg2[%mul3A_189] : memref<320000xi32, #tpu.memory_space<hbm>> -> memref<128xi32, #tpu.memory_space<hbm>>
            %dma_start3A_190 = tpu.memref_slice %arg2[%mul3A_189] : memref<320000xi32, #tpu.memory_space<hbm>> -> memref<128xi32, #tpu.memory_space<hbm>>
            tpu.enqueue_dma source(%dma_start3A_190 : memref<128xi32, #tpu.memory_space<hbm>>) target(%arg6 : memref<128xi32, #tpu.memory_space<vmem>>) target_semaphore(%arg12 : memref<!tpu.dma_semaphore, #tpu.memory_space<semaphore_mem>>)
          } else {
          }
          %eq3A_183 = arith.constant 1 : i32
          %eq3A_184 = arith.cmpi eq, %arg0, %eq3A_183 : i32
          %convert_element_type3A_185 = arith.extui %eq3A_184 : i1 to i32
          %cond3A_186 = arith.constant 0 : i32
          %cond3A_187 = arith.cmpi ne, %convert_element_type3A_185, %cond3A_186 : i32
          scf.if %cond3A_187 {
            %mul3A_188 = arith.constant 128 : i32
            %mul3A_189 = arith.muli %add3A_178, %mul3A_188 : i32
            %dma_start3A = tpu.memref_slice %arg3[%mul3A_189] : memref<320000xi32, #tpu.memory_space<hbm>> -> memref<128xi32, #tpu.memory_space<hbm>>
            %dma_start3A_190 = tpu.memref_slice %arg3[%mul3A_189] : memref<320000xi32, #tpu.memory_space<hbm>> -> memref<128xi32, #tpu.memory_space<hbm>>
            tpu.enqueue_dma source(%dma_start3A_190 : memref<128xi32, #tpu.memory_space<hbm>>) target(%arg6 : memref<128xi32, #tpu.memory_space<vmem>>) target_semaphore(%arg12 : memref<!tpu.dma_semaphore, #tpu.memory_space<semaphore_mem>>)
          } else {
          }
        } else {
        }
      } else {
      }
      %add3A_122 = arith.constant 4 : i32
      %add3A_123 = arith.addi %add3A_74, %add3A_122 : i32
      %sub3A_124 = arith.constant 1 : i32
      %sub3A_125 = arith.subi %add3A_123, %sub3A_124 : i32
      %mul3A_126 = arith.constant 16 : i32
      %mul3A_127 = arith.muli %sub3A_125, %mul3A_126 : i32
      %add3A_128 = arith.addi %arg1, %mul3A_127 : i32
      %lt3A_129 = arith.constant 2500 : i32
      %lt3A_130 = arith.cmpi slt, %add3A_128, %lt3A_129 : i32
      %convert_element_type3A_131 = arith.extui %lt3A_130 : i1 to i32
      %cond3A_132 = arith.constant 0 : i32
      %cond3A_133 = arith.cmpi ne, %convert_element_type3A_131, %cond3A_132 : i32
      scf.if %cond3A_133 {
        %mul3A_146 = arith.constant 16 : i32
        %mul3A_147 = arith.muli %add3A_123, %mul3A_146 : i32
        %add3A_148 = arith.addi %arg1, %mul3A_147 : i32
        %lt3A_149 = arith.constant 2500 : i32
        %lt3A_150 = arith.cmpi slt, %add3A_148, %lt3A_149 : i32
        %convert_element_type3A_151 = arith.extui %lt3A_150 : i1 to i32
        %cond3A_152 = arith.constant 0 : i32
        %cond3A_153 = arith.cmpi ne, %convert_element_type3A_151, %cond3A_152 : i32
        scf.if %cond3A_153 {
          %dma_wait3A = arith.constant 0 : i32
          %dma_wait3A_176 = tpu.memref_slice %arg2[%dma_wait3A] : memref<320000xi32, #tpu.memory_space<hbm>> -> memref<128xi32, #tpu.memory_space<hbm>>
          %dma_wait3A_177 = arith.constant 0 : i32
          %dma_wait3A_178 = tpu.memref_slice %arg2[%dma_wait3A_177] : memref<320000xi32, #tpu.memory_space<hbm>> -> memref<128xi32, #tpu.memory_space<hbm>>
          tpu.wait_dma2 semaphore(%arg11 : memref<!tpu.dma_semaphore, #tpu.memory_space<semaphore_mem>>) src(%dma_wait3A_178 : memref<128xi32, #tpu.memory_space<hbm>>) dst(%arg5 : memref<128xi32, #tpu.memory_space<vmem>>)
          %dma_start3A = arith.constant 0 : i32
          %dma_start3A_179 = arith.constant 0 : i32
          %dma_start3A_180 = tpu.memref_slice %arg10[%dma_start3A, %dma_start3A_179] : memref<10240x128xf32, #tpu.memory_space<vmem_shared>> -> memref<10240x128xf32, #tpu.memory_space<vmem_shared>>
          tpu.enqueue_indirect_dma source(%arg8 : memref<128x128xf32, #tpu.memory_space<vmem>>) target(%dma_start3A_180 : memref<10240x128xf32, #tpu.memory_space<vmem_shared>>) offsets(%arg5 : memref<128xi32, #tpu.memory_space<vmem>>) semaphore(%arg14 : memref<!tpu.dma_semaphore, #tpu.memory_space<semaphore_mem>>) {add = true}
        } else {
        }
        %sub3A_154 = arith.constant 1 : i32
        %sub3A_155 = arith.subi %add3A_123, %sub3A_154 : i32
        %mul3A_156 = arith.constant 16 : i32
        %mul3A_157 = arith.muli %sub3A_155, %mul3A_156 : i32
        %add3A_158 = arith.addi %arg1, %mul3A_157 : i32
        %lt3A_159 = arith.constant 2500 : i32
        %lt3A_160 = arith.cmpi slt, %add3A_158, %lt3A_159 : i32
        %convert_element_type3A_161 = arith.extui %lt3A_160 : i1 to i32
        %cond3A_162 = arith.constant 0 : i32
        %cond3A_163 = arith.cmpi ne, %convert_element_type3A_161, %cond3A_162 : i32
        scf.if %cond3A_163 {
          %dma_wait3A = arith.constant 0 : i32
          %dma_wait3A_176 = arith.constant 0 : i32
          %dma_wait3A_177 = tpu.memref_slice %arg10[%dma_wait3A, %dma_wait3A_176] : memref<10240x128xf32, #tpu.memory_space<vmem_shared>> -> memref<10240x128xf32, #tpu.memory_space<vmem_shared>>
          tpu.wait_indirect_dma semaphore(%arg15 : memref<!tpu.dma_semaphore, #tpu.memory_space<semaphore_mem>>) src(%arg8 : memref<128x128xf32, #tpu.memory_space<vmem>>) dst(%dma_wait3A_177 : memref<10240x128xf32, #tpu.memory_space<vmem_shared>>)
        } else {
        }
        %add3A_164 = arith.constant 2 : i32
        %add3A_165 = arith.addi %add3A_123, %add3A_164 : i32
        %add3A_166 = arith.constant 2 : i32
        %add3A_167 = arith.addi %add3A_123, %add3A_166 : i32
        %mul3A_168 = arith.constant 16 : i32
        %mul3A_169 = arith.muli %add3A_165, %mul3A_168 : i32
        %add3A_170 = arith.addi %arg1, %mul3A_169 : i32
        %lt3A_171 = arith.constant 2500 : i32
        %lt3A_172 = arith.cmpi slt, %add3A_170, %lt3A_171 : i32
        %convert_element_type3A_173 = arith.extui %lt3A_172 : i1 to i32
        %cond3A_174 = arith.constant 0 : i32
        %cond3A_175 = arith.cmpi ne, %convert_element_type3A_173, %cond3A_174 : i32
        scf.if %cond3A_175 {
          %mul3A_176 = arith.constant 16 : i32
          %mul3A_177 = arith.muli %add3A_167, %mul3A_176 : i32
          %add3A_178 = arith.addi %arg1, %mul3A_177 : i32
          %eq3A = arith.constant 0 : i32
          %eq3A_179 = arith.cmpi eq, %arg0, %eq3A : i32
          %convert_element_type3A_180 = arith.extui %eq3A_179 : i1 to i32
          %cond3A_181 = arith.constant 0 : i32
          %cond3A_182 = arith.cmpi ne, %convert_element_type3A_180, %cond3A_181 : i32
          scf.if %cond3A_182 {
            %mul3A_188 = arith.constant 128 : i32
            %mul3A_189 = arith.muli %add3A_178, %mul3A_188 : i32
            %dma_start3A = tpu.memref_slice %arg2[%mul3A_189] : memref<320000xi32, #tpu.memory_space<hbm>> -> memref<128xi32, #tpu.memory_space<hbm>>
            %dma_start3A_190 = tpu.memref_slice %arg2[%mul3A_189] : memref<320000xi32, #tpu.memory_space<hbm>> -> memref<128xi32, #tpu.memory_space<hbm>>
            tpu.enqueue_dma source(%dma_start3A_190 : memref<128xi32, #tpu.memory_space<hbm>>) target(%arg7 : memref<128xi32, #tpu.memory_space<vmem>>) target_semaphore(%arg13 : memref<!tpu.dma_semaphore, #tpu.memory_space<semaphore_mem>>)
          } else {
          }
          %eq3A_183 = arith.constant 1 : i32
          %eq3A_184 = arith.cmpi eq, %arg0, %eq3A_183 : i32
          %convert_element_type3A_185 = arith.extui %eq3A_184 : i1 to i32
          %cond3A_186 = arith.constant 0 : i32
          %cond3A_187 = arith.cmpi ne, %convert_element_type3A_185, %cond3A_186 : i32
          scf.if %cond3A_187 {
            %mul3A_188 = arith.constant 128 : i32
            %mul3A_189 = arith.muli %add3A_178, %mul3A_188 : i32
            %dma_start3A = tpu.memref_slice %arg3[%mul3A_189] : memref<320000xi32, #tpu.memory_space<hbm>> -> memref<128xi32, #tpu.memory_space<hbm>>
            %dma_start3A_190 = tpu.memref_slice %arg3[%mul3A_189] : memref<320000xi32, #tpu.memory_space<hbm>> -> memref<128xi32, #tpu.memory_space<hbm>>
            tpu.enqueue_dma source(%dma_start3A_190 : memref<128xi32, #tpu.memory_space<hbm>>) target(%arg7 : memref<128xi32, #tpu.memory_space<vmem>>) target_semaphore(%arg13 : memref<!tpu.dma_semaphore, #tpu.memory_space<semaphore_mem>>)
          } else {
          }
        } else {
        }
      } else {
      }
      %add3A_134 = arith.constant 5 : i32
      %add3A_135 = arith.addi %add3A_74, %add3A_134 : i32
      %sub3A_136 = arith.constant 1 : i32
      %sub3A_137 = arith.subi %add3A_135, %sub3A_136 : i32
      %mul3A_138 = arith.constant 16 : i32
      %mul3A_139 = arith.muli %sub3A_137, %mul3A_138 : i32
      %add3A_140 = arith.addi %arg1, %mul3A_139 : i32
      %lt3A_141 = arith.constant 2500 : i32
      %lt3A_142 = arith.cmpi slt, %add3A_140, %lt3A_141 : i32
      %convert_element_type3A_143 = arith.extui %lt3A_142 : i1 to i32
      %cond3A_144 = arith.constant 0 : i32
      %cond3A_145 = arith.cmpi ne, %convert_element_type3A_143, %cond3A_144 : i32
      scf.if %cond3A_145 {
        %mul3A_146 = arith.constant 16 : i32
        %mul3A_147 = arith.muli %add3A_135, %mul3A_146 : i32
        %add3A_148 = arith.addi %arg1, %mul3A_147 : i32
        %lt3A_149 = arith.constant 2500 : i32
        %lt3A_150 = arith.cmpi slt, %add3A_148, %lt3A_149 : i32
        %convert_element_type3A_151 = arith.extui %lt3A_150 : i1 to i32
        %cond3A_152 = arith.constant 0 : i32
        %cond3A_153 = arith.cmpi ne, %convert_element_type3A_151, %cond3A_152 : i32
        scf.if %cond3A_153 {
          %dma_wait3A = arith.constant 0 : i32
          %dma_wait3A_176 = tpu.memref_slice %arg2[%dma_wait3A] : memref<320000xi32, #tpu.memory_space<hbm>> -> memref<128xi32, #tpu.memory_space<hbm>>
          %dma_wait3A_177 = arith.constant 0 : i32
          %dma_wait3A_178 = tpu.memref_slice %arg2[%dma_wait3A_177] : memref<320000xi32, #tpu.memory_space<hbm>> -> memref<128xi32, #tpu.memory_space<hbm>>
          tpu.wait_dma2 semaphore(%arg12 : memref<!tpu.dma_semaphore, #tpu.memory_space<semaphore_mem>>) src(%dma_wait3A_178 : memref<128xi32, #tpu.memory_space<hbm>>) dst(%arg6 : memref<128xi32, #tpu.memory_space<vmem>>)
          %dma_start3A = arith.constant 0 : i32
          %dma_start3A_179 = arith.constant 0 : i32
          %dma_start3A_180 = tpu.memref_slice %arg10[%dma_start3A, %dma_start3A_179] : memref<10240x128xf32, #tpu.memory_space<vmem_shared>> -> memref<10240x128xf32, #tpu.memory_space<vmem_shared>>
          tpu.enqueue_indirect_dma source(%arg8 : memref<128x128xf32, #tpu.memory_space<vmem>>) target(%dma_start3A_180 : memref<10240x128xf32, #tpu.memory_space<vmem_shared>>) offsets(%arg6 : memref<128xi32, #tpu.memory_space<vmem>>) semaphore(%arg15 : memref<!tpu.dma_semaphore, #tpu.memory_space<semaphore_mem>>) {add = true}
        } else {
        }
        %sub3A_154 = arith.constant 1 : i32
        %sub3A_155 = arith.subi %add3A_135, %sub3A_154 : i32
        %mul3A_156 = arith.constant 16 : i32
        %mul3A_157 = arith.muli %sub3A_155, %mul3A_156 : i32
        %add3A_158 = arith.addi %arg1, %mul3A_157 : i32
        %lt3A_159 = arith.constant 2500 : i32
        %lt3A_160 = arith.cmpi slt, %add3A_158, %lt3A_159 : i32
        %convert_element_type3A_161 = arith.extui %lt3A_160 : i1 to i32
        %cond3A_162 = arith.constant 0 : i32
        %cond3A_163 = arith.cmpi ne, %convert_element_type3A_161, %cond3A_162 : i32
        scf.if %cond3A_163 {
          %dma_wait3A = arith.constant 0 : i32
          %dma_wait3A_176 = arith.constant 0 : i32
          %dma_wait3A_177 = tpu.memref_slice %arg10[%dma_wait3A, %dma_wait3A_176] : memref<10240x128xf32, #tpu.memory_space<vmem_shared>> -> memref<10240x128xf32, #tpu.memory_space<vmem_shared>>
          tpu.wait_indirect_dma semaphore(%arg14 : memref<!tpu.dma_semaphore, #tpu.memory_space<semaphore_mem>>) src(%arg8 : memref<128x128xf32, #tpu.memory_space<vmem>>) dst(%dma_wait3A_177 : memref<10240x128xf32, #tpu.memory_space<vmem_shared>>)
        } else {
        }
        %add3A_164 = arith.constant 2 : i32
        %add3A_165 = arith.addi %add3A_135, %add3A_164 : i32
        %add3A_166 = arith.constant 2 : i32
        %add3A_167 = arith.addi %add3A_135, %add3A_166 : i32
        %mul3A_168 = arith.constant 16 : i32
        %mul3A_169 = arith.muli %add3A_165, %mul3A_168 : i32
        %add3A_170 = arith.addi %arg1, %mul3A_169 : i32
        %lt3A_171 = arith.constant 2500 : i32
        %lt3A_172 = arith.cmpi slt, %add3A_170, %lt3A_171 : i32
        %convert_element_type3A_173 = arith.extui %lt3A_172 : i1 to i32
        %cond3A_174 = arith.constant 0 : i32
        %cond3A_175 = arith.cmpi ne, %convert_element_type3A_173, %cond3A_174 : i32
        scf.if %cond3A_175 {
          %mul3A_176 = arith.constant 16 : i32
          %mul3A_177 = arith.muli %add3A_167, %mul3A_176 : i32
          %add3A_178 = arith.addi %arg1, %mul3A_177 : i32
          %eq3A = arith.constant 0 : i32
          %eq3A_179 = arith.cmpi eq, %arg0, %eq3A : i32
          %convert_element_type3A_180 = arith.extui %eq3A_179 : i1 to i32
          %cond3A_181 = arith.constant 0 : i32
          %cond3A_182 = arith.cmpi ne, %convert_element_type3A_180, %cond3A_181 : i32
          scf.if %cond3A_182 {
            %mul3A_188 = arith.constant 128 : i32
            %mul3A_189 = arith.muli %add3A_178, %mul3A_188 : i32
            %dma_start3A = tpu.memref_slice %arg2[%mul3A_189] : memref<320000xi32, #tpu.memory_space<hbm>> -> memref<128xi32, #tpu.memory_space<hbm>>
            %dma_start3A_190 = tpu.memref_slice %arg2[%mul3A_189] : memref<320000xi32, #tpu.memory_space<hbm>> -> memref<128xi32, #tpu.memory_space<hbm>>
            tpu.enqueue_dma source(%dma_start3A_190 : memref<128xi32, #tpu.memory_space<hbm>>) target(%arg5 : memref<128xi32, #tpu.memory_space<vmem>>) target_semaphore(%arg11 : memref<!tpu.dma_semaphore, #tpu.memory_space<semaphore_mem>>)
          } else {
          }
          %eq3A_183 = arith.constant 1 : i32
          %eq3A_184 = arith.cmpi eq, %arg0, %eq3A_183 : i32
          %convert_element_type3A_185 = arith.extui %eq3A_184 : i1 to i32
          %cond3A_186 = arith.constant 0 : i32
          %cond3A_187 = arith.cmpi ne, %convert_element_type3A_185, %cond3A_186 : i32
          scf.if %cond3A_187 {
            %mul3A_188 = arith.constant 128 : i32
            %mul3A_189 = arith.muli %add3A_178, %mul3A_188 : i32
            %dma_start3A = tpu.memref_slice %arg3[%mul3A_189] : memref<320000xi32, #tpu.memory_space<hbm>> -> memref<128xi32, #tpu.memory_space<hbm>>
            %dma_start3A_190 = tpu.memref_slice %arg3[%mul3A_189] : memref<320000xi32, #tpu.memory_space<hbm>> -> memref<128xi32, #tpu.memory_space<hbm>>
            tpu.enqueue_dma source(%dma_start3A_190 : memref<128xi32, #tpu.memory_space<hbm>>) target(%arg5 : memref<128xi32, #tpu.memory_space<vmem>>) target_semaphore(%arg11 : memref<!tpu.dma_semaphore, #tpu.memory_space<semaphore_mem>>)
          } else {
          }
        } else {
        }
      } else {
      }
    }
    %scan3A_68 = arith.constant 26 : i32
    %barrier3A_69 = arith.constant 0 : index
    tpu.barrier barrier_id(%barrier3A_69)
    "tpu.region"() ({
      %run_scoped3A = tpu.sem_alloc : memref<!tpu.dma_semaphore, #tpu.memory_space<semaphore_mem>>
      %dma_start3A = arith.constant 0 : i32
      %dma_start3A_70 = tpu.memref_slice %arg4[%arg0, %mul3A_0, %dma_start3A] : memref<2x10240x128xf32, #tpu.memory_space<hbm>> -> memref<1x640x128xf32, #tpu.memory_space<hbm>>
      %dma_start3A_71 = tpu.memref_squeeze %dma_start3A_70 : memref<1x640x128xf32, #tpu.memory_space<hbm>> -> memref<640x128xf32, #tpu.memory_space<hbm>>
      %dma_start3A_72 = arith.constant 0 : i32
      %dma_start3A_73 = tpu.memref_slice %arg10[%mul3A_0, %dma_start3A_72] : memref<10240x128xf32, #tpu.memory_space<vmem_shared>> -> memref<640x128xf32, #tpu.memory_space<vmem_shared>>
      tpu.enqueue_dma source(%dma_start3A_73 : memref<640x128xf32, #tpu.memory_space<vmem_shared>>) target(%dma_start3A_71 : memref<640x128xf32, #tpu.memory_space<hbm>>) target_semaphore(%run_scoped3A : memref<!tpu.dma_semaphore, #tpu.memory_space<semaphore_mem>>)
      %dma_wait3A = arith.constant 0 : i32
      %dma_wait3A_74 = tpu.memref_slice %arg4[%arg0, %mul3A_0, %dma_wait3A] : memref<2x10240x128xf32, #tpu.memory_space<hbm>> -> memref<1x640x128xf32, #tpu.memory_space<hbm>>
      %dma_wait3A_75 = tpu.memref_squeeze %dma_wait3A_74 : memref<1x640x128xf32, #tpu.memory_space<hbm>> -> memref<640x128xf32, #tpu.memory_space<hbm>>
      %dma_wait3A_76 = arith.constant 0 : i32
      %dma_wait3A_77 = tpu.memref_slice %arg10[%mul3A_0, %dma_wait3A_76] : memref<10240x128xf32, #tpu.memory_space<vmem_shared>> -> memref<640x128xf32, #tpu.memory_space<vmem_shared>>
      tpu.wait_dma2 semaphore(%run_scoped3A : memref<!tpu.dma_semaphore, #tpu.memory_space<semaphore_mem>>) src(%dma_wait3A_77 : memref<640x128xf32, #tpu.memory_space<vmem_shared>>) dst(%dma_wait3A_75 : memref<640x128xf32, #tpu.memory_space<hbm>>)
      tpu.yield
    }) : () -> ()
    return
  }
}

#map = affine_map<(d0, d1) -> (0, 0)>
#map1 = affine_map<(d0, d1) -> (0)>
#map2 = affine_map<(d0, d1) -> (0, 0, 0)>
module attributes {stable_mosaic.version = 14 : i64} {
  func.func @agg_kernel(%arg0: i32, %arg1: i32, %arg2: memref<10000x128xf32, #tpu.memory_space<hbm>>, %arg3: memref<320000xi32, #tpu.memory_space<hbm>>, %arg4: memref<320000xi32, #tpu.memory_space<hbm>>, %arg5: memref<2x10240x128xf32, #tpu.memory_space<hbm>>, %arg6: memref<128xi32, #tpu.memory_space<vmem>>, %arg7: memref<128xi32, #tpu.memory_space<vmem>>, %arg8: memref<128xi32, #tpu.memory_space<vmem>>, %arg9: memref<128xi32, #tpu.memory_space<vmem>>, %arg10: memref<128x128xf32, #tpu.memory_space<vmem>>, %arg11: memref<128x128xf32, #tpu.memory_space<vmem>>, %arg12: memref<32x128xf32, #tpu.memory_space<vmem>>, %arg13: memref<10240x128xf32, #tpu.memory_space<vmem_shared>>, %arg14: memref<!tpu.dma_semaphore, #tpu.memory_space<semaphore_mem>>, %arg15: memref<!tpu.dma_semaphore, #tpu.memory_space<semaphore_mem>>, %arg16: memref<!tpu.dma_semaphore, #tpu.memory_space<semaphore_mem>>, %arg17: memref<!tpu.dma_semaphore, #tpu.memory_space<semaphore_mem>>) attributes {dimension_semantics = [#tpu.dimension_semantics<core_parallel>, #tpu.dimension_semantics<subcore_parallel>], iteration_bounds = array<i64: 2, 16>, scalar_prefetch = 0 : i64, scratch_operands = 12 : i64, tpu.core_type = #tpu.core_type<sc_vector_subcore>, window_params = [{transform_indices = #map}, {transform_indices = #map1}, {transform_indices = #map1}, {transform_indices = #map2}]} {
    %mul3A = arith.constant 2 : i32
    %mul3A_0 = arith.muli %arg1, %mul3A : i32
    %add3A = arith.addi %mul3A_0, %arg0 : i32
    %mul3A_1 = arith.constant 640 : i32
    %mul3A_2 = arith.muli %arg1, %mul3A_1 : i32
    %lt3A = arith.constant 2500 : i32
    %lt3A_3 = arith.cmpi slt, %add3A, %lt3A : i32
    %convert_element_type3A = arith.extui %lt3A_3 : i1 to i32
    %cond3A = arith.constant 0 : i32
    %cond3A_4 = arith.cmpi ne, %convert_element_type3A, %cond3A : i32
    scf.if %cond3A_4 {
      %mul3A_35 = arith.constant 128 : i32
      %mul3A_36 = arith.muli %add3A, %mul3A_35 : i32
      %dma_start3A = tpu.memref_slice %arg3[%mul3A_36] : memref<320000xi32, #tpu.memory_space<hbm>> -> memref<128xi32, #tpu.memory_space<hbm>>
      %dma_start3A_37 = tpu.memref_slice %arg3[%mul3A_36] : memref<320000xi32, #tpu.memory_space<hbm>> -> memref<128xi32, #tpu.memory_space<hbm>>
      tpu.enqueue_dma source(%dma_start3A_37 : memref<128xi32, #tpu.memory_space<hbm>>) target(%arg6 : memref<128xi32, #tpu.memory_space<vmem>>) target_semaphore(%arg16 : memref<!tpu.dma_semaphore, #tpu.memory_space<semaphore_mem>>)
      %mul3A_38 = arith.constant 128 : i32
      %mul3A_39 = arith.muli %add3A, %mul3A_38 : i32
      %dma_start3A_40 = tpu.memref_slice %arg4[%mul3A_39] : memref<320000xi32, #tpu.memory_space<hbm>> -> memref<128xi32, #tpu.memory_space<hbm>>
      %dma_start3A_41 = tpu.memref_slice %arg4[%mul3A_39] : memref<320000xi32, #tpu.memory_space<hbm>> -> memref<128xi32, #tpu.memory_space<hbm>>
      tpu.enqueue_dma source(%dma_start3A_41 : memref<128xi32, #tpu.memory_space<hbm>>) target(%arg8 : memref<128xi32, #tpu.memory_space<vmem>>) target_semaphore(%arg16 : memref<!tpu.dma_semaphore, #tpu.memory_space<semaphore_mem>>)
    } else {
    }
    %add3A_5 = arith.constant 32 : i32
    %add3A_6 = arith.addi %add3A, %add3A_5 : i32
    %lt3A_7 = arith.constant 2500 : i32
    %lt3A_8 = arith.cmpi slt, %add3A_6, %lt3A_7 : i32
    %convert_element_type3A_9 = arith.extui %lt3A_8 : i1 to i32
    %cond3A_10 = arith.constant 0 : i32
    %cond3A_11 = arith.cmpi ne, %convert_element_type3A_9, %cond3A_10 : i32
    scf.if %cond3A_11 {
      %add3A_35 = arith.constant 32 : i32
      %add3A_36 = arith.addi %add3A, %add3A_35 : i32
      %mul3A_37 = arith.constant 128 : i32
      %mul3A_38 = arith.muli %add3A_36, %mul3A_37 : i32
      %dma_start3A = tpu.memref_slice %arg3[%mul3A_38] : memref<320000xi32, #tpu.memory_space<hbm>> -> memref<128xi32, #tpu.memory_space<hbm>>
      %dma_start3A_39 = tpu.memref_slice %arg3[%mul3A_38] : memref<320000xi32, #tpu.memory_space<hbm>> -> memref<128xi32, #tpu.memory_space<hbm>>
      tpu.enqueue_dma source(%dma_start3A_39 : memref<128xi32, #tpu.memory_space<hbm>>) target(%arg7 : memref<128xi32, #tpu.memory_space<vmem>>) target_semaphore(%arg17 : memref<!tpu.dma_semaphore, #tpu.memory_space<semaphore_mem>>)
      %mul3A_40 = arith.constant 128 : i32
      %mul3A_41 = arith.muli %add3A_36, %mul3A_40 : i32
      %dma_start3A_42 = tpu.memref_slice %arg4[%mul3A_41] : memref<320000xi32, #tpu.memory_space<hbm>> -> memref<128xi32, #tpu.memory_space<hbm>>
      %dma_start3A_43 = tpu.memref_slice %arg4[%mul3A_41] : memref<320000xi32, #tpu.memory_space<hbm>> -> memref<128xi32, #tpu.memory_space<hbm>>
      tpu.enqueue_dma source(%dma_start3A_43 : memref<128xi32, #tpu.memory_space<hbm>>) target(%arg9 : memref<128xi32, #tpu.memory_space<vmem>>) target_semaphore(%arg17 : memref<!tpu.dma_semaphore, #tpu.memory_space<semaphore_mem>>)
    } else {
    }
    %scan3A = arith.constant 0 : i32
    %scan3A_12 = arith.constant 0 : i32
    %scan3A_13 = arith.constant 32 : i32
    %scan3A_14 = arith.addi %scan3A_12, %scan3A_13 : i32
    %scan3A_15 = arith.constant 1 : i32
    scf.for %scan3A_35 = %scan3A_12 to %scan3A_14 step %scan3A_15  : i32 {
      %broadcast_in_dim3A = arith.constant 0.000000e+00 : f32
      %broadcast_in_dim3A_36 = vector.broadcast %broadcast_in_dim3A : f32 to vector<16xf32>
      %swap3A = arith.index_cast %scan3A_35 : i32 to index
      %swap3A_37 = arith.constant 0 : index
      %swap3A_38 = tpu.vector_load %arg12[%swap3A, %swap3A_37] {strides = array<i32>} : memref<32x128xf32, #tpu.memory_space<vmem>>, vector<1x16xf32>,
      %swap3A_39 = vector.shape_cast %swap3A_38 : vector<1x16xf32> to vector<16xf32>
      %swap3A_40 = vector.shape_cast %broadcast_in_dim3A_36 : vector<16xf32> to vector<1x16xf32>
      tpu.vector_store %arg12[%swap3A, %swap3A_37], %swap3A_40 {strides = array<i32>} : memref<32x128xf32, #tpu.memory_space<vmem>>, vector<1x16xf32>,
      %broadcast_in_dim3A_41 = arith.constant 0.000000e+00 : f32
      %broadcast_in_dim3A_42 = vector.broadcast %broadcast_in_dim3A_41 : f32 to vector<16xf32>
      %swap3A_43 = arith.index_cast %scan3A_35 : i32 to index
      %swap3A_44 = arith.constant 16 : index
      %swap3A_45 = tpu.vector_load %arg12[%swap3A_43, %swap3A_44] {strides = array<i32>} : memref<32x128xf32, #tpu.memory_space<vmem>>, vector<1x16xf32>,
      %swap3A_46 = vector.shape_cast %swap3A_45 : vector<1x16xf32> to vector<16xf32>
      %swap3A_47 = vector.shape_cast %broadcast_in_dim3A_42 : vector<16xf32> to vector<1x16xf32>
      tpu.vector_store %arg12[%swap3A_43, %swap3A_44], %swap3A_47 {strides = array<i32>} : memref<32x128xf32, #tpu.memory_space<vmem>>, vector<1x16xf32>,
      %broadcast_in_dim3A_48 = arith.constant 0.000000e+00 : f32
      %broadcast_in_dim3A_49 = vector.broadcast %broadcast_in_dim3A_48 : f32 to vector<16xf32>
      %swap3A_50 = arith.index_cast %scan3A_35 : i32 to index
      %swap3A_51 = arith.constant 32 : index
      %swap3A_52 = tpu.vector_load %arg12[%swap3A_50, %swap3A_51] {strides = array<i32>} : memref<32x128xf32, #tpu.memory_space<vmem>>, vector<1x16xf32>,
      %swap3A_53 = vector.shape_cast %swap3A_52 : vector<1x16xf32> to vector<16xf32>
      %swap3A_54 = vector.shape_cast %broadcast_in_dim3A_49 : vector<16xf32> to vector<1x16xf32>
      tpu.vector_store %arg12[%swap3A_50, %swap3A_51], %swap3A_54 {strides = array<i32>} : memref<32x128xf32, #tpu.memory_space<vmem>>, vector<1x16xf32>,
      %broadcast_in_dim3A_55 = arith.constant 0.000000e+00 : f32
      %broadcast_in_dim3A_56 = vector.broadcast %broadcast_in_dim3A_55 : f32 to vector<16xf32>
      %swap3A_57 = arith.index_cast %scan3A_35 : i32 to index
      %swap3A_58 = arith.constant 48 : index
      %swap3A_59 = tpu.vector_load %arg12[%swap3A_57, %swap3A_58] {strides = array<i32>} : memref<32x128xf32, #tpu.memory_space<vmem>>, vector<1x16xf32>,
      %swap3A_60 = vector.shape_cast %swap3A_59 : vector<1x16xf32> to vector<16xf32>
      %swap3A_61 = vector.shape_cast %broadcast_in_dim3A_56 : vector<16xf32> to vector<1x16xf32>
      tpu.vector_store %arg12[%swap3A_57, %swap3A_58], %swap3A_61 {strides = array<i32>} : memref<32x128xf32, #tpu.memory_space<vmem>>, vector<1x16xf32>,
      %broadcast_in_dim3A_62 = arith.constant 0.000000e+00 : f32
      %broadcast_in_dim3A_63 = vector.broadcast %broadcast_in_dim3A_62 : f32 to vector<16xf32>
      %swap3A_64 = arith.index_cast %scan3A_35 : i32 to index
      %swap3A_65 = arith.constant 64 : index
      %swap3A_66 = tpu.vector_load %arg12[%swap3A_64, %swap3A_65] {strides = array<i32>} : memref<32x128xf32, #tpu.memory_space<vmem>>, vector<1x16xf32>,
      %swap3A_67 = vector.shape_cast %swap3A_66 : vector<1x16xf32> to vector<16xf32>
      %swap3A_68 = vector.shape_cast %broadcast_in_dim3A_63 : vector<16xf32> to vector<1x16xf32>
      tpu.vector_store %arg12[%swap3A_64, %swap3A_65], %swap3A_68 {strides = array<i32>} : memref<32x128xf32, #tpu.memory_space<vmem>>, vector<1x16xf32>,
      %broadcast_in_dim3A_69 = arith.constant 0.000000e+00 : f32
      %broadcast_in_dim3A_70 = vector.broadcast %broadcast_in_dim3A_69 : f32 to vector<16xf32>
      %swap3A_71 = arith.index_cast %scan3A_35 : i32 to index
      %swap3A_72 = arith.constant 80 : index
      %swap3A_73 = tpu.vector_load %arg12[%swap3A_71, %swap3A_72] {strides = array<i32>} : memref<32x128xf32, #tpu.memory_space<vmem>>, vector<1x16xf32>,
      %swap3A_74 = vector.shape_cast %swap3A_73 : vector<1x16xf32> to vector<16xf32>
      %swap3A_75 = vector.shape_cast %broadcast_in_dim3A_70 : vector<16xf32> to vector<1x16xf32>
      tpu.vector_store %arg12[%swap3A_71, %swap3A_72], %swap3A_75 {strides = array<i32>} : memref<32x128xf32, #tpu.memory_space<vmem>>, vector<1x16xf32>,
      %broadcast_in_dim3A_76 = arith.constant 0.000000e+00 : f32
      %broadcast_in_dim3A_77 = vector.broadcast %broadcast_in_dim3A_76 : f32 to vector<16xf32>
      %swap3A_78 = arith.index_cast %scan3A_35 : i32 to index
      %swap3A_79 = arith.constant 96 : index
      %swap3A_80 = tpu.vector_load %arg12[%swap3A_78, %swap3A_79] {strides = array<i32>} : memref<32x128xf32, #tpu.memory_space<vmem>>, vector<1x16xf32>,
      %swap3A_81 = vector.shape_cast %swap3A_80 : vector<1x16xf32> to vector<16xf32>
      %swap3A_82 = vector.shape_cast %broadcast_in_dim3A_77 : vector<16xf32> to vector<1x16xf32>
      tpu.vector_store %arg12[%swap3A_78, %swap3A_79], %swap3A_82 {strides = array<i32>} : memref<32x128xf32, #tpu.memory_space<vmem>>, vector<1x16xf32>,
      %broadcast_in_dim3A_83 = arith.constant 0.000000e+00 : f32
      %broadcast_in_dim3A_84 = vector.broadcast %broadcast_in_dim3A_83 : f32 to vector<16xf32>
      %swap3A_85 = arith.index_cast %scan3A_35 : i32 to index
      %swap3A_86 = arith.constant 112 : index
      %swap3A_87 = tpu.vector_load %arg12[%swap3A_85, %swap3A_86] {strides = array<i32>} : memref<32x128xf32, #tpu.memory_space<vmem>>, vector<1x16xf32>,
      %swap3A_88 = vector.shape_cast %swap3A_87 : vector<1x16xf32> to vector<16xf32>
      %swap3A_89 = vector.shape_cast %broadcast_in_dim3A_84 : vector<16xf32> to vector<1x16xf32>
      tpu.vector_store %arg12[%swap3A_85, %swap3A_86], %swap3A_89 {strides = array<i32>} : memref<32x128xf32, #tpu.memory_space<vmem>>, vector<1x16xf32>,
    }
    %scan3A_16 = arith.constant 32 : i32
    %scan3A_17 = arith.constant 0 : i32
    %scan3A_18 = arith.constant 0 : i32
    %scan3A_19 = arith.constant 20 : i32
    %scan3A_20 = arith.addi %scan3A_18, %scan3A_19 : i32
    %scan3A_21 = arith.constant 1 : i32
    scf.for %scan3A_35 = %scan3A_18 to %scan3A_20 step %scan3A_21  : i32 {
      %mul3A_36 = arith.constant 32 : i32
      %mul3A_37 = arith.muli %scan3A_35, %mul3A_36 : i32
      %add3A_38 = arith.addi %mul3A_2, %mul3A_37 : i32
      "tpu.region"() ({
        %run_scoped3A = tpu.sem_alloc : memref<!tpu.dma_semaphore, #tpu.memory_space<semaphore_mem>>
        %dma_start3A = arith.constant 0 : i32
        %dma_start3A_39 = tpu.memref_slice %arg13[%add3A_38, %dma_start3A] : memref<10240x128xf32, #tpu.memory_space<vmem_shared>> -> memref<32x128xf32, #tpu.memory_space<vmem_shared>>
        %dma_start3A_40 = arith.constant 0 : i32
        %dma_start3A_41 = tpu.memref_slice %arg13[%add3A_38, %dma_start3A_40] : memref<10240x128xf32, #tpu.memory_space<vmem_shared>> -> memref<32x128xf32, #tpu.memory_space<vmem_shared>>
        tpu.enqueue_dma source(%arg12 : memref<32x128xf32, #tpu.memory_space<vmem>>) target(%dma_start3A_41 : memref<32x128xf32, #tpu.memory_space<vmem_shared>>) target_semaphore(%run_scoped3A : memref<!tpu.dma_semaphore, #tpu.memory_space<semaphore_mem>>)
        %dma_wait3A = arith.constant 0 : i32
        %dma_wait3A_42 = tpu.memref_slice %arg13[%add3A_38, %dma_wait3A] : memref<10240x128xf32, #tpu.memory_space<vmem_shared>> -> memref<32x128xf32, #tpu.memory_space<vmem_shared>>
        %dma_wait3A_43 = arith.constant 0 : i32
        %dma_wait3A_44 = tpu.memref_slice %arg13[%add3A_38, %dma_wait3A_43] : memref<10240x128xf32, #tpu.memory_space<vmem_shared>> -> memref<32x128xf32, #tpu.memory_space<vmem_shared>>
        tpu.wait_dma2 semaphore(%run_scoped3A : memref<!tpu.dma_semaphore, #tpu.memory_space<semaphore_mem>>) src(%arg12 : memref<32x128xf32, #tpu.memory_space<vmem>>) dst(%dma_wait3A_44 : memref<32x128xf32, #tpu.memory_space<vmem_shared>>)
        tpu.yield
      }) : () -> ()
    }
    %scan3A_22 = arith.constant 20 : i32
    %lt3A_23 = arith.constant 2500 : i32
    %lt3A_24 = arith.cmpi slt, %add3A, %lt3A_23 : i32
    %convert_element_type3A_25 = arith.extui %lt3A_24 : i1 to i32
    %cond3A_26 = arith.constant 0 : i32
    %cond3A_27 = arith.cmpi ne, %convert_element_type3A_25, %cond3A_26 : i32
    scf.if %cond3A_27 {
      %dma_wait3A = arith.constant 0 : i32
      %dma_wait3A_35 = tpu.memref_slice %arg3[%dma_wait3A] : memref<320000xi32, #tpu.memory_space<hbm>> -> memref<128xi32, #tpu.memory_space<hbm>>
      %dma_wait3A_36 = arith.constant 0 : i32
      %dma_wait3A_37 = tpu.memref_slice %arg3[%dma_wait3A_36] : memref<320000xi32, #tpu.memory_space<hbm>> -> memref<128xi32, #tpu.memory_space<hbm>>
      tpu.wait_dma2 semaphore(%arg16 : memref<!tpu.dma_semaphore, #tpu.memory_space<semaphore_mem>>) src(%dma_wait3A_37 : memref<128xi32, #tpu.memory_space<hbm>>) dst(%arg6 : memref<128xi32, #tpu.memory_space<vmem>>)
      %dma_wait3A_38 = arith.constant 0 : i32
      %dma_wait3A_39 = tpu.memref_slice %arg3[%dma_wait3A_38] : memref<320000xi32, #tpu.memory_space<hbm>> -> memref<128xi32, #tpu.memory_space<hbm>>
      %dma_wait3A_40 = arith.constant 0 : i32
      %dma_wait3A_41 = tpu.memref_slice %arg3[%dma_wait3A_40] : memref<320000xi32, #tpu.memory_space<hbm>> -> memref<128xi32, #tpu.memory_space<hbm>>
      tpu.wait_dma2 semaphore(%arg16 : memref<!tpu.dma_semaphore, #tpu.memory_space<semaphore_mem>>) src(%dma_wait3A_41 : memref<128xi32, #tpu.memory_space<hbm>>) dst(%arg8 : memref<128xi32, #tpu.memory_space<vmem>>)
      %dma_start3A = arith.constant 0 : i32
      %dma_start3A_42 = arith.constant 0 : i32
      %dma_start3A_43 = tpu.memref_slice %arg2[%dma_start3A, %dma_start3A_42] : memref<10000x128xf32, #tpu.memory_space<hbm>> -> memref<10000x128xf32, #tpu.memory_space<hbm>>
      tpu.enqueue_indirect_dma source(%dma_start3A_43 : memref<10000x128xf32, #tpu.memory_space<hbm>>) target(%arg10 : memref<128x128xf32, #tpu.memory_space<vmem>>) offsets(%arg6 : memref<128xi32, #tpu.memory_space<vmem>>) semaphore(%arg14 : memref<!tpu.dma_semaphore, #tpu.memory_space<semaphore_mem>>)
    } else {
    }
    %barrier3A = arith.constant 0 : index
    tpu.barrier barrier_id(%barrier3A)
    %scan3A_28 = arith.constant 0 : i32
    %scan3A_29 = arith.constant 0 : i32
    %scan3A_30 = arith.constant 40 : i32
    %scan3A_31 = arith.addi %scan3A_29, %scan3A_30 : i32
    %scan3A_32 = arith.constant 1 : i32
    scf.for %scan3A_35 = %scan3A_29 to %scan3A_31 step %scan3A_32  : i32 {
      %mul3A_36 = arith.constant 2 : i32
      %mul3A_37 = arith.muli %mul3A_36, %scan3A_35 : i32
      %mul3A_38 = arith.constant 32 : i32
      %mul3A_39 = arith.muli %mul3A_37, %mul3A_38 : i32
      %add3A_40 = arith.addi %add3A, %mul3A_39 : i32
      %add3A_41 = arith.constant 32 : i32
      %add3A_42 = arith.addi %add3A_40, %add3A_41 : i32
      %add3A_43 = arith.constant 64 : i32
      %add3A_44 = arith.addi %add3A_40, %add3A_43 : i32
      %lt3A_45 = arith.constant 2500 : i32
      %lt3A_46 = arith.cmpi slt, %add3A_42, %lt3A_45 : i32
      %convert_element_type3A_47 = arith.extui %lt3A_46 : i1 to i32
      %cond3A_48 = arith.constant 0 : i32
      %cond3A_49 = arith.cmpi ne, %convert_element_type3A_47, %cond3A_48 : i32
      scf.if %cond3A_49 {
        %dma_wait3A = arith.constant 0 : i32
        %dma_wait3A_81 = tpu.memref_slice %arg3[%dma_wait3A] : memref<320000xi32, #tpu.memory_space<hbm>> -> memref<128xi32, #tpu.memory_space<hbm>>
        %dma_wait3A_82 = arith.constant 0 : i32
        %dma_wait3A_83 = tpu.memref_slice %arg3[%dma_wait3A_82] : memref<320000xi32, #tpu.memory_space<hbm>> -> memref<128xi32, #tpu.memory_space<hbm>>
        tpu.wait_dma2 semaphore(%arg17 : memref<!tpu.dma_semaphore, #tpu.memory_space<semaphore_mem>>) src(%dma_wait3A_83 : memref<128xi32, #tpu.memory_space<hbm>>) dst(%arg7 : memref<128xi32, #tpu.memory_space<vmem>>)
        %dma_wait3A_84 = arith.constant 0 : i32
        %dma_wait3A_85 = tpu.memref_slice %arg3[%dma_wait3A_84] : memref<320000xi32, #tpu.memory_space<hbm>> -> memref<128xi32, #tpu.memory_space<hbm>>
        %dma_wait3A_86 = arith.constant 0 : i32
        %dma_wait3A_87 = tpu.memref_slice %arg3[%dma_wait3A_86] : memref<320000xi32, #tpu.memory_space<hbm>> -> memref<128xi32, #tpu.memory_space<hbm>>
        tpu.wait_dma2 semaphore(%arg17 : memref<!tpu.dma_semaphore, #tpu.memory_space<semaphore_mem>>) src(%dma_wait3A_87 : memref<128xi32, #tpu.memory_space<hbm>>) dst(%arg9 : memref<128xi32, #tpu.memory_space<vmem>>)
        %dma_start3A = arith.constant 0 : i32
        %dma_start3A_88 = arith.constant 0 : i32
        %dma_start3A_89 = tpu.memref_slice %arg2[%dma_start3A, %dma_start3A_88] : memref<10000x128xf32, #tpu.memory_space<hbm>> -> memref<10000x128xf32, #tpu.memory_space<hbm>>
        tpu.enqueue_indirect_dma source(%dma_start3A_89 : memref<10000x128xf32, #tpu.memory_space<hbm>>) target(%arg11 : memref<128x128xf32, #tpu.memory_space<vmem>>) offsets(%arg7 : memref<128xi32, #tpu.memory_space<vmem>>) semaphore(%arg15 : memref<!tpu.dma_semaphore, #tpu.memory_space<semaphore_mem>>)
      } else {
      }
      %lt3A_50 = arith.constant 2500 : i32
      %lt3A_51 = arith.cmpi slt, %add3A_40, %lt3A_50 : i32
      %convert_element_type3A_52 = arith.extui %lt3A_51 : i1 to i32
      %cond3A_53 = arith.constant 0 : i32
      %cond3A_54 = arith.cmpi ne, %convert_element_type3A_52, %cond3A_53 : i32
      scf.if %cond3A_54 {
        %dma_wait3A = arith.constant 0 : i32
        %dma_wait3A_81 = arith.constant 0 : i32
        %dma_wait3A_82 = tpu.memref_slice %arg2[%dma_wait3A, %dma_wait3A_81] : memref<10000x128xf32, #tpu.memory_space<hbm>> -> memref<10000x128xf32, #tpu.memory_space<hbm>>
        tpu.wait_indirect_dma semaphore(%arg14 : memref<!tpu.dma_semaphore, #tpu.memory_space<semaphore_mem>>) src(%dma_wait3A_82 : memref<10000x128xf32, #tpu.memory_space<hbm>>) dst(%arg10 : memref<128x128xf32, #tpu.memory_space<vmem>>)
        "tpu.region"() ({
          %run_scoped3A = tpu.sem_alloc : memref<!tpu.dma_semaphore, #tpu.memory_space<semaphore_mem>>
          %dma_start3A = arith.constant 0 : i32
          %dma_start3A_83 = arith.constant 0 : i32
          %dma_start3A_84 = tpu.memref_slice %arg13[%dma_start3A, %dma_start3A_83] : memref<10240x128xf32, #tpu.memory_space<vmem_shared>> -> memref<10240x128xf32, #tpu.memory_space<vmem_shared>>
          tpu.enqueue_indirect_dma source(%arg10 : memref<128x128xf32, #tpu.memory_space<vmem>>) target(%dma_start3A_84 : memref<10240x128xf32, #tpu.memory_space<vmem_shared>>) offsets(%arg8 : memref<128xi32, #tpu.memory_space<vmem>>) semaphore(%run_scoped3A : memref<!tpu.dma_semaphore, #tpu.memory_space<semaphore_mem>>) {add = true}
          %dma_wait3A_85 = arith.constant 0 : i32
          %dma_wait3A_86 = arith.constant 0 : i32
          %dma_wait3A_87 = tpu.memref_slice %arg13[%dma_wait3A_85, %dma_wait3A_86] : memref<10240x128xf32, #tpu.memory_space<vmem_shared>> -> memref<10240x128xf32, #tpu.memory_space<vmem_shared>>
          tpu.wait_indirect_dma semaphore(%run_scoped3A : memref<!tpu.dma_semaphore, #tpu.memory_space<semaphore_mem>>) src(%arg10 : memref<128x128xf32, #tpu.memory_space<vmem>>) dst(%dma_wait3A_87 : memref<10240x128xf32, #tpu.memory_space<vmem_shared>>)
          tpu.yield
        }) : () -> ()
      } else {
      }
      %lt3A_55 = arith.constant 2500 : i32
      %lt3A_56 = arith.cmpi slt, %add3A_44, %lt3A_55 : i32
      %convert_element_type3A_57 = arith.extui %lt3A_56 : i1 to i32
      %cond3A_58 = arith.constant 0 : i32
      %cond3A_59 = arith.cmpi ne, %convert_element_type3A_57, %cond3A_58 : i32
      scf.if %cond3A_59 {
        %mul3A_81 = arith.constant 128 : i32
        %mul3A_82 = arith.muli %add3A_44, %mul3A_81 : i32
        %dma_start3A = tpu.memref_slice %arg3[%mul3A_82] : memref<320000xi32, #tpu.memory_space<hbm>> -> memref<128xi32, #tpu.memory_space<hbm>>
        %dma_start3A_83 = tpu.memref_slice %arg3[%mul3A_82] : memref<320000xi32, #tpu.memory_space<hbm>> -> memref<128xi32, #tpu.memory_space<hbm>>
        tpu.enqueue_dma source(%dma_start3A_83 : memref<128xi32, #tpu.memory_space<hbm>>) target(%arg6 : memref<128xi32, #tpu.memory_space<vmem>>) target_semaphore(%arg16 : memref<!tpu.dma_semaphore, #tpu.memory_space<semaphore_mem>>)
        %mul3A_84 = arith.constant 128 : i32
        %mul3A_85 = arith.muli %add3A_44, %mul3A_84 : i32
        %dma_start3A_86 = tpu.memref_slice %arg4[%mul3A_85] : memref<320000xi32, #tpu.memory_space<hbm>> -> memref<128xi32, #tpu.memory_space<hbm>>
        %dma_start3A_87 = tpu.memref_slice %arg4[%mul3A_85] : memref<320000xi32, #tpu.memory_space<hbm>> -> memref<128xi32, #tpu.memory_space<hbm>>
        tpu.enqueue_dma source(%dma_start3A_87 : memref<128xi32, #tpu.memory_space<hbm>>) target(%arg8 : memref<128xi32, #tpu.memory_space<vmem>>) target_semaphore(%arg16 : memref<!tpu.dma_semaphore, #tpu.memory_space<semaphore_mem>>)
      } else {
      }
      %add3A_60 = arith.constant 32 : i32
      %add3A_61 = arith.addi %add3A_40, %add3A_60 : i32
      %add3A_62 = arith.constant 64 : i32
      %add3A_63 = arith.addi %add3A_40, %add3A_62 : i32
      %add3A_64 = arith.constant 96 : i32
      %add3A_65 = arith.addi %add3A_40, %add3A_64 : i32
      %lt3A_66 = arith.constant 2500 : i32
      %lt3A_67 = arith.cmpi slt, %add3A_63, %lt3A_66 : i32
      %convert_element_type3A_68 = arith.extui %lt3A_67 : i1 to i32
      %cond3A_69 = arith.constant 0 : i32
      %cond3A_70 = arith.cmpi ne, %convert_element_type3A_68, %cond3A_69 : i32
      scf.if %cond3A_70 {
        %dma_wait3A = arith.constant 0 : i32
        %dma_wait3A_81 = tpu.memref_slice %arg3[%dma_wait3A] : memref<320000xi32, #tpu.memory_space<hbm>> -> memref<128xi32, #tpu.memory_space<hbm>>
        %dma_wait3A_82 = arith.constant 0 : i32
        %dma_wait3A_83 = tpu.memref_slice %arg3[%dma_wait3A_82] : memref<320000xi32, #tpu.memory_space<hbm>> -> memref<128xi32, #tpu.memory_space<hbm>>
        tpu.wait_dma2 semaphore(%arg16 : memref<!tpu.dma_semaphore, #tpu.memory_space<semaphore_mem>>) src(%dma_wait3A_83 : memref<128xi32, #tpu.memory_space<hbm>>) dst(%arg6 : memref<128xi32, #tpu.memory_space<vmem>>)
        %dma_wait3A_84 = arith.constant 0 : i32
        %dma_wait3A_85 = tpu.memref_slice %arg3[%dma_wait3A_84] : memref<320000xi32, #tpu.memory_space<hbm>> -> memref<128xi32, #tpu.memory_space<hbm>>
        %dma_wait3A_86 = arith.constant 0 : i32
        %dma_wait3A_87 = tpu.memref_slice %arg3[%dma_wait3A_86] : memref<320000xi32, #tpu.memory_space<hbm>> -> memref<128xi32, #tpu.memory_space<hbm>>
        tpu.wait_dma2 semaphore(%arg16 : memref<!tpu.dma_semaphore, #tpu.memory_space<semaphore_mem>>) src(%dma_wait3A_87 : memref<128xi32, #tpu.memory_space<hbm>>) dst(%arg8 : memref<128xi32, #tpu.memory_space<vmem>>)
        %dma_start3A = arith.constant 0 : i32
        %dma_start3A_88 = arith.constant 0 : i32
        %dma_start3A_89 = tpu.memref_slice %arg2[%dma_start3A, %dma_start3A_88] : memref<10000x128xf32, #tpu.memory_space<hbm>> -> memref<10000x128xf32, #tpu.memory_space<hbm>>
        tpu.enqueue_indirect_dma source(%dma_start3A_89 : memref<10000x128xf32, #tpu.memory_space<hbm>>) target(%arg10 : memref<128x128xf32, #tpu.memory_space<vmem>>) offsets(%arg6 : memref<128xi32, #tpu.memory_space<vmem>>) semaphore(%arg14 : memref<!tpu.dma_semaphore, #tpu.memory_space<semaphore_mem>>)
      } else {
      }
      %lt3A_71 = arith.constant 2500 : i32
      %lt3A_72 = arith.cmpi slt, %add3A_61, %lt3A_71 : i32
      %convert_element_type3A_73 = arith.extui %lt3A_72 : i1 to i32
      %cond3A_74 = arith.constant 0 : i32
      %cond3A_75 = arith.cmpi ne, %convert_element_type3A_73, %cond3A_74 : i32
      scf.if %cond3A_75 {
        %dma_wait3A = arith.constant 0 : i32
        %dma_wait3A_81 = arith.constant 0 : i32
        %dma_wait3A_82 = tpu.memref_slice %arg2[%dma_wait3A, %dma_wait3A_81] : memref<10000x128xf32, #tpu.memory_space<hbm>> -> memref<10000x128xf32, #tpu.memory_space<hbm>>
        tpu.wait_indirect_dma semaphore(%arg15 : memref<!tpu.dma_semaphore, #tpu.memory_space<semaphore_mem>>) src(%dma_wait3A_82 : memref<10000x128xf32, #tpu.memory_space<hbm>>) dst(%arg11 : memref<128x128xf32, #tpu.memory_space<vmem>>)
        "tpu.region"() ({
          %run_scoped3A = tpu.sem_alloc : memref<!tpu.dma_semaphore, #tpu.memory_space<semaphore_mem>>
          %dma_start3A = arith.constant 0 : i32
          %dma_start3A_83 = arith.constant 0 : i32
          %dma_start3A_84 = tpu.memref_slice %arg13[%dma_start3A, %dma_start3A_83] : memref<10240x128xf32, #tpu.memory_space<vmem_shared>> -> memref<10240x128xf32, #tpu.memory_space<vmem_shared>>
          tpu.enqueue_indirect_dma source(%arg11 : memref<128x128xf32, #tpu.memory_space<vmem>>) target(%dma_start3A_84 : memref<10240x128xf32, #tpu.memory_space<vmem_shared>>) offsets(%arg9 : memref<128xi32, #tpu.memory_space<vmem>>) semaphore(%run_scoped3A : memref<!tpu.dma_semaphore, #tpu.memory_space<semaphore_mem>>) {add = true}
          %dma_wait3A_85 = arith.constant 0 : i32
          %dma_wait3A_86 = arith.constant 0 : i32
          %dma_wait3A_87 = tpu.memref_slice %arg13[%dma_wait3A_85, %dma_wait3A_86] : memref<10240x128xf32, #tpu.memory_space<vmem_shared>> -> memref<10240x128xf32, #tpu.memory_space<vmem_shared>>
          tpu.wait_indirect_dma semaphore(%run_scoped3A : memref<!tpu.dma_semaphore, #tpu.memory_space<semaphore_mem>>) src(%arg11 : memref<128x128xf32, #tpu.memory_space<vmem>>) dst(%dma_wait3A_87 : memref<10240x128xf32, #tpu.memory_space<vmem_shared>>)
          tpu.yield
        }) : () -> ()
      } else {
      }
      %lt3A_76 = arith.constant 2500 : i32
      %lt3A_77 = arith.cmpi slt, %add3A_65, %lt3A_76 : i32
      %convert_element_type3A_78 = arith.extui %lt3A_77 : i1 to i32
      %cond3A_79 = arith.constant 0 : i32
      %cond3A_80 = arith.cmpi ne, %convert_element_type3A_78, %cond3A_79 : i32
      scf.if %cond3A_80 {
        %mul3A_81 = arith.constant 128 : i32
        %mul3A_82 = arith.muli %add3A_65, %mul3A_81 : i32
        %dma_start3A = tpu.memref_slice %arg3[%mul3A_82] : memref<320000xi32, #tpu.memory_space<hbm>> -> memref<128xi32, #tpu.memory_space<hbm>>
        %dma_start3A_83 = tpu.memref_slice %arg3[%mul3A_82] : memref<320000xi32, #tpu.memory_space<hbm>> -> memref<128xi32, #tpu.memory_space<hbm>>
        tpu.enqueue_dma source(%dma_start3A_83 : memref<128xi32, #tpu.memory_space<hbm>>) target(%arg7 : memref<128xi32, #tpu.memory_space<vmem>>) target_semaphore(%arg17 : memref<!tpu.dma_semaphore, #tpu.memory_space<semaphore_mem>>)
        %mul3A_84 = arith.constant 128 : i32
        %mul3A_85 = arith.muli %add3A_65, %mul3A_84 : i32
        %dma_start3A_86 = tpu.memref_slice %arg4[%mul3A_85] : memref<320000xi32, #tpu.memory_space<hbm>> -> memref<128xi32, #tpu.memory_space<hbm>>
        %dma_start3A_87 = tpu.memref_slice %arg4[%mul3A_85] : memref<320000xi32, #tpu.memory_space<hbm>> -> memref<128xi32, #tpu.memory_space<hbm>>
        tpu.enqueue_dma source(%dma_start3A_87 : memref<128xi32, #tpu.memory_space<hbm>>) target(%arg9 : memref<128xi32, #tpu.memory_space<vmem>>) target_semaphore(%arg17 : memref<!tpu.dma_semaphore, #tpu.memory_space<semaphore_mem>>)
      } else {
      }
    }
    %scan3A_33 = arith.constant 40 : i32
    %barrier3A_34 = arith.constant 0 : index
    tpu.barrier barrier_id(%barrier3A_34)
    "tpu.region"() ({
      %run_scoped3A = tpu.sem_alloc : memref<!tpu.dma_semaphore, #tpu.memory_space<semaphore_mem>>
      %dma_start3A = arith.constant 0 : i32
      %dma_start3A_35 = tpu.memref_slice %arg5[%arg0, %mul3A_2, %dma_start3A] : memref<2x10240x128xf32, #tpu.memory_space<hbm>> -> memref<1x640x128xf32, #tpu.memory_space<hbm>>
      %dma_start3A_36 = tpu.memref_squeeze %dma_start3A_35 : memref<1x640x128xf32, #tpu.memory_space<hbm>> -> memref<640x128xf32, #tpu.memory_space<hbm>>
      %dma_start3A_37 = arith.constant 0 : i32
      %dma_start3A_38 = tpu.memref_slice %arg13[%mul3A_2, %dma_start3A_37] : memref<10240x128xf32, #tpu.memory_space<vmem_shared>> -> memref<640x128xf32, #tpu.memory_space<vmem_shared>>
      tpu.enqueue_dma source(%dma_start3A_38 : memref<640x128xf32, #tpu.memory_space<vmem_shared>>) target(%dma_start3A_36 : memref<640x128xf32, #tpu.memory_space<hbm>>) target_semaphore(%run_scoped3A : memref<!tpu.dma_semaphore, #tpu.memory_space<semaphore_mem>>)
      %dma_wait3A = arith.constant 0 : i32
      %dma_wait3A_39 = tpu.memref_slice %arg5[%arg0, %mul3A_2, %dma_wait3A] : memref<2x10240x128xf32, #tpu.memory_space<hbm>> -> memref<1x640x128xf32, #tpu.memory_space<hbm>>
      %dma_wait3A_40 = tpu.memref_squeeze %dma_wait3A_39 : memref<1x640x128xf32, #tpu.memory_space<hbm>> -> memref<640x128xf32, #tpu.memory_space<hbm>>
      %dma_wait3A_41 = arith.constant 0 : i32
      %dma_wait3A_42 = tpu.memref_slice %arg13[%mul3A_2, %dma_wait3A_41] : memref<10240x128xf32, #tpu.memory_space<vmem_shared>> -> memref<640x128xf32, #tpu.memory_space<vmem_shared>>
      tpu.wait_dma2 semaphore(%run_scoped3A : memref<!tpu.dma_semaphore, #tpu.memory_space<semaphore_mem>>) src(%dma_wait3A_42 : memref<640x128xf32, #tpu.memory_space<vmem_shared>>) dst(%dma_wait3A_40 : memref<640x128xf32, #tpu.memory_space<hbm>>)
      tpu.yield
    }) : () -> ()
    return
  }
}

#map = affine_map<(d0, d1) -> (0, 0)>
#map1 = affine_map<(d0, d1) -> (0)>
#map2 = affine_map<(d0, d1) -> (0, 0, 0)>
module attributes {stable_mosaic.version = 14 : i64} {
  func.func @agg_kernel(%arg0: i32, %arg1: i32, %arg2: memref<10000x128xf32, #tpu.memory_space<hbm>>, %arg3: memref<320000xi32, #tpu.memory_space<hbm>>, %arg4: memref<320000xi32, #tpu.memory_space<hbm>>, %arg5: memref<2x10240x128xf32, #tpu.memory_space<hbm>>, %arg6: memref<128xi32, #tpu.memory_space<vmem>>, %arg7: memref<128xi32, #tpu.memory_space<vmem>>, %arg8: memref<128xi32, #tpu.memory_space<vmem>>, %arg9: memref<128xi32, #tpu.memory_space<vmem>>, %arg10: memref<128x128xf32, #tpu.memory_space<vmem>>, %arg11: memref<128x128xf32, #tpu.memory_space<vmem>>, %arg12: memref<32x128xf32, #tpu.memory_space<vmem>>, %arg13: memref<10240x128xf32, #tpu.memory_space<vmem_shared>>, %arg14: memref<!tpu.dma_semaphore, #tpu.memory_space<semaphore_mem>>, %arg15: memref<!tpu.dma_semaphore, #tpu.memory_space<semaphore_mem>>, %arg16: memref<!tpu.dma_semaphore, #tpu.memory_space<semaphore_mem>>, %arg17: memref<!tpu.dma_semaphore, #tpu.memory_space<semaphore_mem>>) attributes {dimension_semantics = [#tpu.dimension_semantics<core_parallel>, #tpu.dimension_semantics<subcore_parallel>], iteration_bounds = array<i64: 2, 16>, scalar_prefetch = 0 : i64, scratch_operands = 12 : i64, tpu.core_type = #tpu.core_type<sc_vector_subcore>, window_params = [{transform_indices = #map}, {transform_indices = #map1}, {transform_indices = #map1}, {transform_indices = #map2}]} {
    %mul3A = arith.constant 2 : i32
    %mul3A_0 = arith.muli %arg1, %mul3A : i32
    %add3A = arith.addi %mul3A_0, %arg0 : i32
    %mul3A_1 = arith.constant 640 : i32
    %mul3A_2 = arith.muli %arg1, %mul3A_1 : i32
    %lt3A = arith.constant 2500 : i32
    %lt3A_3 = arith.cmpi slt, %add3A, %lt3A : i32
    %convert_element_type3A = arith.extui %lt3A_3 : i1 to i32
    %cond3A = arith.constant 0 : i32
    %cond3A_4 = arith.cmpi ne, %convert_element_type3A, %cond3A : i32
    scf.if %cond3A_4 {
      %mul3A_35 = arith.constant 128 : i32
      %mul3A_36 = arith.muli %add3A, %mul3A_35 : i32
      %dma_start3A = tpu.memref_slice %arg3[%mul3A_36] : memref<320000xi32, #tpu.memory_space<hbm>> -> memref<128xi32, #tpu.memory_space<hbm>>
      %dma_start3A_37 = tpu.memref_slice %arg3[%mul3A_36] : memref<320000xi32, #tpu.memory_space<hbm>> -> memref<128xi32, #tpu.memory_space<hbm>>
      tpu.enqueue_dma source(%dma_start3A_37 : memref<128xi32, #tpu.memory_space<hbm>>) target(%arg6 : memref<128xi32, #tpu.memory_space<vmem>>) target_semaphore(%arg16 : memref<!tpu.dma_semaphore, #tpu.memory_space<semaphore_mem>>)
      %mul3A_38 = arith.constant 128 : i32
      %mul3A_39 = arith.muli %add3A, %mul3A_38 : i32
      %dma_start3A_40 = tpu.memref_slice %arg4[%mul3A_39] : memref<320000xi32, #tpu.memory_space<hbm>> -> memref<128xi32, #tpu.memory_space<hbm>>
      %dma_start3A_41 = tpu.memref_slice %arg4[%mul3A_39] : memref<320000xi32, #tpu.memory_space<hbm>> -> memref<128xi32, #tpu.memory_space<hbm>>
      tpu.enqueue_dma source(%dma_start3A_41 : memref<128xi32, #tpu.memory_space<hbm>>) target(%arg8 : memref<128xi32, #tpu.memory_space<vmem>>) target_semaphore(%arg16 : memref<!tpu.dma_semaphore, #tpu.memory_space<semaphore_mem>>)
    } else {
    }
    %add3A_5 = arith.constant 32 : i32
    %add3A_6 = arith.addi %add3A, %add3A_5 : i32
    %lt3A_7 = arith.constant 2500 : i32
    %lt3A_8 = arith.cmpi slt, %add3A_6, %lt3A_7 : i32
    %convert_element_type3A_9 = arith.extui %lt3A_8 : i1 to i32
    %cond3A_10 = arith.constant 0 : i32
    %cond3A_11 = arith.cmpi ne, %convert_element_type3A_9, %cond3A_10 : i32
    scf.if %cond3A_11 {
      %add3A_35 = arith.constant 32 : i32
      %add3A_36 = arith.addi %add3A, %add3A_35 : i32
      %mul3A_37 = arith.constant 128 : i32
      %mul3A_38 = arith.muli %add3A_36, %mul3A_37 : i32
      %dma_start3A = tpu.memref_slice %arg3[%mul3A_38] : memref<320000xi32, #tpu.memory_space<hbm>> -> memref<128xi32, #tpu.memory_space<hbm>>
      %dma_start3A_39 = tpu.memref_slice %arg3[%mul3A_38] : memref<320000xi32, #tpu.memory_space<hbm>> -> memref<128xi32, #tpu.memory_space<hbm>>
      tpu.enqueue_dma source(%dma_start3A_39 : memref<128xi32, #tpu.memory_space<hbm>>) target(%arg7 : memref<128xi32, #tpu.memory_space<vmem>>) target_semaphore(%arg17 : memref<!tpu.dma_semaphore, #tpu.memory_space<semaphore_mem>>)
      %mul3A_40 = arith.constant 128 : i32
      %mul3A_41 = arith.muli %add3A_36, %mul3A_40 : i32
      %dma_start3A_42 = tpu.memref_slice %arg4[%mul3A_41] : memref<320000xi32, #tpu.memory_space<hbm>> -> memref<128xi32, #tpu.memory_space<hbm>>
      %dma_start3A_43 = tpu.memref_slice %arg4[%mul3A_41] : memref<320000xi32, #tpu.memory_space<hbm>> -> memref<128xi32, #tpu.memory_space<hbm>>
      tpu.enqueue_dma source(%dma_start3A_43 : memref<128xi32, #tpu.memory_space<hbm>>) target(%arg9 : memref<128xi32, #tpu.memory_space<vmem>>) target_semaphore(%arg17 : memref<!tpu.dma_semaphore, #tpu.memory_space<semaphore_mem>>)
    } else {
    }
    %scan3A = arith.constant 0 : i32
    %scan3A_12 = arith.constant 0 : i32
    %scan3A_13 = arith.constant 32 : i32
    %scan3A_14 = arith.addi %scan3A_12, %scan3A_13 : i32
    %scan3A_15 = arith.constant 1 : i32
    scf.for %scan3A_35 = %scan3A_12 to %scan3A_14 step %scan3A_15  : i32 {
      %broadcast_in_dim3A = arith.constant 0.000000e+00 : f32
      %broadcast_in_dim3A_36 = vector.broadcast %broadcast_in_dim3A : f32 to vector<16xf32>
      %swap3A = arith.index_cast %scan3A_35 : i32 to index
      %swap3A_37 = arith.constant 0 : index
      %swap3A_38 = tpu.vector_load %arg12[%swap3A, %swap3A_37] {strides = array<i32>} : memref<32x128xf32, #tpu.memory_space<vmem>>, vector<1x16xf32>,
      %swap3A_39 = vector.shape_cast %swap3A_38 : vector<1x16xf32> to vector<16xf32>
      %swap3A_40 = vector.shape_cast %broadcast_in_dim3A_36 : vector<16xf32> to vector<1x16xf32>
      tpu.vector_store %arg12[%swap3A, %swap3A_37], %swap3A_40 {strides = array<i32>} : memref<32x128xf32, #tpu.memory_space<vmem>>, vector<1x16xf32>,
      %broadcast_in_dim3A_41 = arith.constant 0.000000e+00 : f32
      %broadcast_in_dim3A_42 = vector.broadcast %broadcast_in_dim3A_41 : f32 to vector<16xf32>
      %swap3A_43 = arith.index_cast %scan3A_35 : i32 to index
      %swap3A_44 = arith.constant 16 : index
      %swap3A_45 = tpu.vector_load %arg12[%swap3A_43, %swap3A_44] {strides = array<i32>} : memref<32x128xf32, #tpu.memory_space<vmem>>, vector<1x16xf32>,
      %swap3A_46 = vector.shape_cast %swap3A_45 : vector<1x16xf32> to vector<16xf32>
      %swap3A_47 = vector.shape_cast %broadcast_in_dim3A_42 : vector<16xf32> to vector<1x16xf32>
      tpu.vector_store %arg12[%swap3A_43, %swap3A_44], %swap3A_47 {strides = array<i32>} : memref<32x128xf32, #tpu.memory_space<vmem>>, vector<1x16xf32>,
      %broadcast_in_dim3A_48 = arith.constant 0.000000e+00 : f32
      %broadcast_in_dim3A_49 = vector.broadcast %broadcast_in_dim3A_48 : f32 to vector<16xf32>
      %swap3A_50 = arith.index_cast %scan3A_35 : i32 to index
      %swap3A_51 = arith.constant 32 : index
      %swap3A_52 = tpu.vector_load %arg12[%swap3A_50, %swap3A_51] {strides = array<i32>} : memref<32x128xf32, #tpu.memory_space<vmem>>, vector<1x16xf32>,
      %swap3A_53 = vector.shape_cast %swap3A_52 : vector<1x16xf32> to vector<16xf32>
      %swap3A_54 = vector.shape_cast %broadcast_in_dim3A_49 : vector<16xf32> to vector<1x16xf32>
      tpu.vector_store %arg12[%swap3A_50, %swap3A_51], %swap3A_54 {strides = array<i32>} : memref<32x128xf32, #tpu.memory_space<vmem>>, vector<1x16xf32>,
      %broadcast_in_dim3A_55 = arith.constant 0.000000e+00 : f32
      %broadcast_in_dim3A_56 = vector.broadcast %broadcast_in_dim3A_55 : f32 to vector<16xf32>
      %swap3A_57 = arith.index_cast %scan3A_35 : i32 to index
      %swap3A_58 = arith.constant 48 : index
      %swap3A_59 = tpu.vector_load %arg12[%swap3A_57, %swap3A_58] {strides = array<i32>} : memref<32x128xf32, #tpu.memory_space<vmem>>, vector<1x16xf32>,
      %swap3A_60 = vector.shape_cast %swap3A_59 : vector<1x16xf32> to vector<16xf32>
      %swap3A_61 = vector.shape_cast %broadcast_in_dim3A_56 : vector<16xf32> to vector<1x16xf32>
      tpu.vector_store %arg12[%swap3A_57, %swap3A_58], %swap3A_61 {strides = array<i32>} : memref<32x128xf32, #tpu.memory_space<vmem>>, vector<1x16xf32>,
      %broadcast_in_dim3A_62 = arith.constant 0.000000e+00 : f32
      %broadcast_in_dim3A_63 = vector.broadcast %broadcast_in_dim3A_62 : f32 to vector<16xf32>
      %swap3A_64 = arith.index_cast %scan3A_35 : i32 to index
      %swap3A_65 = arith.constant 64 : index
      %swap3A_66 = tpu.vector_load %arg12[%swap3A_64, %swap3A_65] {strides = array<i32>} : memref<32x128xf32, #tpu.memory_space<vmem>>, vector<1x16xf32>,
      %swap3A_67 = vector.shape_cast %swap3A_66 : vector<1x16xf32> to vector<16xf32>
      %swap3A_68 = vector.shape_cast %broadcast_in_dim3A_63 : vector<16xf32> to vector<1x16xf32>
      tpu.vector_store %arg12[%swap3A_64, %swap3A_65], %swap3A_68 {strides = array<i32>} : memref<32x128xf32, #tpu.memory_space<vmem>>, vector<1x16xf32>,
      %broadcast_in_dim3A_69 = arith.constant 0.000000e+00 : f32
      %broadcast_in_dim3A_70 = vector.broadcast %broadcast_in_dim3A_69 : f32 to vector<16xf32>
      %swap3A_71 = arith.index_cast %scan3A_35 : i32 to index
      %swap3A_72 = arith.constant 80 : index
      %swap3A_73 = tpu.vector_load %arg12[%swap3A_71, %swap3A_72] {strides = array<i32>} : memref<32x128xf32, #tpu.memory_space<vmem>>, vector<1x16xf32>,
      %swap3A_74 = vector.shape_cast %swap3A_73 : vector<1x16xf32> to vector<16xf32>
      %swap3A_75 = vector.shape_cast %broadcast_in_dim3A_70 : vector<16xf32> to vector<1x16xf32>
      tpu.vector_store %arg12[%swap3A_71, %swap3A_72], %swap3A_75 {strides = array<i32>} : memref<32x128xf32, #tpu.memory_space<vmem>>, vector<1x16xf32>,
      %broadcast_in_dim3A_76 = arith.constant 0.000000e+00 : f32
      %broadcast_in_dim3A_77 = vector.broadcast %broadcast_in_dim3A_76 : f32 to vector<16xf32>
      %swap3A_78 = arith.index_cast %scan3A_35 : i32 to index
      %swap3A_79 = arith.constant 96 : index
      %swap3A_80 = tpu.vector_load %arg12[%swap3A_78, %swap3A_79] {strides = array<i32>} : memref<32x128xf32, #tpu.memory_space<vmem>>, vector<1x16xf32>,
      %swap3A_81 = vector.shape_cast %swap3A_80 : vector<1x16xf32> to vector<16xf32>
      %swap3A_82 = vector.shape_cast %broadcast_in_dim3A_77 : vector<16xf32> to vector<1x16xf32>
      tpu.vector_store %arg12[%swap3A_78, %swap3A_79], %swap3A_82 {strides = array<i32>} : memref<32x128xf32, #tpu.memory_space<vmem>>, vector<1x16xf32>,
      %broadcast_in_dim3A_83 = arith.constant 0.000000e+00 : f32
      %broadcast_in_dim3A_84 = vector.broadcast %broadcast_in_dim3A_83 : f32 to vector<16xf32>
      %swap3A_85 = arith.index_cast %scan3A_35 : i32 to index
      %swap3A_86 = arith.constant 112 : index
      %swap3A_87 = tpu.vector_load %arg12[%swap3A_85, %swap3A_86] {strides = array<i32>} : memref<32x128xf32, #tpu.memory_space<vmem>>, vector<1x16xf32>,
      %swap3A_88 = vector.shape_cast %swap3A_87 : vector<1x16xf32> to vector<16xf32>
      %swap3A_89 = vector.shape_cast %broadcast_in_dim3A_84 : vector<16xf32> to vector<1x16xf32>
      tpu.vector_store %arg12[%swap3A_85, %swap3A_86], %swap3A_89 {strides = array<i32>} : memref<32x128xf32, #tpu.memory_space<vmem>>, vector<1x16xf32>,
    }
    %scan3A_16 = arith.constant 32 : i32
    %scan3A_17 = arith.constant 0 : i32
    %scan3A_18 = arith.constant 0 : i32
    %scan3A_19 = arith.constant 20 : i32
    %scan3A_20 = arith.addi %scan3A_18, %scan3A_19 : i32
    %scan3A_21 = arith.constant 1 : i32
    scf.for %scan3A_35 = %scan3A_18 to %scan3A_20 step %scan3A_21  : i32 {
      %mul3A_36 = arith.constant 32 : i32
      %mul3A_37 = arith.muli %scan3A_35, %mul3A_36 : i32
      %add3A_38 = arith.addi %mul3A_2, %mul3A_37 : i32
      "tpu.region"() ({
        %run_scoped3A = tpu.sem_alloc : memref<!tpu.dma_semaphore, #tpu.memory_space<semaphore_mem>>
        %dma_start3A = arith.constant 0 : i32
        %dma_start3A_39 = tpu.memref_slice %arg13[%add3A_38, %dma_start3A] : memref<10240x128xf32, #tpu.memory_space<vmem_shared>> -> memref<32x128xf32, #tpu.memory_space<vmem_shared>>
        %dma_start3A_40 = arith.constant 0 : i32
        %dma_start3A_41 = tpu.memref_slice %arg13[%add3A_38, %dma_start3A_40] : memref<10240x128xf32, #tpu.memory_space<vmem_shared>> -> memref<32x128xf32, #tpu.memory_space<vmem_shared>>
        tpu.enqueue_dma source(%arg12 : memref<32x128xf32, #tpu.memory_space<vmem>>) target(%dma_start3A_41 : memref<32x128xf32, #tpu.memory_space<vmem_shared>>) target_semaphore(%run_scoped3A : memref<!tpu.dma_semaphore, #tpu.memory_space<semaphore_mem>>)
        %dma_wait3A = arith.constant 0 : i32
        %dma_wait3A_42 = tpu.memref_slice %arg13[%add3A_38, %dma_wait3A] : memref<10240x128xf32, #tpu.memory_space<vmem_shared>> -> memref<32x128xf32, #tpu.memory_space<vmem_shared>>
        %dma_wait3A_43 = arith.constant 0 : i32
        %dma_wait3A_44 = tpu.memref_slice %arg13[%add3A_38, %dma_wait3A_43] : memref<10240x128xf32, #tpu.memory_space<vmem_shared>> -> memref<32x128xf32, #tpu.memory_space<vmem_shared>>
        tpu.wait_dma2 semaphore(%run_scoped3A : memref<!tpu.dma_semaphore, #tpu.memory_space<semaphore_mem>>) src(%arg12 : memref<32x128xf32, #tpu.memory_space<vmem>>) dst(%dma_wait3A_44 : memref<32x128xf32, #tpu.memory_space<vmem_shared>>)
        tpu.yield
      }) : () -> ()
    }
    %scan3A_22 = arith.constant 20 : i32
    %lt3A_23 = arith.constant 2500 : i32
    %lt3A_24 = arith.cmpi slt, %add3A, %lt3A_23 : i32
    %convert_element_type3A_25 = arith.extui %lt3A_24 : i1 to i32
    %cond3A_26 = arith.constant 0 : i32
    %cond3A_27 = arith.cmpi ne, %convert_element_type3A_25, %cond3A_26 : i32
    scf.if %cond3A_27 {
      %dma_wait3A = arith.constant 0 : i32
      %dma_wait3A_35 = tpu.memref_slice %arg3[%dma_wait3A] : memref<320000xi32, #tpu.memory_space<hbm>> -> memref<128xi32, #tpu.memory_space<hbm>>
      %dma_wait3A_36 = arith.constant 0 : i32
      %dma_wait3A_37 = tpu.memref_slice %arg3[%dma_wait3A_36] : memref<320000xi32, #tpu.memory_space<hbm>> -> memref<128xi32, #tpu.memory_space<hbm>>
      tpu.wait_dma2 semaphore(%arg16 : memref<!tpu.dma_semaphore, #tpu.memory_space<semaphore_mem>>) src(%dma_wait3A_37 : memref<128xi32, #tpu.memory_space<hbm>>) dst(%arg6 : memref<128xi32, #tpu.memory_space<vmem>>)
      %dma_wait3A_38 = arith.constant 0 : i32
      %dma_wait3A_39 = tpu.memref_slice %arg3[%dma_wait3A_38] : memref<320000xi32, #tpu.memory_space<hbm>> -> memref<128xi32, #tpu.memory_space<hbm>>
      %dma_wait3A_40 = arith.constant 0 : i32
      %dma_wait3A_41 = tpu.memref_slice %arg3[%dma_wait3A_40] : memref<320000xi32, #tpu.memory_space<hbm>> -> memref<128xi32, #tpu.memory_space<hbm>>
      tpu.wait_dma2 semaphore(%arg16 : memref<!tpu.dma_semaphore, #tpu.memory_space<semaphore_mem>>) src(%dma_wait3A_41 : memref<128xi32, #tpu.memory_space<hbm>>) dst(%arg8 : memref<128xi32, #tpu.memory_space<vmem>>)
      %dma_start3A = arith.constant 0 : i32
      %dma_start3A_42 = arith.constant 0 : i32
      %dma_start3A_43 = tpu.memref_slice %arg2[%dma_start3A, %dma_start3A_42] : memref<10000x128xf32, #tpu.memory_space<hbm>> -> memref<10000x128xf32, #tpu.memory_space<hbm>>
      tpu.enqueue_indirect_dma source(%dma_start3A_43 : memref<10000x128xf32, #tpu.memory_space<hbm>>) target(%arg10 : memref<128x128xf32, #tpu.memory_space<vmem>>) offsets(%arg6 : memref<128xi32, #tpu.memory_space<vmem>>) semaphore(%arg14 : memref<!tpu.dma_semaphore, #tpu.memory_space<semaphore_mem>>)
    } else {
    }
    %barrier3A = arith.constant 0 : index
    tpu.barrier barrier_id(%barrier3A)
    %scan3A_28 = arith.constant 0 : i32
    %scan3A_29 = arith.constant 0 : i32
    %scan3A_30 = arith.constant 40 : i32
    %scan3A_31 = arith.addi %scan3A_29, %scan3A_30 : i32
    %scan3A_32 = arith.constant 1 : i32
    scf.for %scan3A_35 = %scan3A_29 to %scan3A_31 step %scan3A_32  : i32 {
      %mul3A_36 = arith.constant 2 : i32
      %mul3A_37 = arith.muli %mul3A_36, %scan3A_35 : i32
      %mul3A_38 = arith.constant 32 : i32
      %mul3A_39 = arith.muli %mul3A_37, %mul3A_38 : i32
      %add3A_40 = arith.addi %add3A, %mul3A_39 : i32
      %add3A_41 = arith.constant 32 : i32
      %add3A_42 = arith.addi %add3A_40, %add3A_41 : i32
      %add3A_43 = arith.constant 64 : i32
      %add3A_44 = arith.addi %add3A_40, %add3A_43 : i32
      %lt3A_45 = arith.constant 2500 : i32
      %lt3A_46 = arith.cmpi slt, %add3A_42, %lt3A_45 : i32
      %convert_element_type3A_47 = arith.extui %lt3A_46 : i1 to i32
      %cond3A_48 = arith.constant 0 : i32
      %cond3A_49 = arith.cmpi ne, %convert_element_type3A_47, %cond3A_48 : i32
      scf.if %cond3A_49 {
        %dma_wait3A = arith.constant 0 : i32
        %dma_wait3A_81 = tpu.memref_slice %arg3[%dma_wait3A] : memref<320000xi32, #tpu.memory_space<hbm>> -> memref<128xi32, #tpu.memory_space<hbm>>
        %dma_wait3A_82 = arith.constant 0 : i32
        %dma_wait3A_83 = tpu.memref_slice %arg3[%dma_wait3A_82] : memref<320000xi32, #tpu.memory_space<hbm>> -> memref<128xi32, #tpu.memory_space<hbm>>
        tpu.wait_dma2 semaphore(%arg17 : memref<!tpu.dma_semaphore, #tpu.memory_space<semaphore_mem>>) src(%dma_wait3A_83 : memref<128xi32, #tpu.memory_space<hbm>>) dst(%arg7 : memref<128xi32, #tpu.memory_space<vmem>>)
        %dma_wait3A_84 = arith.constant 0 : i32
        %dma_wait3A_85 = tpu.memref_slice %arg3[%dma_wait3A_84] : memref<320000xi32, #tpu.memory_space<hbm>> -> memref<128xi32, #tpu.memory_space<hbm>>
        %dma_wait3A_86 = arith.constant 0 : i32
        %dma_wait3A_87 = tpu.memref_slice %arg3[%dma_wait3A_86] : memref<320000xi32, #tpu.memory_space<hbm>> -> memref<128xi32, #tpu.memory_space<hbm>>
        tpu.wait_dma2 semaphore(%arg17 : memref<!tpu.dma_semaphore, #tpu.memory_space<semaphore_mem>>) src(%dma_wait3A_87 : memref<128xi32, #tpu.memory_space<hbm>>) dst(%arg9 : memref<128xi32, #tpu.memory_space<vmem>>)
        %dma_start3A = arith.constant 0 : i32
        %dma_start3A_88 = arith.constant 0 : i32
        %dma_start3A_89 = tpu.memref_slice %arg2[%dma_start3A, %dma_start3A_88] : memref<10000x128xf32, #tpu.memory_space<hbm>> -> memref<10000x128xf32, #tpu.memory_space<hbm>>
        tpu.enqueue_indirect_dma source(%dma_start3A_89 : memref<10000x128xf32, #tpu.memory_space<hbm>>) target(%arg11 : memref<128x128xf32, #tpu.memory_space<vmem>>) offsets(%arg7 : memref<128xi32, #tpu.memory_space<vmem>>) semaphore(%arg15 : memref<!tpu.dma_semaphore, #tpu.memory_space<semaphore_mem>>)
      } else {
      }
      %lt3A_50 = arith.constant 2500 : i32
      %lt3A_51 = arith.cmpi slt, %add3A_40, %lt3A_50 : i32
      %convert_element_type3A_52 = arith.extui %lt3A_51 : i1 to i32
      %cond3A_53 = arith.constant 0 : i32
      %cond3A_54 = arith.cmpi ne, %convert_element_type3A_52, %cond3A_53 : i32
      scf.if %cond3A_54 {
        %dma_wait3A = arith.constant 0 : i32
        %dma_wait3A_81 = arith.constant 0 : i32
        %dma_wait3A_82 = tpu.memref_slice %arg2[%dma_wait3A, %dma_wait3A_81] : memref<10000x128xf32, #tpu.memory_space<hbm>> -> memref<10000x128xf32, #tpu.memory_space<hbm>>
        tpu.wait_indirect_dma semaphore(%arg14 : memref<!tpu.dma_semaphore, #tpu.memory_space<semaphore_mem>>) src(%dma_wait3A_82 : memref<10000x128xf32, #tpu.memory_space<hbm>>) dst(%arg10 : memref<128x128xf32, #tpu.memory_space<vmem>>)
        "tpu.region"() ({
          %run_scoped3A = tpu.sem_alloc : memref<!tpu.dma_semaphore, #tpu.memory_space<semaphore_mem>>
          %dma_start3A = arith.constant 0 : i32
          %dma_start3A_83 = arith.constant 0 : i32
          %dma_start3A_84 = tpu.memref_slice %arg13[%dma_start3A, %dma_start3A_83] : memref<10240x128xf32, #tpu.memory_space<vmem_shared>> -> memref<10240x128xf32, #tpu.memory_space<vmem_shared>>
          tpu.enqueue_indirect_dma source(%arg10 : memref<128x128xf32, #tpu.memory_space<vmem>>) target(%dma_start3A_84 : memref<10240x128xf32, #tpu.memory_space<vmem_shared>>) offsets(%arg8 : memref<128xi32, #tpu.memory_space<vmem>>) semaphore(%run_scoped3A : memref<!tpu.dma_semaphore, #tpu.memory_space<semaphore_mem>>) {add = true}
          %dma_wait3A_85 = arith.constant 0 : i32
          %dma_wait3A_86 = arith.constant 0 : i32
          %dma_wait3A_87 = tpu.memref_slice %arg13[%dma_wait3A_85, %dma_wait3A_86] : memref<10240x128xf32, #tpu.memory_space<vmem_shared>> -> memref<10240x128xf32, #tpu.memory_space<vmem_shared>>
          tpu.wait_indirect_dma semaphore(%run_scoped3A : memref<!tpu.dma_semaphore, #tpu.memory_space<semaphore_mem>>) src(%arg10 : memref<128x128xf32, #tpu.memory_space<vmem>>) dst(%dma_wait3A_87 : memref<10240x128xf32, #tpu.memory_space<vmem_shared>>)
          tpu.yield
        }) : () -> ()
      } else {
      }
      %lt3A_55 = arith.constant 2500 : i32
      %lt3A_56 = arith.cmpi slt, %add3A_44, %lt3A_55 : i32
      %convert_element_type3A_57 = arith.extui %lt3A_56 : i1 to i32
      %cond3A_58 = arith.constant 0 : i32
      %cond3A_59 = arith.cmpi ne, %convert_element_type3A_57, %cond3A_58 : i32
      scf.if %cond3A_59 {
        %mul3A_81 = arith.constant 128 : i32
        %mul3A_82 = arith.muli %add3A_44, %mul3A_81 : i32
        %dma_start3A = tpu.memref_slice %arg3[%mul3A_82] : memref<320000xi32, #tpu.memory_space<hbm>> -> memref<128xi32, #tpu.memory_space<hbm>>
        %dma_start3A_83 = tpu.memref_slice %arg3[%mul3A_82] : memref<320000xi32, #tpu.memory_space<hbm>> -> memref<128xi32, #tpu.memory_space<hbm>>
        tpu.enqueue_dma source(%dma_start3A_83 : memref<128xi32, #tpu.memory_space<hbm>>) target(%arg6 : memref<128xi32, #tpu.memory_space<vmem>>) target_semaphore(%arg16 : memref<!tpu.dma_semaphore, #tpu.memory_space<semaphore_mem>>)
        %mul3A_84 = arith.constant 128 : i32
        %mul3A_85 = arith.muli %add3A_44, %mul3A_84 : i32
        %dma_start3A_86 = tpu.memref_slice %arg4[%mul3A_85] : memref<320000xi32, #tpu.memory_space<hbm>> -> memref<128xi32, #tpu.memory_space<hbm>>
        %dma_start3A_87 = tpu.memref_slice %arg4[%mul3A_85] : memref<320000xi32, #tpu.memory_space<hbm>> -> memref<128xi32, #tpu.memory_space<hbm>>
        tpu.enqueue_dma source(%dma_start3A_87 : memref<128xi32, #tpu.memory_space<hbm>>) target(%arg8 : memref<128xi32, #tpu.memory_space<vmem>>) target_semaphore(%arg16 : memref<!tpu.dma_semaphore, #tpu.memory_space<semaphore_mem>>)
      } else {
      }
      %add3A_60 = arith.constant 32 : i32
      %add3A_61 = arith.addi %add3A_40, %add3A_60 : i32
      %add3A_62 = arith.constant 64 : i32
      %add3A_63 = arith.addi %add3A_40, %add3A_62 : i32
      %add3A_64 = arith.constant 96 : i32
      %add3A_65 = arith.addi %add3A_40, %add3A_64 : i32
      %lt3A_66 = arith.constant 2500 : i32
      %lt3A_67 = arith.cmpi slt, %add3A_63, %lt3A_66 : i32
      %convert_element_type3A_68 = arith.extui %lt3A_67 : i1 to i32
      %cond3A_69 = arith.constant 0 : i32
      %cond3A_70 = arith.cmpi ne, %convert_element_type3A_68, %cond3A_69 : i32
      scf.if %cond3A_70 {
        %dma_wait3A = arith.constant 0 : i32
        %dma_wait3A_81 = tpu.memref_slice %arg3[%dma_wait3A] : memref<320000xi32, #tpu.memory_space<hbm>> -> memref<128xi32, #tpu.memory_space<hbm>>
        %dma_wait3A_82 = arith.constant 0 : i32
        %dma_wait3A_83 = tpu.memref_slice %arg3[%dma_wait3A_82] : memref<320000xi32, #tpu.memory_space<hbm>> -> memref<128xi32, #tpu.memory_space<hbm>>
        tpu.wait_dma2 semaphore(%arg16 : memref<!tpu.dma_semaphore, #tpu.memory_space<semaphore_mem>>) src(%dma_wait3A_83 : memref<128xi32, #tpu.memory_space<hbm>>) dst(%arg6 : memref<128xi32, #tpu.memory_space<vmem>>)
        %dma_wait3A_84 = arith.constant 0 : i32
        %dma_wait3A_85 = tpu.memref_slice %arg3[%dma_wait3A_84] : memref<320000xi32, #tpu.memory_space<hbm>> -> memref<128xi32, #tpu.memory_space<hbm>>
        %dma_wait3A_86 = arith.constant 0 : i32
        %dma_wait3A_87 = tpu.memref_slice %arg3[%dma_wait3A_86] : memref<320000xi32, #tpu.memory_space<hbm>> -> memref<128xi32, #tpu.memory_space<hbm>>
        tpu.wait_dma2 semaphore(%arg16 : memref<!tpu.dma_semaphore, #tpu.memory_space<semaphore_mem>>) src(%dma_wait3A_87 : memref<128xi32, #tpu.memory_space<hbm>>) dst(%arg8 : memref<128xi32, #tpu.memory_space<vmem>>)
        %dma_start3A = arith.constant 0 : i32
        %dma_start3A_88 = arith.constant 0 : i32
        %dma_start3A_89 = tpu.memref_slice %arg2[%dma_start3A, %dma_start3A_88] : memref<10000x128xf32, #tpu.memory_space<hbm>> -> memref<10000x128xf32, #tpu.memory_space<hbm>>
        tpu.enqueue_indirect_dma source(%dma_start3A_89 : memref<10000x128xf32, #tpu.memory_space<hbm>>) target(%arg10 : memref<128x128xf32, #tpu.memory_space<vmem>>) offsets(%arg6 : memref<128xi32, #tpu.memory_space<vmem>>) semaphore(%arg14 : memref<!tpu.dma_semaphore, #tpu.memory_space<semaphore_mem>>)
      } else {
      }
      %lt3A_71 = arith.constant 2500 : i32
      %lt3A_72 = arith.cmpi slt, %add3A_61, %lt3A_71 : i32
      %convert_element_type3A_73 = arith.extui %lt3A_72 : i1 to i32
      %cond3A_74 = arith.constant 0 : i32
      %cond3A_75 = arith.cmpi ne, %convert_element_type3A_73, %cond3A_74 : i32
      scf.if %cond3A_75 {
        %dma_wait3A = arith.constant 0 : i32
        %dma_wait3A_81 = arith.constant 0 : i32
        %dma_wait3A_82 = tpu.memref_slice %arg2[%dma_wait3A, %dma_wait3A_81] : memref<10000x128xf32, #tpu.memory_space<hbm>> -> memref<10000x128xf32, #tpu.memory_space<hbm>>
        tpu.wait_indirect_dma semaphore(%arg15 : memref<!tpu.dma_semaphore, #tpu.memory_space<semaphore_mem>>) src(%dma_wait3A_82 : memref<10000x128xf32, #tpu.memory_space<hbm>>) dst(%arg11 : memref<128x128xf32, #tpu.memory_space<vmem>>)
        "tpu.region"() ({
          %run_scoped3A = tpu.sem_alloc : memref<!tpu.dma_semaphore, #tpu.memory_space<semaphore_mem>>
          %dma_start3A = arith.constant 0 : i32
          %dma_start3A_83 = arith.constant 0 : i32
          %dma_start3A_84 = tpu.memref_slice %arg13[%dma_start3A, %dma_start3A_83] : memref<10240x128xf32, #tpu.memory_space<vmem_shared>> -> memref<10240x128xf32, #tpu.memory_space<vmem_shared>>
          tpu.enqueue_indirect_dma source(%arg11 : memref<128x128xf32, #tpu.memory_space<vmem>>) target(%dma_start3A_84 : memref<10240x128xf32, #tpu.memory_space<vmem_shared>>) offsets(%arg9 : memref<128xi32, #tpu.memory_space<vmem>>) semaphore(%run_scoped3A : memref<!tpu.dma_semaphore, #tpu.memory_space<semaphore_mem>>) {add = true}
          %dma_wait3A_85 = arith.constant 0 : i32
          %dma_wait3A_86 = arith.constant 0 : i32
          %dma_wait3A_87 = tpu.memref_slice %arg13[%dma_wait3A_85, %dma_wait3A_86] : memref<10240x128xf32, #tpu.memory_space<vmem_shared>> -> memref<10240x128xf32, #tpu.memory_space<vmem_shared>>
          tpu.wait_indirect_dma semaphore(%run_scoped3A : memref<!tpu.dma_semaphore, #tpu.memory_space<semaphore_mem>>) src(%arg11 : memref<128x128xf32, #tpu.memory_space<vmem>>) dst(%dma_wait3A_87 : memref<10240x128xf32, #tpu.memory_space<vmem_shared>>)
          tpu.yield
        }) : () -> ()
      } else {
      }
      %lt3A_76 = arith.constant 2500 : i32
      %lt3A_77 = arith.cmpi slt, %add3A_65, %lt3A_76 : i32
      %convert_element_type3A_78 = arith.extui %lt3A_77 : i1 to i32
      %cond3A_79 = arith.constant 0 : i32
      %cond3A_80 = arith.cmpi ne, %convert_element_type3A_78, %cond3A_79 : i32
      scf.if %cond3A_80 {
        %mul3A_81 = arith.constant 128 : i32
        %mul3A_82 = arith.muli %add3A_65, %mul3A_81 : i32
        %dma_start3A = tpu.memref_slice %arg3[%mul3A_82] : memref<320000xi32, #tpu.memory_space<hbm>> -> memref<128xi32, #tpu.memory_space<hbm>>
        %dma_start3A_83 = tpu.memref_slice %arg3[%mul3A_82] : memref<320000xi32, #tpu.memory_space<hbm>> -> memref<128xi32, #tpu.memory_space<hbm>>
        tpu.enqueue_dma source(%dma_start3A_83 : memref<128xi32, #tpu.memory_space<hbm>>) target(%arg7 : memref<128xi32, #tpu.memory_space<vmem>>) target_semaphore(%arg17 : memref<!tpu.dma_semaphore, #tpu.memory_space<semaphore_mem>>)
        %mul3A_84 = arith.constant 128 : i32
        %mul3A_85 = arith.muli %add3A_65, %mul3A_84 : i32
        %dma_start3A_86 = tpu.memref_slice %arg4[%mul3A_85] : memref<320000xi32, #tpu.memory_space<hbm>> -> memref<128xi32, #tpu.memory_space<hbm>>
        %dma_start3A_87 = tpu.memref_slice %arg4[%mul3A_85] : memref<320000xi32, #tpu.memory_space<hbm>> -> memref<128xi32, #tpu.memory_space<hbm>>
        tpu.enqueue_dma source(%dma_start3A_87 : memref<128xi32, #tpu.memory_space<hbm>>) target(%arg9 : memref<128xi32, #tpu.memory_space<vmem>>) target_semaphore(%arg17 : memref<!tpu.dma_semaphore, #tpu.memory_space<semaphore_mem>>)
      } else {
      }
    }
    %scan3A_33 = arith.constant 40 : i32
    %barrier3A_34 = arith.constant 0 : index
    tpu.barrier barrier_id(%barrier3A_34)
    "tpu.region"() ({
      %run_scoped3A = tpu.sem_alloc : memref<!tpu.dma_semaphore, #tpu.memory_space<semaphore_mem>>
      %dma_start3A = arith.constant 0 : i32
      %dma_start3A_35 = tpu.memref_slice %arg5[%arg0, %mul3A_2, %dma_start3A] : memref<2x10240x128xf32, #tpu.memory_space<hbm>> -> memref<1x640x128xf32, #tpu.memory_space<hbm>>
      %dma_start3A_36 = tpu.memref_squeeze %dma_start3A_35 : memref<1x640x128xf32, #tpu.memory_space<hbm>> -> memref<640x128xf32, #tpu.memory_space<hbm>>
      %dma_start3A_37 = arith.constant 0 : i32
      %dma_start3A_38 = tpu.memref_slice %arg13[%mul3A_2, %dma_start3A_37] : memref<10240x128xf32, #tpu.memory_space<vmem_shared>> -> memref<640x128xf32, #tpu.memory_space<vmem_shared>>
      tpu.enqueue_dma source(%dma_start3A_38 : memref<640x128xf32, #tpu.memory_space<vmem_shared>>) target(%dma_start3A_36 : memref<640x128xf32, #tpu.memory_space<hbm>>) target_semaphore(%run_scoped3A : memref<!tpu.dma_semaphore, #tpu.memory_space<semaphore_mem>>)
      %dma_wait3A = arith.constant 0 : i32
      %dma_wait3A_39 = tpu.memref_slice %arg5[%arg0, %mul3A_2, %dma_wait3A] : memref<2x10240x128xf32, #tpu.memory_space<hbm>> -> memref<1x640x128xf32, #tpu.memory_space<hbm>>
      %dma_wait3A_40 = tpu.memref_squeeze %dma_wait3A_39 : memref<1x640x128xf32, #tpu.memory_space<hbm>> -> memref<640x128xf32, #tpu.memory_space<hbm>>
      %dma_wait3A_41 = arith.constant 0 : i32
      %dma_wait3A_42 = tpu.memref_slice %arg13[%mul3A_2, %dma_wait3A_41] : memref<10240x128xf32, #tpu.memory_space<vmem_shared>> -> memref<640x128xf32, #tpu.memory_space<vmem_shared>>
      tpu.wait_dma2 semaphore(%run_scoped3A : memref<!tpu.dma_semaphore, #tpu.memory_space<semaphore_mem>>) src(%dma_wait3A_42 : memref<640x128xf32, #tpu.memory_space<vmem_shared>>) dst(%dma_wait3A_40 : memref<640x128xf32, #tpu.memory_space<hbm>>)
      tpu.yield
    }) : () -> ()
    return
  }
}

module attributes {stable_mosaic.version = 14 : i64} {
  func.func @_mid_body(%arg0: i32, %arg1: memref<2x400x128xf32, #tpu.memory_space<vmem>>, %arg2: memref<400x128xf32, #tpu.memory_space<vmem>>, %arg3: memref<2x400x128xf32, #tpu.memory_space<vmem>>, %arg4: memref<128x256xf32, #tpu.memory_space<vmem>>, %arg5: memref<1x256xf32, #tpu.memory_space<vmem>>, %arg6: memref<256x128xf32, #tpu.memory_space<vmem>>, %arg7: memref<400x128xf32, #tpu.memory_space<vmem>>) attributes {dimension_semantics = [#tpu.dimension_semantics<arbitrary>], iteration_bounds = array<i64: 25>, scalar_prefetch = 0 : i64, scratch_operands = 0 : i64, tpu.core_type = #tpu.core_type<tc>, window_params = [{transform_indices = @transform_0, window_bounds = array<i64: 2, 400, 128>}, {transform_indices = @transform_1, window_bounds = array<i64: 400, 128>}, {transform_indices = @transform_2, window_bounds = array<i64: 2, 400, 128>}, {pipeline_mode = #tpu.pipeline_mode<synchronous>, transform_indices = @transform_3, window_bounds = array<i64: 128, 256>}, {pipeline_mode = #tpu.pipeline_mode<synchronous>, transform_indices = @transform_4, window_bounds = array<i64: 1, 256>}, {pipeline_mode = #tpu.pipeline_mode<synchronous>, transform_indices = @transform_5, window_bounds = array<i64: 256, 128>}, {transform_indices = @transform_6, window_bounds = array<i64: 400, 128>}]} {
    %get3A = arith.constant 0 : index
    %get3A_0 = arith.constant 0 : index
    %get3A_1 = arith.constant 0 : index
    %get3A_2 = vector.load %arg1[%get3A, %get3A_0, %get3A_1] : memref<2x400x128xf32, #tpu.memory_space<vmem>>, vector<1x400x128xf32>
    %get3A_3 = vector.shape_cast %get3A_2 : vector<1x400x128xf32> to vector<400x128xf32>
    %get3A_4 = arith.constant 1 : index
    %get3A_5 = arith.constant 0 : index
    %get3A_6 = arith.constant 0 : index
    %get3A_7 = vector.load %arg1[%get3A_4, %get3A_5, %get3A_6] : memref<2x400x128xf32, #tpu.memory_space<vmem>>, vector<1x400x128xf32>
    %get3A_8 = vector.shape_cast %get3A_7 : vector<1x400x128xf32> to vector<400x128xf32>
    %add3A = arith.addf %get3A_3, %get3A_8 : vector<400x128xf32>
    %get3A_9 = arith.constant 0 : index
    %get3A_10 = arith.constant 0 : index
    %get3A_11 = vector.load %arg2[%get3A_9, %get3A_10] : memref<400x128xf32, #tpu.memory_space<vmem>>, vector<400x128xf32>
    %add3A_12 = arith.addf %add3A, %get3A_11 : vector<400x128xf32>
    %get3A_13 = arith.constant 1 : index
    %get3A_14 = arith.constant 0 : index
    %get3A_15 = arith.constant 0 : index
    %get3A_16 = vector.load %arg3[%get3A_13, %get3A_14, %get3A_15] : memref<2x400x128xf32, #tpu.memory_space<vmem>>, vector<1x400x1xf32>
    %get3A_17 = vector.shape_cast %get3A_16 : vector<1x400x1xf32> to vector<400x1xf32>
    %add3A_18 = arith.constant 1.000000e+00 : f32
    %add3A_19 = vector.broadcast %add3A_18 : f32 to vector<400x1xf32>
    %add3A_20 = arith.addf %get3A_17, %add3A_19 : vector<400x1xf32>
    %rsqrt3A = math.rsqrt %add3A_20 : vector<400x1xf32>
    %get3A_21 = arith.constant 0 : index
    %get3A_22 = arith.constant 0 : index
    %get3A_23 = arith.constant 0 : index
    %get3A_24 = vector.load %arg3[%get3A_21, %get3A_22, %get3A_23] : memref<2x400x128xf32, #tpu.memory_space<vmem>>, vector<1x400x1xf32>
    %get3A_25 = vector.shape_cast %get3A_24 : vector<1x400x1xf32> to vector<400x1xf32>
    %add3A_26 = arith.constant 1.000000e+00 : f32
    %add3A_27 = vector.broadcast %add3A_26 : f32 to vector<400x1xf32>
    %add3A_28 = arith.addf %get3A_25, %add3A_27 : vector<400x1xf32>
    %rsqrt3A_29 = math.rsqrt %add3A_28 : vector<400x1xf32>
    %get3A_30 = arith.constant 0 : index
    %get3A_31 = arith.constant 0 : index
    %get3A_32 = vector.load %arg4[%get3A_30, %get3A_31] : memref<128x256xf32, #tpu.memory_space<vmem>>, vector<128x256xf32>
    %dot_general3A = arith.constant dense<0.000000e+00> : vector<400x256xf32>
    %dot_general3A_33 = tpu.matmul %add3A_12, %get3A_32, %dot_general3A {dimension_numbers = #tpu.dot_dimension_numbers<[1], [0], [0], [1], [0, 0, 1, 1], [], []>, transpose_lhs_hint = false} : vector<400x128xf32>, vector<128x256xf32>, vector<400x256xf32> -> vector<400x256xf32>
    %mul3A = vector.broadcast %rsqrt3A : vector<400x1xf32> to vector<400x256xf32>
    %mul3A_34 = arith.mulf %dot_general3A_33, %mul3A : vector<400x256xf32>
    %get3A_35 = arith.constant 0 : index
    %get3A_36 = arith.constant 0 : index
    %get3A_37 = vector.load %arg5[%get3A_35, %get3A_36] : memref<1x256xf32, #tpu.memory_space<vmem>>, vector<1x256xf32>
    %add3A_38 = vector.broadcast %get3A_37 : vector<1x256xf32> to vector<400x256xf32>
    %add3A_39 = arith.addf %mul3A_34, %add3A_38 : vector<400x256xf32>
    %mul3A_40 = arith.constant 5.000000e-01 : f32
    %mul3A_41 = vector.broadcast %mul3A_40 : f32 to vector<400x256xf32>
    %mul3A_42 = arith.mulf %mul3A_41, %add3A_39 : vector<400x256xf32>
    %mul3A_43 = arith.constant 0.707106769 : f32
    %mul3A_44 = vector.broadcast %mul3A_43 : f32 to vector<400x256xf32>
    %mul3A_45 = arith.mulf %add3A_39, %mul3A_44 : vector<400x256xf32>
    %erf3A = math.erf %mul3A_45 : vector<400x256xf32>
    %add3A_46 = arith.constant 1.000000e+00 : f32
    %add3A_47 = vector.broadcast %add3A_46 : f32 to vector<400x256xf32>
    %add3A_48 = arith.addf %add3A_47, %erf3A : vector<400x256xf32>
    %mul3A_49 = arith.mulf %mul3A_42, %add3A_48 : vector<400x256xf32>
    %mul3A_50 = vector.broadcast %rsqrt3A_29 : vector<400x1xf32> to vector<400x256xf32>
    %mul3A_51 = arith.mulf %mul3A_49, %mul3A_50 : vector<400x256xf32>
    %get3A_52 = arith.constant 0 : index
    %get3A_53 = arith.constant 0 : index
    %get3A_54 = vector.load %arg6[%get3A_52, %get3A_53] : memref<256x128xf32, #tpu.memory_space<vmem>>, vector<256x128xf32>
    %dot_general3A_55 = arith.constant dense<0.000000e+00> : vector<400x128xf32>
    %dot_general3A_56 = tpu.matmul %mul3A_51, %get3A_54, %dot_general3A_55 {dimension_numbers = #tpu.dot_dimension_numbers<[1], [0], [0], [1], [0, 0, 1, 1], [], []>, transpose_lhs_hint = false} : vector<400x256xf32>, vector<256x128xf32>, vector<400x128xf32> -> vector<400x128xf32>
    %swap3A = arith.constant 0 : index
    %swap3A_57 = arith.constant 0 : index
    %swap3A_58 = vector.load %arg7[%swap3A, %swap3A_57] : memref<400x128xf32, #tpu.memory_space<vmem>>, vector<400x128xf32>
    tpu.vector_store %arg7[%swap3A, %swap3A_57], %dot_general3A_56 {strides = array<i32>} : memref<400x128xf32, #tpu.memory_space<vmem>>, vector<400x128xf32>,
    return
  }
  func.func @transform_0(%arg0: i32) -> (i32, i32, i32) {
    %c0_i32 = arith.constant 0 : i32
    %c0_i32_0 = arith.constant 0 : i32
    %c0_i32_1 = arith.constant 0 : i32
    return %c0_i32, %arg0, %c0_i32_0 : i32, i32, i32
  }
  func.func @transform_1(%arg0: i32) -> (i32, i32) {
    %c0_i32 = arith.constant 0 : i32
    %c0_i32_0 = arith.constant 0 : i32
    return %arg0, %c0_i32 : i32, i32
  }
  func.func @transform_2(%arg0: i32) -> (i32, i32, i32) {
    %c0_i32 = arith.constant 0 : i32
    %c0_i32_0 = arith.constant 0 : i32
    %c0_i32_1 = arith.constant 0 : i32
    return %c0_i32, %arg0, %c0_i32_0 : i32, i32, i32
  }
  func.func @transform_3(%arg0: i32) -> (i32, i32) {
    %c0_i32 = arith.constant 0 : i32
    %c0_i32_0 = arith.constant 0 : i32
    %c0_i32_1 = arith.constant 0 : i32
    return %c0_i32, %c0_i32_0 : i32, i32
  }
  func.func @transform_4(%arg0: i32) -> (i32, i32) {
    %c0_i32 = arith.constant 0 : i32
    %c0_i32_0 = arith.constant 0 : i32
    %c0_i32_1 = arith.constant 0 : i32
    return %c0_i32, %c0_i32_0 : i32, i32
  }
  func.func @transform_5(%arg0: i32) -> (i32, i32) {
    %c0_i32 = arith.constant 0 : i32
    %c0_i32_0 = arith.constant 0 : i32
    %c0_i32_1 = arith.constant 0 : i32
    return %c0_i32, %c0_i32_0 : i32, i32
  }
  func.func @transform_6(%arg0: i32) -> (i32, i32) {
    %c0_i32 = arith.constant 0 : i32
    %c0_i32_0 = arith.constant 0 : i32
    return %arg0, %c0_i32 : i32, i32
  }
}

module attributes {stable_mosaic.version = 14 : i64} {
  func.func @_final_body(%arg0: i32, %arg1: memref<2x400x128xf32, #tpu.memory_space<vmem>>, %arg2: memref<400x128xf32, #tpu.memory_space<vmem>>, %arg3: memref<1x400x128xf32, #tpu.memory_space<vmem>>, %arg4: memref<1x128xf32, #tpu.memory_space<vmem>>, %arg5: memref<400x128xf32, #tpu.memory_space<vmem>>) attributes {dimension_semantics = [#tpu.dimension_semantics<arbitrary>], iteration_bounds = array<i64: 25>, scalar_prefetch = 0 : i64, scratch_operands = 0 : i64, tpu.core_type = #tpu.core_type<tc>, window_params = [{transform_indices = @transform_0, window_bounds = array<i64: 2, 400, 128>}, {transform_indices = @transform_1, window_bounds = array<i64: 400, 128>}, {transform_indices = @transform_2, window_bounds = array<i64: 1, 400, 128>}, {pipeline_mode = #tpu.pipeline_mode<synchronous>, transform_indices = @transform_3, window_bounds = array<i64: 1, 128>}, {transform_indices = @transform_4, window_bounds = array<i64: 400, 128>}]} {
    %get3A = arith.constant 0 : index
    %get3A_0 = arith.constant 0 : index
    %get3A_1 = arith.constant 0 : index
    %get3A_2 = vector.load %arg3[%get3A, %get3A_0, %get3A_1] : memref<1x400x128xf32, #tpu.memory_space<vmem>>, vector<1x400x1xf32>
    %get3A_3 = vector.shape_cast %get3A_2 : vector<1x400x1xf32> to vector<400x1xf32>
    %add3A = arith.constant 1.000000e+00 : f32
    %add3A_4 = vector.broadcast %add3A : f32 to vector<400x1xf32>
    %add3A_5 = arith.addf %get3A_3, %add3A_4 : vector<400x1xf32>
    %rsqrt3A = math.rsqrt %add3A_5 : vector<400x1xf32>
    %get3A_6 = arith.constant 0 : index
    %get3A_7 = arith.constant 0 : index
    %get3A_8 = arith.constant 0 : index
    %get3A_9 = vector.load %arg1[%get3A_6, %get3A_7, %get3A_8] : memref<2x400x128xf32, #tpu.memory_space<vmem>>, vector<1x400x128xf32>
    %get3A_10 = vector.shape_cast %get3A_9 : vector<1x400x128xf32> to vector<400x128xf32>
    %get3A_11 = arith.constant 1 : index
    %get3A_12 = arith.constant 0 : index
    %get3A_13 = arith.constant 0 : index
    %get3A_14 = vector.load %arg1[%get3A_11, %get3A_12, %get3A_13] : memref<2x400x128xf32, #tpu.memory_space<vmem>>, vector<1x400x128xf32>
    %get3A_15 = vector.shape_cast %get3A_14 : vector<1x400x128xf32> to vector<400x128xf32>
    %add3A_16 = arith.addf %get3A_10, %get3A_15 : vector<400x128xf32>
    %get3A_17 = arith.constant 0 : index
    %get3A_18 = arith.constant 0 : index
    %get3A_19 = vector.load %arg2[%get3A_17, %get3A_18] : memref<400x128xf32, #tpu.memory_space<vmem>>, vector<400x128xf32>
    %add3A_20 = arith.addf %add3A_16, %get3A_19 : vector<400x128xf32>
    %mul3A = vector.broadcast %rsqrt3A : vector<400x1xf32> to vector<400x128xf32>
    %mul3A_21 = arith.mulf %add3A_20, %mul3A : vector<400x128xf32>
    %get3A_22 = arith.constant 0 : index
    %get3A_23 = arith.constant 0 : index
    %get3A_24 = vector.load %arg4[%get3A_22, %get3A_23] : memref<1x128xf32, #tpu.memory_space<vmem>>, vector<1x128xf32>
    %add3A_25 = vector.broadcast %get3A_24 : vector<1x128xf32> to vector<400x128xf32>
    %add3A_26 = arith.addf %mul3A_21, %add3A_25 : vector<400x128xf32>
    %mul3A_27 = arith.mulf %add3A_26, %add3A_26 : vector<400x128xf32>
    %reduce_sum3A = arith.constant dense<0.000000e+00> : vector<400xf32>
    %reduce_sum3A_28 = vector.multi_reduction <add>, %mul3A_27, %reduce_sum3A [1] : vector<400x128xf32> to vector<400xf32>
    %broadcast_in_dim3A = vector.shape_cast %reduce_sum3A_28 : vector<400xf32> to vector<400x1xf32>
    %sqrt3A = math.sqrt %broadcast_in_dim3A : vector<400x1xf32>
    %max3A = arith.constant 9.99999996E-13 : f32
    %max3A_29 = vector.broadcast %max3A : f32 to vector<400x1xf32>
    %max3A_30 = arith.maximumf %sqrt3A, %max3A_29 : vector<400x1xf32>
    %div3A = vector.broadcast %max3A_30 : vector<400x1xf32> to vector<400x128xf32>
    %div3A_31 = arith.divf %add3A_26, %div3A : vector<400x128xf32>
    %swap3A = arith.constant 0 : index
    %swap3A_32 = arith.constant 0 : index
    %swap3A_33 = vector.load %arg5[%swap3A, %swap3A_32] : memref<400x128xf32, #tpu.memory_space<vmem>>, vector<400x128xf32>
    tpu.vector_store %arg5[%swap3A, %swap3A_32], %div3A_31 {strides = array<i32>} : memref<400x128xf32, #tpu.memory_space<vmem>>, vector<400x128xf32>,
    return
  }
  func.func @transform_0(%arg0: i32) -> (i32, i32, i32) {
    %c0_i32 = arith.constant 0 : i32
    %c0_i32_0 = arith.constant 0 : i32
    %c0_i32_1 = arith.constant 0 : i32
    return %c0_i32, %arg0, %c0_i32_0 : i32, i32, i32
  }
  func.func @transform_1(%arg0: i32) -> (i32, i32) {
    %c0_i32 = arith.constant 0 : i32
    %c0_i32_0 = arith.constant 0 : i32
    return %arg0, %c0_i32 : i32, i32
  }
  func.func @transform_2(%arg0: i32) -> (i32, i32, i32) {
    %c1_i32 = arith.constant 1 : i32
    %c0_i32 = arith.constant 0 : i32
    %c0_i32_0 = arith.constant 0 : i32
    return %c1_i32, %arg0, %c0_i32 : i32, i32, i32
  }
  func.func @transform_3(%arg0: i32) -> (i32, i32) {
    %c0_i32 = arith.constant 0 : i32
    %c0_i32_0 = arith.constant 0 : i32
    %c0_i32_1 = arith.constant 0 : i32
    return %c0_i32, %c0_i32_0 : i32, i32
  }
  func.func @transform_4(%arg0: i32) -> (i32, i32) {
    %c0_i32 = arith.constant 0 : i32
    %c0_i32_0 = arith.constant 0 : i32
    return %arg0, %c0_i32 : i32, i32
  }
}

module attributes {stable_mosaic.version = 14 : i64} {
  func.func @_scale_body(%arg0: i32, %arg1: memref<400x128xf32, #tpu.memory_space<vmem>>, %arg2: memref<1x400x128xf32, #tpu.memory_space<vmem>>, %arg3: memref<400x128xf32, #tpu.memory_space<vmem>>) attributes {dimension_semantics = [#tpu.dimension_semantics<arbitrary>], iteration_bounds = array<i64: 25>, scalar_prefetch = 0 : i64, scratch_operands = 0 : i64, tpu.core_type = #tpu.core_type<tc>, window_params = [{transform_indices = @transform_0, window_bounds = array<i64: 400, 128>}, {transform_indices = @transform_1, window_bounds = array<i64: 1, 400, 128>}, {transform_indices = @transform_2, window_bounds = array<i64: 400, 128>}]} {
    %get3A = arith.constant 0 : index
    %get3A_0 = arith.constant 0 : index
    %get3A_1 = arith.constant 0 : index
    %get3A_2 = vector.load %arg2[%get3A, %get3A_0, %get3A_1] : memref<1x400x128xf32, #tpu.memory_space<vmem>>, vector<1x400x1xf32>
    %get3A_3 = vector.shape_cast %get3A_2 : vector<1x400x1xf32> to vector<400x1xf32>
    %add3A = arith.constant 1.000000e+00 : f32
    %add3A_4 = vector.broadcast %add3A : f32 to vector<400x1xf32>
    %add3A_5 = arith.addf %get3A_3, %add3A_4 : vector<400x1xf32>
    %get3A_6 = arith.constant 0 : index
    %get3A_7 = arith.constant 0 : index
    %get3A_8 = vector.load %arg1[%get3A_6, %get3A_7] : memref<400x128xf32, #tpu.memory_space<vmem>>, vector<400x128xf32>
    %rsqrt3A = math.rsqrt %add3A_5 : vector<400x1xf32>
    %mul3A = vector.broadcast %rsqrt3A : vector<400x1xf32> to vector<400x128xf32>
    %mul3A_9 = arith.mulf %get3A_8, %mul3A : vector<400x128xf32>
    %swap3A = arith.constant 0 : index
    %swap3A_10 = arith.constant 0 : index
    %swap3A_11 = vector.load %arg3[%swap3A, %swap3A_10] : memref<400x128xf32, #tpu.memory_space<vmem>>, vector<400x128xf32>
    tpu.vector_store %arg3[%swap3A, %swap3A_10], %mul3A_9 {strides = array<i32>} : memref<400x128xf32, #tpu.memory_space<vmem>>, vector<400x128xf32>,
    return
  }
  func.func @transform_0(%arg0: i32) -> (i32, i32) {
    %c0_i32 = arith.constant 0 : i32
    %c0_i32_0 = arith.constant 0 : i32
    return %arg0, %c0_i32 : i32, i32
  }
  func.func @transform_1(%arg0: i32) -> (i32, i32, i32) {
    %c0_i32 = arith.constant 0 : i32
    %c0_i32_0 = arith.constant 0 : i32
    %c0_i32_1 = arith.constant 0 : i32
    return %c0_i32, %arg0, %c0_i32_0 : i32, i32, i32
  }
  func.func @transform_2(%arg0: i32) -> (i32, i32) {
    %c0_i32 = arith.constant 0 : i32
    %c0_i32_0 = arith.constant 0 : i32
    return %arg0, %c0_i32 : i32, i32
  }
}

</mosaic_0001>

<sc_bundles>
// kernel: kernel.11.cloned.1.call-start
scs
__scs_entry_jumppad:
0x0: {  	(pc) =	sbr.rel $0x88, $3  }
0x1: {  	(tag) =	ssettag $0x0;
	lr =	simm.s32 $0x1  }
0x2: {  	[smem:$0x3F9B] =	sst lr;
	_ =	strace $0xD0000000  }
0x3: {  	_ = 	snop  }
0x4: {  	_ = 	snop  }
0x5: {  	_ = 	snop  }
0x6: {  	_ = 	snop  }
0x7: {  	_ = 	snop  }
__scs_overlays_trampoline_lowered:
0x8: {  	[smem:$0x3FAA] =	sst s0  }
0x9: {  	[smem:$0x3FAB] =	sst s1  }
0xa: {  	[smem:$0x3FAC] =	sst s2  }
0xb: {  	[smem:$0x3FAD] =	sst s3  }
0xc: {  	[smem:$0x3FAE] =	sst s4  }
0xd: {  	[smem:$0x3FAF] =	sst s5  }
0xe: {  	[smem:$0x3FB0] =	sst s6  }
0xf: {  	[smem:$0x3FB1] =	sst s7  }
0x10: {  	[smem:$0x3FB2] =	sst s8  }
0x11: {  	[smem:$0x3FB3] =	sst s9;
	s0 =	simm.s32 @!p0 $0x0  }
0x12: {  	s1 =	sld [smem:$0x3F99];
	s0 =	simm.s32 @p0 $0x1  }
0x13: {  	[smem:$0x3FB4] =	sst s0;
	s0 =	simm.s32 @!p1 $0x0  }
0x14: {  	s2 =	sld [smem:$0x3F98];
	s0 =	simm.s32 @p1 $0x1  }
0x15: {  	[smem:$0x3FB5] =	sst s0;
	s0 =	simm.s32 @!p2 $0x0  }
0x16: {  	s3 =	sld [smem:$0x3FDB];
	s0 =	simm.s32 @p2 $0x1  }
0x17: {  	s4 =	simm.s32 $0x1BF5;
	[smem:$0x3FB7] =	sst s0  }
0x18: {  	s0 =	sld [smem:$0x3F9A];
	_ =	swait.ge [sflag:s4], $0x0  }
0x19: {  	s7 =	sld [smem:$0x3F9B]  }
0x1a: {  	s8 =	sadd.s32 $0xFFFFE003, lr  }
0x1b: {  	s9 =	sadd.s32 $0xFFFFFEF7, lr;
	s5 =	simm.s32 $0xFFFFFFFF;
	p2 =	slt.u32 s8, $0xFFFFF086  }
0x1c: {  	p1 =	slt.u32 s9, $0xF7A;
	s5 =	simm.s32 @!p2 $0x0  }
0x1d: {  	s5 =	simm.s32 @p1 $0x1;
	p0 =	seq.s32 s7, s2  }
0x1e: {  	s7 =	smul.u32 @!p0 $0xF7A, s2;
	p2 =	seq.s32 @!p0 s5, $0x0  }
0x1f: {  	s9 =	smul.u32 $0xF7A, s1;
	s8 =	simm.s32 @!p0 $0x1BF5;
	p2 =	por !p2, p0  }
0x20: {  	[sflag:s8] =	ssyncset.s32 @!p0 $0xFFFFF086;
	s6 =	sadd.s32 @!p0 s3, s7;
	s7 =	simm.s32 @!p0 $0x108  }
0x21: {  	s3 =	sadd.s32 s3, s9;
	s6 =	sadd.s32 @!p0 $0x88, s6;
	s7 =	simm.s32 @p2 $0x1082  }
0x22: {  	[simem:s7], [sflag:s8] =	dma.local @!p0 [hbm:s6], $0xF7A  }
0x23: {  	s9 =	sor.u32 $0xD0000000, s2;
	s6 =	simm.s32 $0x108;
	_ =	swait.ge @!p0 [sflag:s8], $0x0  }
0x24: {  	s3 =	sadd.s32 $0x88, s3;
	s6 =	simm.s32 @!p1 $0x1082;
	[sflag:s4] =	ssyncset.s32 $0xFFFFF086  }
0x25: {  	[simem:s6], [sflag:s4] =	dma.local [hbm:s3], $0xF7A  }
0x26: {  	[smem:$0x3F9B] =	sst s1;
	(tag) =	ssettag s2;
	_ =	strace s9  }
0x27: {  	s1 =	sld [smem:$0x3FAB]  }
0x28: {  	s2 =	sld [smem:$0x3FAC]  }
0x29: {  	s4 =	sld [smem:$0x3FAE]  }
0x2a: {  	p0 =	seq.s32 s5, $0x0;
	s5 =	sld [smem:$0x3FAF]  }
0x2b: {  	s6 =	sld [smem:$0x3FB0]  }
0x2c: {  	s7 =	sld [smem:$0x3FB1]  }
0x2d: {  	s3 =	simm.s32 $0x108;
	s8 =	sld [smem:$0x3FB2]  }
0x2e: {  	s3 =	simm.s32 @!p0 $0x1082;
	s9 =	sld [smem:$0x3FB3]  }
0x2f: {  	lr =	sadd.s32 s0, s3;
	s0 =	sld [smem:$0x3FAA]  }
0x30: {  	s3 =	sld [smem:$0x3FAD]  }
0x31: {  	[smem:$0x3FB6] =	sst s10  }
0x32: {  	s10 =	sld [smem:$0x3FB4];
	_ =	sdelay $0x3  }
0x33: {  	p0 =	seq.s32 s10, $0x1;
	s10 =	sld [smem:$0x3FB6];
	_ =	sdelay $0x3  }
0x34: {  	[smem:$0x3FB6] =	sst s10  }
0x35: {  	s10 =	sld [smem:$0x3FB5];
	_ =	sdelay $0x3  }
0x36: {  	p1 =	seq.s32 s10, $0x1;
	s10 =	sld [smem:$0x3FB6];
	_ =	sdelay $0x3  }
0x37: {  	[smem:$0x3FB6] =	sst s10  }
0x38: {  	s10 =	sld [smem:$0x3FB7]  }
0x39: {  	_ = 	snop;
	(pc) =	sbr.ind lr, $3  }
0x3a: {  	_ = 	snop  }
0x3b: {  	_ = 	snop  }
0x3c: {  	p2 =	seq.s32 s10, $0x1;
	s10 =	sld [smem:$0x3FB6]  }
0x3d: {  	_ =	shalt  }
0x3e: {  	_ =	shalt  }
0x3f: {  	_ =	shalt  }
0x40: {  	_ =	shalt  }
0x41: {  	_ =	shalt  }
0x42: {  	_ =	shalt  }
0x43: {  	_ =	shalt  }
0x44: {  	_ =	shalt  }
0x45: {  	_ =	shalt  }
0x46: {  	_ =	shalt  }
0x47: {  	_ =	shalt  }
0x48: {  	_ =	shalt  }
0x49: {  	_ =	shalt  }
0x4a: {  	_ =	shalt  }
0x4b: {  	_ =	shalt  }
0x4c: {  	_ =	shalt  }
0x4d: {  	_ =	shalt  }
0x4e: {  	_ =	shalt  }
0x4f: {  	_ =	shalt  }
0x50: {  	_ =	shalt  }
0x51: {  	_ =	shalt  }
0x52: {  	_ =	shalt  }
0x53: {  	_ =	shalt  }
0x54: {  	_ =	shalt  }
0x55: {  	_ =	shalt  }
0x56: {  	_ =	shalt  }
0x57: {  	_ =	shalt  }
0x58: {  	_ =	shalt  }
0x59: {  	_ =	shalt  }
0x5a: {  	_ =	shalt  }
0x5b: {  	_ =	shalt  }
0x5c: {  	_ =	shalt  }
0x5d: {  	_ =	shalt  }
0x5e: {  	_ =	shalt  }
0x5f: {  	_ =	shalt  }
0x60: {  	_ =	shalt  }
0x61: {  	_ =	shalt  }
0x62: {  	_ =	shalt  }
0x63: {  	_ =	shalt  }
0x64: {  	_ =	shalt  }
0x65: {  	_ =	shalt  }
0x66: {  	_ =	shalt  }
0x67: {  	_ =	shalt  }
0x68: {  	_ =	shalt  }
0x69: {  	_ =	shalt  }
0x6a: {  	_ =	shalt  }
0x6b: {  	_ =	shalt  }
0x6c: {  	_ =	shalt  }
0x6d: {  	_ =	shalt  }
0x6e: {  	_ =	shalt  }
0x6f: {  	_ =	shalt  }
0x70: {  	_ =	shalt  }
0x71: {  	_ =	shalt  }
0x72: {  	_ =	shalt  }
0x73: {  	_ =	shalt  }
0x74: {  	_ =	shalt  }
0x75: {  	_ =	shalt  }
0x76: {  	_ =	shalt  }
0x77: {  	_ =	shalt  }
0x78: {  	_ =	shalt  }
0x79: {  	_ =	shalt  }
0x7a: {  	_ =	shalt  }
0x7b: {  	_ =	shalt  }
0x7c: {  	_ =	shalt  }
0x7d: {  	_ =	shalt  }
0x7e: {  	_ =	shalt  }
0x7f: {  	_ =	shalt  }
0x80: {  	_ =	shalt  }
0x81: {  	_ =	shalt  }
0x82: {  	_ =	shalt  }
0x83: {  	_ =	shalt  }
0x84: {  	_ =	shalt  }
0x85: {  	_ =	shalt  }
0x86: {  	_ =	shalt  }
0x87: {  	_ =	shalt  }
.Lfunc_end0:
.L_simem_size_0:
called_computation.1_lowered:
.L_overlay_start_0:
0x88: {  	s2 =	sld [smem:$0x3FD9]  }
0x89: {  	s3 =	sld [smem:$0x3FFE];
	_ =	sdelay $0x1  }
0x8a: {  	s1 =	srdreg.scid  }
0x8b: {  	s0 =	sand.u32 $0x1, s1  }
0x8c: {  	s17 =	sshll.u32 s0, $0xA;
	s2 =	sadd.s32 s3, s2  }
0x8d: {  	s2 =	sadd.s32 s2, s17  }
0x8e: {  	[smem:$0x3FC2] =	sst s2  }
0x8f: {  	_ = 	snop  }
0x90: {  	s2 =	sld [smem:$0x3FD0];
	(tm) =	ssettm $0x1  }
0x91: {  	s18 =	sld [smem:$0x3FFB];
	_ =	sdelay $0x3  }
0x92: {  	_ =	strace s18  }
0x93: {  	s3 =	sld [smem:$0x3FFC];
	_ =	sdelay $0x3  }
0x94: {  	_ =	strace s3  }
0x95: {  	s3 =	sld [smem:$0x3FFD];
	_ =	sdelay $0x3  }
0x96: {  	_ =	strace s3  }
0x97: {  	_ =	strace $0x8FFFFFFF  }
0x98: {  	s19 =	sld [smem:$0x3FDB];
	_ =	sdelay $0x1  }
0x99: {  	s4 =	simm.s32 $_scs_section_size  }
0x9a: {  	s5 =	simm.s32 $_size__tile_overlayer_lowered;
	s6 =	simm.s32 $_tile_overlayer_lowered  }
0x9b: {  	s22 =	simm.s32 $0x1BFF;
	s21 =	sshll.u32 s6, $0x1;
	s3 =	sadd.s32 s4, s19  }
0x9c: {  	s7 =	simm.s32 $0x0;
	s20 =	sshll.u32 s5, $0x1;
	s5 =	sadd.s32 s21, s3  }
0x9d: {  	[timem:s7], [sflag:s22] =	dma.local [hbm:s5], s20  }
0x9e: {  	_ =	swait.ge [sflag:s22], s20  }
0x9f: {  	s4 =	ssub.s32 $0x0, s20;
	[sflag:s22] =	ssyncset.done $0x0  }
0xa0: {  	[sflag:s22] =	ssyncadd.s32 s4;
	_ =	sdelay $0x1  }
0xa1: {  	s23 =	simm.s32 $0x1B8B  }
0xa2: {  	_ =	swait.ge [sflag:s23], $0x1  }
0xa3: {  	[sflag:s23] =	ssyncset.done $0x0  }
0xa4: {  	s25 =	simm.s32 $0x1B8E;
	s24 =	sld [smem:$0x3FFE];
	[sflag:s23] =	ssyncadd.s32 $0xFFFFFFFF  }
0xa5: {  	s26 =	simm.s32 $execute0_lowered;
	[smem:$0x3FD2] =	sst s25  }
0xa6: {  	s5 =	sshll.u32 s26, $0x1;
	_ =	strace $0x80000049;
	[dreg:$0x1] =	wrdreg $0xFFFFFFFF  }
0xa7: {  	s28 =	simm.s32 $_size_execute0_lowered;
	s3 =	sadd.s32 s3, s5;
	[dreg:$0x0] =	wrdreg $0x0  }
0xa8: {  	s5 =	sshll.u32 s28, $0x1;
	[dreg:$0x2] =	wrdreg s3  }
0xa9: {  	[dreg:$0x3] =	wrdreg s5  }
0xaa: {  	[dreg:$0x4] =	wrdreg $0xC0  }
0xab: {  	_ =	task [dreg:s7], $0x5FFFF  }
0xac: {  	[dreg:$0x1] =	wrdreg $0xFFFFFFFF  }
0xad: {  	[dreg:$0x0] =	wrdreg $0x60  }
0xae: {  	[dreg:$0x2] =	wrdreg s2  }
0xaf: {  	[dreg:$0x3] =	wrdreg s24  }
0xb0: {  	[dreg:$0x4] =	wrdreg $0x92000  }
0xb1: {  	[dreg:$0x5] =	wrdreg $0x9  }
0xb2: {  	_ =	task.clear_ibuf [dreg:s7], $0x6FFFF;
	_ =	strace $0x90000049  }
0xb3: {  	s29 =	simm.s32 $0x9;
	_ =	strace $0x8000004B  }
0xb4: {  	_ =	swait.ge [sflag:s29], $0x1  }
0xb5: {  	[sflag:s29] =	ssyncadd.s32 $0xFFFFFFFF  }
0xb6: {  	_ =	strace $0x9000004B  }
0xb7: {  	_ =	sfence  }
0xb8: {  	s30 =	sld [smem:$0x0];
	_ =	sdelay $0x2  }
0xb9: {  	s31 =	sshll.u32 s1, $0xD;
	s1 =	sshrl.u32 s1, $0x2  }
0xba: {  	s3 =	sand.u32 $0x4000, s31;
	s1 =	sadd.s32 s1, s30  }
0xbb: {  	s0 =	sor.u32 s3, s0;
	s1 =	sshll.u32 s1, $0x11  }
0xbc: {  	s0 =	sor.u32 s1, s0  }
0xbd: {  	s0 =	sadd.s32 $0x8F2B, s0  }
0xbe: {  	[sflag:s0] =	ssyncadd.remote.s32 $0x1  }
0xbf: {  	_ =	sfence.sel $0xFFFF  }
0xc0: {  	[dreg:$0x0] =	wrdreg $0xFFFFFFFF;
	(pc) =	sbr.abs _section_cstart, $3  }
0xc1: {  	[dreg:$0x1] =	wrdreg $0xFFFFFFFF  }
0xc2: {  	_ =	task.clear_ibuf [dreg:s7], $0x2FFFF;
	_ =	strace $0x9FFFFFFF  }
0xc3: {  	(tm) =	ssettm $0x7FFFFFFF  }
tec
execute0_lowered:
.L_overlay_start_1:
0x0: {  	(tag) =	ssettag $0x1  }
0x1: {  	s1 =	rddreg [dreg:$0x0]  }
0x2: {  	s0 =	rddreg [dreg:$0x1]  }
0x3: {  	s2 =	rddreg [dreg:$0x2];
	s3 =	srdreg.scid;
	s4 =	simm.s32 $0x0  }
0x4: {  	s12 =	stileid.u32;
	s3 =	sand.u32 $0x1, s3;
	[smem:$0x7FF] =	sst s4  }
0x5: {  	s6 =	smul.u32 $0x14000, s12;
	s7 =	sadd.s32 $0xC000, s0;
	s8 =	sadd.s32 $0x2200, s0  }
0x6: {  	s10 =	sshll.u32 s12, $0x1;
	s9 =	smul.u32 $0x50000, s12;
	s20 =	sshll.u32 s12, $0x5  }
0x7: {  	s12 =	simm.s32 $0x5;
	s5 =	smul.u32 $0x140000, s3;
	_ =	strace $0x8000004A  }
0x8: {  	s21 =	ssub.s32 $0x2, s3;
	s11 =	sor.u32 s3, s10;
	s3 =	sshll.u32 s3, $0x4  }
0x9: {  	s22 =	sshrl.u32 s21, $0x1;
	s23 =	sshll.u32 s11, $0x4;
	s26 =	sshrl.u32 s9, $0x2  }
0xa: {  	s14 =	sor.u32 $0x980, s11;
	s11 =	simm.s32 $0x8200;
	s5 =	sadd.s32 s6, s5  }
0xb: {  	s13 =	sadd.s32 s7, s23;
	s24 =	sadd.s32 s8, s23;
	s6 =	sor.u32 $0x200, s23  }
0xc: {  	s9 =	sadd.s32 s26, s2;
	s17 =	sshll.u32 s14, $0x4;
	p0 =	sgt.u32 s14, $0x983  }
0xd: {  	s14 =	simm.s32 $0x200;
	s5 =	sshrl.u32 s5, $0x3;
	[dreg:$0x4] =	wrdreg s13  }
0xe: {  	[dreg:$0x5] =	wrdreg s24;
	s25 =	sadd.s32 s7, s6;
	s6 =	sadd.s32 s8, s6  }
0xf: {  	s13 =	sadd.s32 $0x2000, s9;
	s15 =	sadd.s32 $0x3000, s9;
	s16 =	sadd.s32 $0x4000, s9  }
0x10: {  	s18 =	sadd.s32 $0x6000, s9;
	s23 =	sadd.s32 $0x8000, s9;
	[dreg:$0x6] =	wrdreg s25  }
0x11: {  	s24 =	sor.u32 $0x9C0, s10;
	s26 =	sadd.s32 $0xA000, s9;
	[dreg:$0x7] =	wrdreg s6  }
0x12: {  	s28 =	sadd.s32 $0xC000, s9;
	s29 =	sadd.s32 $0xD000, s9;
	[dreg:$0xb] =	wrdreg s13  }
0x13: {  	s30 =	sadd.s32 $0xE000, s9;
	s31 =	sadd.s32 $0xF000, s9;
	[dreg:$0xc] =	wrdreg s15  }
0x14: {  	s10 =	simm.s32 $0x180;
	s0 =	sadd.s32 s5, s0;
	[dreg:$0xd] =	wrdreg s16  }
0x15: {  	s5 =	ssub.s32 s21, s22;
	s6 =	sadd.s32 $0x1000, s9;
	[dreg:$0xf] =	wrdreg s18  }
0x16: {  	s21 =	sadd.s32 s20, s8;
	s22 =	sadd.s32 $0x7000, s9;
	[dreg:$0x13] =	wrdreg s23  }
0x17: {  	s25 =	sadd.s32 $0x9000, s9;
	p1 =	sgt.u32 s24, $0x9C3;
	[dreg:$0x15] =	wrdreg s26  }
0x18: {  	s26 =	sadd.s32 $0xB000, s9;
	s13 =	simm.s32 $0x3;
	[dreg:$0xa] =	wrdreg s6  }
0x19: {  	s15 =	simm.s32 $0x4;
	s16 =	simm.s32 $0x4200;
	[dreg:$0x12] =	wrdreg s22  }
0x1a: {  	s18 =	simm.s32 $0x2;
	s0 =	sadd.s32 $0x65E00, s0;
	[dreg:$0x14] =	wrdreg s25  }
0x1b: {  	s5 =	smax.u32 s5, $0x1;
	s6 =	sadd.s32 $0x5000, s9;
	[dreg:$0x8] =	wrdreg s0  }
0x1c: {  	s21 =	sadd.s32 s3, s21;
	[dreg:$0x9] =	wrdreg s5;
	s5 =	sor.u32 $0x400, s17  }
0x1d: {  	[dreg:$0xe] =	wrdreg s6;
	s0 =	sadd.s32 $0x10000, s9;
	s19 =	sadd.s32 s7, s5  }
0x1e: {  	s6 =	sadd.s32 $0x13000, s9;
	s5 =	sadd.s32 s8, s5;
	[dreg:$0x10] =	wrdreg s19  }
0x1f: {  	s17 =	simm.s32 $0x1;
	s8 =	simm.s32 $0x80;
	[dreg:$0x11] =	wrdreg s5  }
0x20: {  	s5 =	sadd.s32 s20, s7;
	s7 =	simm.s32 $0x100;
	s19 =	simm.s32 $0x0  }
0x21: {  	v0 =	vimm.f32 $0.0e+00;
	s22 =	sadd.s32 s3, s5;
	s3 =	sadd.s32 $0x11000, s9;
	s5 =	sadd.s32 $0x12000, s9  }
.LBB2_1:
0x22: {  	s20 =	rddreg [dreg:$0x4]  }
0x23: {  	[tilespmem:s4], [sflag:$0x3] =	stream.linear.gather [hbm4b:s20+s4], $0x80, $0x38;
	[tilespmem:$0x1D200] =	vst v63  }
0x24: {  	s23 =	rddreg [dreg:$0x5]  }
0x25: {  	[tilespmem:s7], [sflag:$0x3] =	stream.linear.gather [hbm4b:s23+s4], $0x80, $0x38;
	[tilespmem:$0x1D200] =	vst v63  }
0x26: {  	s24 =	rddreg [dreg:$0x6]  }
0x27: {  	[tilespmem:s8], [sflag:$0x4] =	stream.linear.gather [hbm4b:s24+s4], $0x80, $0x38;
	[tilespmem:$0x1D200] =	vst v63  }
0x28: {  	s25 =	rddreg [dreg:$0x7];
	s20 =	simm.s32 $0x0;
	s23 =	simm.s32 $0x200  }
0x29: {  	[tilespmem:s10], [sflag:$0x4] =	stream.linear.gather [hbm4b:s25+s4], $0x80, $0x38;
	[tilespmem:$0x1D200] =	vst v63  }
.LBB2_2:
0x2a: {  	p2 =	sne.s32 s23, $0x3E00;
	[tilespmem:s20+$0x8270] =	vst v0  }
0x2b: {  	[tilespmem:s20+$0x8200] =	vst v0  }
0x2c: {  	[tilespmem:s20+$0x8210] =	vst v0  }
.Ltmp0:
0x2d: {  	[tilespmem:s20+$0x8220] =	vst v0;
	(pc) =	sbr.rel @p2 .LBB2_2-.Ltmp0, $4  }
0x2e: {  	[tilespmem:s20+$0x8230] =	vst v0  }
0x2f: {  	[tilespmem:s20+$0x8240] =	vst v0  }
0x30: {  	[tilespmem:s20+$0x8250] =	vst v0  }
0x31: {  	[tilespmem:s20+$0x8260] =	vst v0;
	s20 =	sshra.s32 s23, $0x2;
	s23 =	sadd.s32 $0x200, s23  }
0x32: {  	[tilespmem:s20+$0x8270] =	vst v0  }
0x33: {  	[tilespmem:s20+$0x8200] =	vst v0  }
0x34: {  	[tilespmem:s20+$0x8210] =	vst v0  }
0x35: {  	[tilespmem:s20+$0x8220] =	vst v0  }
0x36: {  	[tilespmem:s20+$0x8230] =	vst v0  }
0x37: {  	[tilespmem:s20+$0x8240] =	vst v0  }
0x38: {  	[tilespmem:s20+$0x8250] =	vst v0  }
0x39: {  	[tilespmem:s20+$0x8260] =	vst v0  }
0x3a: {  	[spmem:s9] =	stream.linear.scatter [tilespmem:s11], [sflag:$0x5], $0x1000, $0x38;
	[tilespmem:$0x1D200] =	vst v63  }
0x3b: {  	_ =	swait.ge [sflag:s12], $0x1000  }
0x3c: {  	[sflag:s12] =	ssyncset.done $0x0  }
0x3d: {  	s23 =	rddreg [dreg:$0xa];
	[sflag:s12] =	ssyncadd.s32 $0xFFFFF000  }
0x3e: {  	[spmem:s23] =	stream.linear.scatter [tilespmem:s11], [sflag:$0x5], $0x1000, $0x38;
	[tilespmem:$0x1D200] =	vst v63  }
0x3f: {  	_ =	swait.ge [sflag:s12], $0x1000  }
0x40: {  	[sflag:s12] =	ssyncset.done $0x0  }
0x41: {  	s24 =	rddreg [dreg:$0xb];
	[sflag:s12] =	ssyncadd.s32 $0xFFFFF000  }
0x42: {  	[spmem:s24] =	stream.linear.scatter [tilespmem:s11], [sflag:$0x5], $0x1000, $0x38;
	[tilespmem:$0x1D200] =	vst v63  }
0x43: {  	_ =	swait.ge [sflag:s12], $0x1000  }
0x44: {  	[sflag:s12] =	ssyncset.done $0x0  }
0x45: {  	s25 =	rddreg [dreg:$0xc];
	[sflag:s12] =	ssyncadd.s32 $0xFFFFF000  }
0x46: {  	[spmem:s25] =	stream.linear.scatter [tilespmem:s11], [sflag:$0x5], $0x1000, $0x38;
	[tilespmem:$0x1D200] =	vst v63  }
0x47: {  	_ =	swait.ge [sflag:s12], $0x1000  }
0x48: {  	[sflag:s12] =	ssyncset.done $0x0  }
0x49: {  	s23 =	rddreg [dreg:$0xd];
	[sflag:s12] =	ssyncadd.s32 $0xFFFFF000  }
0x4a: {  	[spmem:s23] =	stream.linear.scatter [tilespmem:s11], [sflag:$0x5], $0x1000, $0x38;
	[tilespmem:$0x1D200] =	vst v63  }
0x4b: {  	_ =	swait.ge [sflag:s12], $0x1000  }
0x4c: {  	[sflag:s12] =	ssyncset.done $0x0  }
0x4d: {  	s24 =	rddreg [dreg:$0xe];
	[sflag:s12] =	ssyncadd.s32 $0xFFFFF000  }
0x4e: {  	[spmem:s24] =	stream.linear.scatter [tilespmem:s11], [sflag:$0x5], $0x1000, $0x38;
	[tilespmem:$0x1D200] =	vst v63  }
0x4f: {  	_ =	swait.ge [sflag:s12], $0x1000  }
0x50: {  	[sflag:s12] =	ssyncset.done $0x0  }
0x51: {  	s25 =	rddreg [dreg:$0xf];
	[sflag:s12] =	ssyncadd.s32 $0xFFFFF000  }
0x52: {  	[spmem:s25] =	stream.linear.scatter [tilespmem:s11], [sflag:$0x5], $0x1000, $0x38;
	[tilespmem:$0x1D200] =	vst v63  }
0x53: {  	_ =	swait.ge [sflag:s12], $0x1000  }
0x54: {  	[sflag:s12] =	ssyncset.done $0x0  }
0x55: {  	s23 =	rddreg [dreg:$0x12];
	[sflag:s12] =	ssyncadd.s32 $0xFFFFF000  }
0x56: {  	[spmem:s23] =	stream.linear.scatter [tilespmem:s11], [sflag:$0x5], $0x1000, $0x38;
	[tilespmem:$0x1D200] =	vst v63  }
0x57: {  	_ =	swait.ge [sflag:s12], $0x1000  }
0x58: {  	[sflag:s12] =	ssyncset.done $0x0  }
0x59: {  	s24 =	rddreg [dreg:$0x13];
	[sflag:s12] =	ssyncadd.s32 $0xFFFFF000  }
0x5a: {  	[spmem:s24] =	stream.linear.scatter [tilespmem:s11], [sflag:$0x5], $0x1000, $0x38;
	[tilespmem:$0x1D200] =	vst v63  }
0x5b: {  	_ =	swait.ge [sflag:s12], $0x1000  }
0x5c: {  	[sflag:s12] =	ssyncset.done $0x0  }
0x5d: {  	s25 =	rddreg [dreg:$0x14];
	[sflag:s12] =	ssyncadd.s32 $0xFFFFF000  }
0x5e: {  	[spmem:s25] =	stream.linear.scatter [tilespmem:s11], [sflag:$0x5], $0x1000, $0x38;
	[tilespmem:$0x1D200] =	vst v63  }
0x5f: {  	_ =	swait.ge [sflag:s12], $0x1000  }
0x60: {  	[sflag:s12] =	ssyncset.done $0x0  }
0x61: {  	s23 =	rddreg [dreg:$0x15];
	[sflag:s12] =	ssyncadd.s32 $0xFFFFF000  }
0x62: {  	[spmem:s23] =	stream.linear.scatter [tilespmem:s11], [sflag:$0x5], $0x1000, $0x38;
	[tilespmem:$0x1D200] =	vst v63  }
0x63: {  	_ =	swait.ge [sflag:s12], $0x1000  }
0x64: {  	[sflag:s12] =	ssyncset.done $0x0  }
0x65: {  	[sflag:s12] =	ssyncadd.s32 $0xFFFFF000  }
0x66: {  	[spmem:s26] =	stream.linear.scatter [tilespmem:s11], [sflag:$0x5], $0x1000, $0x38;
	[tilespmem:$0x1D200] =	vst v63  }
0x67: {  	_ =	swait.ge [sflag:s12], $0x1000  }
0x68: {  	[sflag:s12] =	ssyncset.done $0x0  }
0x69: {  	[sflag:s12] =	ssyncadd.s32 $0xFFFFF000  }
0x6a: {  	[spmem:s28] =	stream.linear.scatter [tilespmem:s11], [sflag:$0x5], $0x1000, $0x38;
	[tilespmem:$0x1D200] =	vst v63  }
0x6b: {  	_ =	swait.ge [sflag:s12], $0x1000  }
0x6c: {  	[sflag:s12] =	ssyncset.done $0x0  }
0x6d: {  	[sflag:s12] =	ssyncadd.s32 $0xFFFFF000  }
0x6e: {  	[spmem:s29] =	stream.linear.scatter [tilespmem:s11], [sflag:$0x5], $0x1000, $0x38;
	[tilespmem:$0x1D200] =	vst v63  }
0x6f: {  	_ =	swait.ge [sflag:s12], $0x1000  }
0x70: {  	[sflag:s12] =	ssyncset.done $0x0  }
0x71: {  	[sflag:s12] =	ssyncadd.s32 $0xFFFFF000  }
0x72: {  	[spmem:s30] =	stream.linear.scatter [tilespmem:s11], [sflag:$0x5], $0x1000, $0x38;
	[tilespmem:$0x1D200] =	vst v63  }
0x73: {  	_ =	swait.ge [sflag:s12], $0x1000  }
0x74: {  	[sflag:s12] =	ssyncset.done $0x0  }
0x75: {  	[sflag:s12] =	ssyncadd.s32 $0xFFFFF000  }
0x76: {  	[spmem:s31] =	stream.linear.scatter [tilespmem:s11], [sflag:$0x5], $0x1000, $0x38;
	[tilespmem:$0x1D200] =	vst v63  }
0x77: {  	_ =	swait.ge [sflag:s12], $0x1000  }
0x78: {  	[sflag:s12] =	ssyncset.done $0x0  }
0x79: {  	[sflag:s12] =	ssyncadd.s32 $0xFFFFF000  }
0x7a: {  	[spmem:s0] =	stream.linear.scatter [tilespmem:s11], [sflag:$0x5], $0x1000, $0x38;
	[tilespmem:$0x1D200] =	vst v63  }
0x7b: {  	_ =	swait.ge [sflag:s12], $0x1000  }
0x7c: {  	[sflag:s12] =	ssyncset.done $0x0  }
0x7d: {  	[sflag:s12] =	ssyncadd.s32 $0xFFFFF000  }
0x7e: {  	[spmem:s3] =	stream.linear.scatter [tilespmem:s11], [sflag:$0x5], $0x1000, $0x38;
	[tilespmem:$0x1D200] =	vst v63  }
0x7f: {  	_ =	swait.ge [sflag:s12], $0x1000  }
0x80: {  	[sflag:s12] =	ssyncset.done $0x0  }
0x81: {  	[sflag:s12] =	ssyncadd.s32 $0xFFFFF000  }
0x82: {  	[spmem:s5] =	stream.linear.scatter [tilespmem:s11], [sflag:$0x5], $0x1000, $0x38;
	[tilespmem:$0x1D200] =	vst v63  }
0x83: {  	_ =	swait.ge [sflag:s12], $0x1000  }
0x84: {  	[sflag:s12] =	ssyncset.done $0x0  }
0x85: {  	[sflag:s12] =	ssyncadd.s32 $0xFFFFF000  }
0x86: {  	[spmem:s6] =	stream.linear.scatter [tilespmem:s11], [sflag:$0x5], $0x1000, $0x38;
	[tilespmem:$0x1D200] =	vst v63  }
0x87: {  	_ =	swait.ge [sflag:s12], $0x1000  }
0x88: {  	[sflag:s12] =	ssyncset.done $0x0  }
0x89: {  	[sflag:s12] =	ssyncadd.s32 $0xFFFFF000  }
0x8a: {  	_ =	swait.ge [sflag:s13], $0x80  }
0x8b: {  	[sflag:s13] =	ssyncset.done $0x0  }
0x8c: {  	[sflag:s13] =	ssyncadd.s32 $0xFFFFFF80  }
0x8d: {  	_ =	swait.ge [sflag:s13], $0x80  }
0x8e: {  	[sflag:s13] =	ssyncset.done $0x0  }
0x8f: {  	s24 =	simm.s32 $0x0;
	[sflag:s13] =	ssyncadd.s32 $0xFFFFFF80  }
0x90: {  	[tilespmem:s14], [sflag:$0x1] =	stream.indirect.gather [hbm4b:s1+s8], $0x80, s24, s8, $0xb8;
	[tilespmem:$0x1D200] =	vst v63  }
0x91: {  	[bflag:$0x0] =	sbarrier.arrive $0xFFFF  }
0x92: {  	_ =	swait.ge [sflag:s15], $0x80  }
0x93: {  	[sflag:s15] =	ssyncset.done $0x0  }
0x94: {  	[sflag:s15] =	ssyncadd.s32 $0xFFFFFF80  }
0x95: {  	_ =	swait.ge [sflag:s15], $0x80  }
0x96: {  	[sflag:s15] =	ssyncset.done $0x0  }
0x97: {  	[sflag:s15] =	ssyncadd.s32 $0xFFFFFF80  }
0x98: {  	[tilespmem:s16], [sflag:$0x2] =	stream.indirect.gather [hbm4b:s1+s8], $0x80, s8, s8, $0xb8;
	[tilespmem:$0x1D200] =	vst v63  }
0x99: {  	_ =	swait.ge [sflag:s17], $0x4000  }
0x9a: {  	[sflag:s17] =	ssyncset.done $0x0  }
0x9b: {  	[sflag:s17] =	ssyncadd.s32 $0xFFFFC000  }
0x9c: {  	[spmem:s2] =	stream.indirect.scatter.add.f32 [tilespmem:s14], [sflag:$0x5], $0x80, s7, s8, $0xb8;
	[tilespmem:$0x1D200] =	vst v63  }
0x9d: {  	_ =	swait.ge [sflag:s12], $0x4000  }
0x9e: {  	s20 =	sadd.s32 $0x0, s22;
	[sflag:s12] =	ssyncset.done $0x0  }
0x9f: {  	s23 =	sadd.s32 $0x400, s20;
	s24 =	sadd.s32 $0x0, s21;
	[sflag:s12] =	ssyncadd.s32 $0xFFFFC000  }
0xa0: {  	[tilespmem:s4], [sflag:$0x3] =	stream.linear.gather [hbm4b:s23+s4], $0x80, $0x38;
	[tilespmem:$0x1D200] =	vst v63  }
0xa1: {  	s25 =	sadd.s32 $0x400, s24  }
0xa2: {  	[tilespmem:s7], [sflag:$0x3] =	stream.linear.gather [hbm4b:s25+s4], $0x80, $0x38;
	[tilespmem:$0x1D200] =	vst v63  }
0xa3: {  	_ =	swait.ge [sflag:s13], $0x80  }
0xa4: {  	[sflag:s13] =	ssyncset.done $0x0  }
0xa5: {  	[sflag:s13] =	ssyncadd.s32 $0xFFFFFF80  }
0xa6: {  	_ =	swait.ge [sflag:s13], $0x80  }
0xa7: {  	[sflag:s13] =	ssyncset.done $0x0  }
0xa8: {  	[sflag:s13] =	ssyncadd.s32 $0xFFFFFF80  }
0xa9: {  	[tilespmem:s14], [sflag:$0x1] =	stream.indirect.gather [hbm4b:s1+s8], $0x80, s4, s8, $0xb8;
	[tilespmem:$0x1D200] =	vst v63  }
0xaa: {  	_ =	swait.ge [sflag:s18], $0x4000  }
0xab: {  	[sflag:s18] =	ssyncset.done $0x0  }
0xac: {  	[sflag:s18] =	ssyncadd.s32 $0xFFFFC000  }
0xad: {  	[spmem:s2] =	stream.indirect.scatter.add.f32 [tilespmem:s16], [sflag:$0x5], $0x80, s10, s8, $0xb8;
	[tilespmem:$0x1D200] =	vst v63  }
0xae: {  	_ =	swait.ge [sflag:s12], $0x4000  }
0xaf: {  	[sflag:s12] =	ssyncset.done $0x0  }
0xb0: {  	s20 =	sadd.s32 $0x600, s20;
	[sflag:s12] =	ssyncadd.s32 $0xFFFFC000  }
0xb1: {  	[tilespmem:s8], [sflag:$0x4] =	stream.linear.gather [hbm4b:s20+s4], $0x80, $0x38;
	[tilespmem:$0x1D200] =	vst v63  }
0xb2: {  	s23 =	sadd.s32 $0x600, s24;
	s20 =	simm.s32 $0x400  }
.LBB2_4:
0xb3: {  	[tilespmem:s10], [sflag:$0x4] =	stream.linear.gather [hbm4b:s23+s4], $0x80, $0x38;
	[tilespmem:$0x1D200] =	vst v63  }
0xb4: {  	s23 =	smov.u32 s20  }
0xb5: {  	p2 =	sne.s32 s20, $0x9400;
	s20 =	sadd.s32 $0x400, s20;
	_ =	swait.ge [sflag:s15], $0x80  }
0xb6: {  	[sflag:s15] =	ssyncset.done $0x0  }
0xb7: {  	[sflag:s15] =	ssyncadd.s32 $0xFFFFFF80  }
0xb8: {  	_ =	swait.ge [sflag:s15], $0x80  }
0xb9: {  	[sflag:s15] =	ssyncset.done $0x0  }
0xba: {  	[sflag:s15] =	ssyncadd.s32 $0xFFFFFF80  }
0xbb: {  	[tilespmem:s16], [sflag:$0x2] =	stream.indirect.gather [hbm4b:s1+s8], $0x80, s8, s8, $0xb8;
	[tilespmem:$0x1D200] =	vst v63  }
0xbc: {  	_ =	swait.ge [sflag:s17], $0x4000  }
0xbd: {  	[sflag:s17] =	ssyncset.done $0x0  }
0xbe: {  	[sflag:s17] =	ssyncadd.s32 $0xFFFFC000  }
0xbf: {  	[spmem:s2] =	stream.indirect.scatter.add.f32 [tilespmem:s14], [sflag:$0x5], $0x80, s7, s8, $0xb8;
	[tilespmem:$0x1D200] =	vst v63  }
0xc0: {  	_ =	swait.ge [sflag:s12], $0x4000  }
0xc1: {  	s24 =	sadd.s32 s23, s22;
	[sflag:s12] =	ssyncset.done $0x0  }
0xc2: {  	s23 =	sadd.s32 s23, s21;
	s25 =	sadd.s32 $0x400, s24;
	[sflag:s12] =	ssyncadd.s32 $0xFFFFC000  }
0xc3: {  	[tilespmem:s4], [sflag:$0x3] =	stream.linear.gather [hbm4b:s25+s4], $0x80, $0x38;
	[tilespmem:$0x1D200] =	vst v63  }
0xc4: {  	s25 =	sadd.s32 $0x400, s23  }
0xc5: {  	[tilespmem:s7], [sflag:$0x3] =	stream.linear.gather [hbm4b:s25+s4], $0x80, $0x38;
	[tilespmem:$0x1D200] =	vst v63  }
0xc6: {  	_ =	swait.ge [sflag:s13], $0x80  }
0xc7: {  	[sflag:s13] =	ssyncset.done $0x0  }
0xc8: {  	[sflag:s13] =	ssyncadd.s32 $0xFFFFFF80  }
0xc9: {  	_ =	swait.ge [sflag:s13], $0x80  }
0xca: {  	[sflag:s13] =	ssyncset.done $0x0  }
0xcb: {  	[sflag:s13] =	ssyncadd.s32 $0xFFFFFF80  }
0xcc: {  	[tilespmem:s14], [sflag:$0x1] =	stream.indirect.gather [hbm4b:s1+s8], $0x80, s4, s8, $0xb8;
	[tilespmem:$0x1D200] =	vst v63  }
0xcd: {  	_ =	swait.ge [sflag:s18], $0x4000  }
0xce: {  	[sflag:s18] =	ssyncset.done $0x0  }
0xcf: {  	[sflag:s18] =	ssyncadd.s32 $0xFFFFC000  }
0xd0: {  	[spmem:s2] =	stream.indirect.scatter.add.f32 [tilespmem:s16], [sflag:$0x5], $0x80, s10, s8, $0xb8;
	[tilespmem:$0x1D200] =	vst v63  }
.Ltmp1:
0xd1: {  	_ =	swait.ge [sflag:s12], $0x4000;
	(pc) =	sbr.rel @p2 .LBB2_4-.Ltmp1, $4  }
0xd2: {  	[sflag:s12] =	ssyncset.done $0x0  }
0xd3: {  	s24 =	sadd.s32 $0x600, s24;
	[sflag:s12] =	ssyncadd.s32 $0xFFFFC000  }
0xd4: {  	[tilespmem:s8], [sflag:$0x4] =	stream.linear.gather [hbm4b:s24+s4], $0x80, $0x38;
	[tilespmem:$0x1D200] =	vst v63  }
0xd5: {  	s23 =	sadd.s32 $0x600, s23  }
0xd6: {  	[tilespmem:s10], [sflag:$0x4] =	stream.linear.gather [hbm4b:s23+s4], $0x80, $0x38;
	[tilespmem:$0x1D200] =	vst v63  }
0xd7: {  	_ =	swait.ge [sflag:s15], $0x80  }
0xd8: {  	[sflag:s15] =	ssyncset.done $0x0  }
0xd9: {  	[sflag:s15] =	ssyncadd.s32 $0xFFFFFF80  }
0xda: {  	_ =	swait.ge [sflag:s15], $0x80  }
0xdb: {  	[sflag:s15] =	ssyncset.done $0x0  }
0xdc: {  	[sflag:s15] =	ssyncadd.s32 $0xFFFFFF80  }
0xdd: {  	[tilespmem:s16], [sflag:$0x2] =	stream.indirect.gather [hbm4b:s1+s8], $0x80, s8, s8, $0xb8;
	[tilespmem:$0x1D200] =	vst v63  }
0xde: {  	_ =	swait.ge [sflag:s17], $0x4000  }
0xdf: {  	[sflag:s17] =	ssyncset.done $0x0  }
0xe0: {  	[sflag:s17] =	ssyncadd.s32 $0xFFFFC000  }
0xe1: {  	[spmem:s2] =	stream.indirect.scatter.add.f32 [tilespmem:s14], [sflag:$0x5], $0x80, s7, s8, $0xb8;
	[tilespmem:$0x1D200] =	vst v63  }
0xe2: {  	_ =	swait.ge [sflag:s12], $0x4000  }
0xe3: {  	[sflag:s12] =	ssyncset.done $0x0  }
0xe4: {  	s20 =	simm.s32 @!p0 $0x0;
	s23 =	rddreg [dreg:$0x10];
	[sflag:s12] =	ssyncadd.s32 $0xFFFFC000  }
0xe5: {  	[tilespmem:s20], [sflag:$0x3] =	stream.linear.gather @!p0 [hbm4b:s23+s20], $0x80, $0x38;
	[tilespmem:$0x1D200] =	vst v63  }
0xe6: {  	s24 =	rddreg [dreg:$0x11];
	s23 =	simm.s32 @!p0 $0x100  }
0xe7: {  	[tilespmem:s23], [sflag:$0x3] =	stream.linear.gather @!p0 [hbm4b:s24+s20], $0x80, $0x38;
	[tilespmem:$0x1D200] =	vst v63  }
0xe8: {  	s23 =	simm.s32 @!p0 $0x3  }
0xe9: {  	_ =	swait.ge @!p0 [sflag:s23], $0x80  }
0xea: {  	[sflag:s23] =	ssyncset.done @!p0 $0x0  }
0xeb: {  	[sflag:s23] =	ssyncadd.s32 @!p0 $0xFFFFFF80  }
0xec: {  	_ =	swait.ge @!p0 [sflag:s23], $0x80  }
0xed: {  	[sflag:s23] =	ssyncset.done @!p0 $0x0  }
0xee: {  	s24 =	simm.s32 @!p0 $0x200;
	[sflag:s23] =	ssyncadd.s32 @!p0 $0xFFFFFF80;
	s23 =	simm.s32 @!p0 $0x80  }
0xef: {  	[tilespmem:s24], [sflag:$0x1] =	stream.indirect.gather @!p0 [hbm4b:s1+s23], $0x80, s20, s23, $0xb8;
	[tilespmem:$0x1D200] =	vst v63  }
0xf0: {  	_ =	swait.ge [sflag:s18], $0x4000  }
0xf1: {  	[sflag:s18] =	ssyncset.done $0x0  }
0xf2: {  	[sflag:s18] =	ssyncadd.s32 $0xFFFFC000  }
0xf3: {  	[spmem:s2] =	stream.indirect.scatter.add.f32 [tilespmem:s16], [sflag:$0x5], $0x80, s10, s8, $0xb8;
	[tilespmem:$0x1D200] =	vst v63  }
0xf4: {  	_ =	swait.ge [sflag:s12], $0x4000  }
0xf5: {  	[sflag:s12] =	ssyncset.done $0x0  }
0xf6: {  	s20 =	simm.s32 @!p1 $0x1;
	[sflag:s12] =	ssyncadd.s32 $0xFFFFC000  }
0xf7: {  	_ =	swait.ge @!p1 [sflag:s20], $0x4000  }
0xf8: {  	s23 =	simm.s32 @!p1 $0x100;
	[sflag:s20] =	ssyncset.done @!p1 $0x0  }
0xf9: {  	s24 =	simm.s32 @!p1 $0x200;
	[sflag:s20] =	ssyncadd.s32 @!p1 $0xFFFFC000;
	s20 =	simm.s32 @!p1 $0x80  }
0xfa: {  	[spmem:s2] =	stream.indirect.scatter.add.f32 @!p1 [tilespmem:s24], [sflag:$0x5], $0x80, s23, s20, $0xb8;
	[tilespmem:$0x1D200] =	vst v63  }
0xfb: {  	s20 =	simm.s32 @!p1 $0x5  }
0xfc: {  	_ =	swait.ge @!p1 [sflag:s20], $0x4000  }
0xfd: {  	[sflag:s20] =	ssyncset.done @!p1 $0x0  }
0xfe: {  	s23 =	stileid.u32;
	[sflag:s20] =	ssyncadd.s32 @!p1 $0xFFFFC000  }
0xff: {  	s20 =	sshll.u32 s23, $0x6;
	[bflag:$0x0] =	sbarrier.arrive $0xFFFF  }
0x100: {  	s24 =	sshrl.u32 s9, $0x3;
	s20 =	sor.u32 $0x1C05, s20;
	s25 =	rddreg [dreg:$0x8]  }
0x101: {  	[hbm:s25], [sflag:s20] =	dma.local [spmem:s24], $0x2800  }
0x102: {  	_ =	swait.ge [sflag:s12], $0x2800  }
0x103: {  	s19 =	sadd.s32 $0x1, s19;
	s25 =	rddreg [dreg:$0x9]  }
0x104: {  	p2 =	sne.s32 s19, s25  }
.Ltmp2:
0x105: {  	_ = 	snop;
	(pc) =	sbr.rel @p2 .LBB2_1-.Ltmp2, $3  }
0x106: {  	_ =	sdelay $0x1  }
0x107: {  	[sflag:s12] =	ssyncset.done $0x0  }
0x108: {  	[sflag:s12] =	ssyncadd.s32 $0xFFFFD800  }
0x109: {  	_ =	sfence.sel $0x180000  }
0x10a: {  	[bflag:$0x0] =	sbarrier.arrive $0xFFFF  }
0x10b: {  	_ =	strace $0x9000004A  }
0x10c: {  	s0 =	stileid.u32;
	[bflag:$0x2] =	sbarrier.arrive $0xFFFF  }
0x10d: {  	p0 =	sne.s32 s0, $0x0;
	s0 =	rddreg [dreg:$0x3]  }
0x10e: {  	s0 =	sadd.s32 @!p0 $0x100000, s0  }
0x10f: {  	[sflag:s0] =	ssyncadd.tile.s32 @!p0 $0x1;
	_ =	shalt  }
.Lfunc_end2:
_tile_overlayer_lowered:
.L_overlay_start_2:
0x110: {  	(tag) =	ssettag $0x2  }
0x111: {  	s0 =	rddreg [dreg:$0x0];
	s2 =	stileid.u32  }
0x112: {  	s1 =	rddreg [dreg:$0x1];
	p0 =	sne.s32 s2, $0x0  }
0x113: {  	s3 =	rddreg [dreg:$0x2];
	[bflag:$0x3] =	sbarrier.arrive $0xFFFF;
	s2 =	simm.s32 @!p0 $0x1C05  }
0x114: {  	[timem:s3], [sflag:s2] =	dma.local @!p0 [hbm:s0], s1  }
0x115: {  	s0 =	simm.s32 @!p0 $0x5  }
0x116: {  	_ =	swait.ge @!p0 [sflag:s0], s1  }
0x117: {  	s1 =	ssub.s32 @!p0 $0x0, s1;
	[sflag:s0] =	ssyncset.done @!p0 $0x0  }
0x118: {  	[sflag:s0] =	ssyncadd.s32 @!p0 s1  }
0x119: {  	[bflag:$0x3] =	sbarrier.arrive $0xFFFF  }
0x11a: {  	_ =	shalt  }

// kernel: kernel.14.cloned.1.call-start
scs
__scs_entry_jumppad:
0x0: {  	(pc) =	sbr.rel $0x88, $3  }
0x1: {  	(tag) =	ssettag $0x0;
	lr =	simm.s32 $0x1  }
0x2: {  	[smem:$0x3F9B] =	sst lr;
	_ =	strace $0xD0000000  }
0x3: {  	_ = 	snop  }
0x4: {  	_ = 	snop  }
0x5: {  	_ = 	snop  }
0x6: {  	_ = 	snop  }
0x7: {  	_ = 	snop  }
__scs_overlays_trampoline_lowered:
0x8: {  	[smem:$0x3FAA] =	sst s0  }
0x9: {  	[smem:$0x3FAB] =	sst s1  }
0xa: {  	[smem:$0x3FAC] =	sst s2  }
0xb: {  	[smem:$0x3FAD] =	sst s3  }
0xc: {  	[smem:$0x3FAE] =	sst s4  }
0xd: {  	[smem:$0x3FAF] =	sst s5  }
0xe: {  	[smem:$0x3FB0] =	sst s6  }
0xf: {  	[smem:$0x3FB1] =	sst s7  }
0x10: {  	[smem:$0x3FB2] =	sst s8  }
0x11: {  	[smem:$0x3FB3] =	sst s9;
	s0 =	simm.s32 @!p0 $0x0  }
0x12: {  	s1 =	sld [smem:$0x3F99];
	s0 =	simm.s32 @p0 $0x1  }
0x13: {  	[smem:$0x3FB4] =	sst s0;
	s0 =	simm.s32 @!p1 $0x0  }
0x14: {  	s2 =	sld [smem:$0x3F98];
	s0 =	simm.s32 @p1 $0x1  }
0x15: {  	[smem:$0x3FB5] =	sst s0;
	s0 =	simm.s32 @!p2 $0x0  }
0x16: {  	s3 =	sld [smem:$0x3FDB];
	s0 =	simm.s32 @p2 $0x1  }
0x17: {  	s4 =	simm.s32 $0x1BF5;
	[smem:$0x3FB7] =	sst s0  }
0x18: {  	s0 =	sld [smem:$0x3F9A];
	_ =	swait.ge [sflag:s4], $0x0  }
0x19: {  	s7 =	sld [smem:$0x3F9B]  }
0x1a: {  	s8 =	sadd.s32 $0xFFFFE003, lr  }
0x1b: {  	s9 =	sadd.s32 $0xFFFFFEF7, lr;
	s5 =	simm.s32 $0xFFFFFFFF;
	p2 =	slt.u32 s8, $0xFFFFF086  }
0x1c: {  	p1 =	slt.u32 s9, $0xF7A;
	s5 =	simm.s32 @!p2 $0x0  }
0x1d: {  	s5 =	simm.s32 @p1 $0x1;
	p0 =	seq.s32 s7, s2  }
0x1e: {  	s7 =	smul.u32 @!p0 $0xF7A, s2;
	p2 =	seq.s32 @!p0 s5, $0x0  }
0x1f: {  	s9 =	smul.u32 $0xF7A, s1;
	s8 =	simm.s32 @!p0 $0x1BF5;
	p2 =	por !p2, p0  }
0x20: {  	[sflag:s8] =	ssyncset.s32 @!p0 $0xFFFFF086;
	s6 =	sadd.s32 @!p0 s3, s7;
	s7 =	simm.s32 @!p0 $0x108  }
0x21: {  	s3 =	sadd.s32 s3, s9;
	s6 =	sadd.s32 @!p0 $0x88, s6;
	s7 =	simm.s32 @p2 $0x1082  }
0x22: {  	[simem:s7], [sflag:s8] =	dma.local @!p0 [hbm:s6], $0xF7A  }
0x23: {  	s9 =	sor.u32 $0xD0000000, s2;
	s6 =	simm.s32 $0x108;
	_ =	swait.ge @!p0 [sflag:s8], $0x0  }
0x24: {  	s3 =	sadd.s32 $0x88, s3;
	s6 =	simm.s32 @!p1 $0x1082;
	[sflag:s4] =	ssyncset.s32 $0xFFFFF086  }
0x25: {  	[simem:s6], [sflag:s4] =	dma.local [hbm:s3], $0xF7A  }
0x26: {  	[smem:$0x3F9B] =	sst s1;
	(tag) =	ssettag s2;
	_ =	strace s9  }
0x27: {  	s1 =	sld [smem:$0x3FAB]  }
0x28: {  	s2 =	sld [smem:$0x3FAC]  }
0x29: {  	s4 =	sld [smem:$0x3FAE]  }
0x2a: {  	p0 =	seq.s32 s5, $0x0;
	s5 =	sld [smem:$0x3FAF]  }
0x2b: {  	s6 =	sld [smem:$0x3FB0]  }
0x2c: {  	s7 =	sld [smem:$0x3FB1]  }
0x2d: {  	s3 =	simm.s32 $0x108;
	s8 =	sld [smem:$0x3FB2]  }
0x2e: {  	s3 =	simm.s32 @!p0 $0x1082;
	s9 =	sld [smem:$0x3FB3]  }
0x2f: {  	lr =	sadd.s32 s0, s3;
	s0 =	sld [smem:$0x3FAA]  }
0x30: {  	s3 =	sld [smem:$0x3FAD]  }
0x31: {  	[smem:$0x3FB6] =	sst s10  }
0x32: {  	s10 =	sld [smem:$0x3FB4];
	_ =	sdelay $0x3  }
0x33: {  	p0 =	seq.s32 s10, $0x1;
	s10 =	sld [smem:$0x3FB6];
	_ =	sdelay $0x3  }
0x34: {  	[smem:$0x3FB6] =	sst s10  }
0x35: {  	s10 =	sld [smem:$0x3FB5];
	_ =	sdelay $0x3  }
0x36: {  	p1 =	seq.s32 s10, $0x1;
	s10 =	sld [smem:$0x3FB6];
	_ =	sdelay $0x3  }
0x37: {  	[smem:$0x3FB6] =	sst s10  }
0x38: {  	s10 =	sld [smem:$0x3FB7]  }
0x39: {  	_ = 	snop;
	(pc) =	sbr.ind lr, $3  }
0x3a: {  	_ = 	snop  }
0x3b: {  	_ = 	snop  }
0x3c: {  	p2 =	seq.s32 s10, $0x1;
	s10 =	sld [smem:$0x3FB6]  }
0x3d: {  	_ =	shalt  }
0x3e: {  	_ =	shalt  }
0x3f: {  	_ =	shalt  }
0x40: {  	_ =	shalt  }
0x41: {  	_ =	shalt  }
0x42: {  	_ =	shalt  }
0x43: {  	_ =	shalt  }
0x44: {  	_ =	shalt  }
0x45: {  	_ =	shalt  }
0x46: {  	_ =	shalt  }
0x47: {  	_ =	shalt  }
0x48: {  	_ =	shalt  }
0x49: {  	_ =	shalt  }
0x4a: {  	_ =	shalt  }
0x4b: {  	_ =	shalt  }
0x4c: {  	_ =	shalt  }
0x4d: {  	_ =	shalt  }
0x4e: {  	_ =	shalt  }
0x4f: {  	_ =	shalt  }
0x50: {  	_ =	shalt  }
0x51: {  	_ =	shalt  }
0x52: {  	_ =	shalt  }
0x53: {  	_ =	shalt  }
0x54: {  	_ =	shalt  }
0x55: {  	_ =	shalt  }
0x56: {  	_ =	shalt  }
0x57: {  	_ =	shalt  }
0x58: {  	_ =	shalt  }
0x59: {  	_ =	shalt  }
0x5a: {  	_ =	shalt  }
0x5b: {  	_ =	shalt  }
0x5c: {  	_ =	shalt  }
0x5d: {  	_ =	shalt  }
0x5e: {  	_ =	shalt  }
0x5f: {  	_ =	shalt  }
0x60: {  	_ =	shalt  }
0x61: {  	_ =	shalt  }
0x62: {  	_ =	shalt  }
0x63: {  	_ =	shalt  }
0x64: {  	_ =	shalt  }
0x65: {  	_ =	shalt  }
0x66: {  	_ =	shalt  }
0x67: {  	_ =	shalt  }
0x68: {  	_ =	shalt  }
0x69: {  	_ =	shalt  }
0x6a: {  	_ =	shalt  }
0x6b: {  	_ =	shalt  }
0x6c: {  	_ =	shalt  }
0x6d: {  	_ =	shalt  }
0x6e: {  	_ =	shalt  }
0x6f: {  	_ =	shalt  }
0x70: {  	_ =	shalt  }
0x71: {  	_ =	shalt  }
0x72: {  	_ =	shalt  }
0x73: {  	_ =	shalt  }
0x74: {  	_ =	shalt  }
0x75: {  	_ =	shalt  }
0x76: {  	_ =	shalt  }
0x77: {  	_ =	shalt  }
0x78: {  	_ =	shalt  }
0x79: {  	_ =	shalt  }
0x7a: {  	_ =	shalt  }
0x7b: {  	_ =	shalt  }
0x7c: {  	_ =	shalt  }
0x7d: {  	_ =	shalt  }
0x7e: {  	_ =	shalt  }
0x7f: {  	_ =	shalt  }
0x80: {  	_ =	shalt  }
0x81: {  	_ =	shalt  }
0x82: {  	_ =	shalt  }
0x83: {  	_ =	shalt  }
0x84: {  	_ =	shalt  }
0x85: {  	_ =	shalt  }
0x86: {  	_ =	shalt  }
0x87: {  	_ =	shalt  }
.Lfunc_end0:
.L_simem_size_0:
called_computation.2_lowered:
.L_overlay_start_0:
0x88: {  	s2 =	sld [smem:$0x3FD9]  }
0x89: {  	s3 =	sld [smem:$0x3FFE];
	_ =	sdelay $0x1  }
0x8a: {  	s1 =	srdreg.scid  }
0x8b: {  	s0 =	sand.u32 $0x1, s1  }
0x8c: {  	s17 =	sshll.u32 s0, $0xA;
	s2 =	sadd.s32 s3, s2  }
0x8d: {  	s2 =	sadd.s32 s2, s17  }
0x8e: {  	[smem:$0x3FC2] =	sst s2  }
0x8f: {  	_ = 	snop  }
0x90: {  	s2 =	sld [smem:$0x3FD0];
	(tm) =	ssettm $0x1  }
0x91: {  	s18 =	sld [smem:$0x3FFB];
	_ =	sdelay $0x3  }
0x92: {  	_ =	strace s18  }
0x93: {  	s3 =	sld [smem:$0x3FFC];
	_ =	sdelay $0x3  }
0x94: {  	_ =	strace s3  }
0x95: {  	s3 =	sld [smem:$0x3FFD];
	_ =	sdelay $0x3  }
0x96: {  	_ =	strace s3  }
0x97: {  	_ =	strace $0x8FFFFFFF  }
0x98: {  	s19 =	sld [smem:$0x3FDB];
	_ =	sdelay $0x1  }
0x99: {  	s4 =	simm.s32 $_scs_section_size  }
0x9a: {  	s5 =	simm.s32 $_size__tile_overlayer_lowered;
	s6 =	simm.s32 $_tile_overlayer_lowered  }
0x9b: {  	s22 =	simm.s32 $0x1BFF;
	s21 =	sshll.u32 s6, $0x1;
	s3 =	sadd.s32 s4, s19  }
0x9c: {  	s7 =	simm.s32 $0x0;
	s20 =	sshll.u32 s5, $0x1;
	s5 =	sadd.s32 s21, s3  }
0x9d: {  	[timem:s7], [sflag:s22] =	dma.local [hbm:s5], s20  }
0x9e: {  	_ =	swait.ge [sflag:s22], s20  }
0x9f: {  	s4 =	ssub.s32 $0x0, s20;
	[sflag:s22] =	ssyncset.done $0x0  }
0xa0: {  	[sflag:s22] =	ssyncadd.s32 s4;
	_ =	sdelay $0x1  }
0xa1: {  	s23 =	simm.s32 $0x1B8B  }
0xa2: {  	_ =	swait.ge [sflag:s23], $0x1  }
0xa3: {  	[sflag:s23] =	ssyncset.done $0x0  }
0xa4: {  	s25 =	simm.s32 $0x1B8E;
	s24 =	sld [smem:$0x3FFE];
	[sflag:s23] =	ssyncadd.s32 $0xFFFFFFFF  }
0xa5: {  	s26 =	simm.s32 $execute0_lowered;
	[smem:$0x3FD2] =	sst s25  }
0xa6: {  	s5 =	sshll.u32 s26, $0x1;
	_ =	strace $0x8000004C;
	[dreg:$0x1] =	wrdreg $0xFFFFFFFF  }
0xa7: {  	s28 =	simm.s32 $_size_execute0_lowered;
	s3 =	sadd.s32 s3, s5;
	[dreg:$0x0] =	wrdreg $0x0  }
0xa8: {  	s5 =	sshll.u32 s28, $0x1;
	[dreg:$0x2] =	wrdreg s3  }
0xa9: {  	[dreg:$0x3] =	wrdreg s5  }
0xaa: {  	[dreg:$0x4] =	wrdreg $0xC0  }
0xab: {  	_ =	task [dreg:s7], $0x5FFFF  }
0xac: {  	[dreg:$0x1] =	wrdreg $0xFFFFFFFF  }
0xad: {  	[dreg:$0x0] =	wrdreg $0x60  }
0xae: {  	[dreg:$0x2] =	wrdreg s2  }
0xaf: {  	[dreg:$0x3] =	wrdreg s24  }
0xb0: {  	[dreg:$0x4] =	wrdreg $0x92000  }
0xb1: {  	[dreg:$0x5] =	wrdreg $0x9  }
0xb2: {  	_ =	task.clear_ibuf [dreg:s7], $0x6FFFF;
	_ =	strace $0x9000004C  }
0xb3: {  	s29 =	simm.s32 $0x9;
	_ =	strace $0x8000004E  }
0xb4: {  	_ =	swait.ge [sflag:s29], $0x1  }
0xb5: {  	[sflag:s29] =	ssyncadd.s32 $0xFFFFFFFF  }
0xb6: {  	_ =	strace $0x9000004E  }
0xb7: {  	_ =	sfence  }
0xb8: {  	s30 =	sld [smem:$0x0];
	_ =	sdelay $0x2  }
0xb9: {  	s31 =	sshll.u32 s1, $0xD;
	s1 =	sshrl.u32 s1, $0x2  }
0xba: {  	s3 =	sand.u32 $0x4000, s31;
	s1 =	sadd.s32 s1, s30  }
0xbb: {  	s0 =	sor.u32 s3, s0;
	s1 =	sshll.u32 s1, $0x11  }
0xbc: {  	s0 =	sor.u32 s1, s0  }
0xbd: {  	s0 =	sadd.s32 $0x8F2B, s0  }
0xbe: {  	[sflag:s0] =	ssyncadd.remote.s32 $0x1  }
0xbf: {  	_ =	sfence.sel $0xFFFF  }
0xc0: {  	[dreg:$0x0] =	wrdreg $0xFFFFFFFF;
	(pc) =	sbr.abs _section_cstart, $3  }
0xc1: {  	[dreg:$0x1] =	wrdreg $0xFFFFFFFF  }
0xc2: {  	_ =	task.clear_ibuf [dreg:s7], $0x2FFFF;
	_ =	strace $0x9FFFFFFF  }
0xc3: {  	(tm) =	ssettm $0x7FFFFFFF  }
tec
execute0_lowered:
.L_overlay_start_1:
0x0: {  	(tag) =	ssettag $0x1  }
0x1: {  	s1 =	rddreg [dreg:$0x0]  }
0x2: {  	s0 =	rddreg [dreg:$0x1]  }
0x3: {  	s2 =	rddreg [dreg:$0x2];
	s3 =	srdreg.scid;
	s4 =	simm.s32 $0x0  }
0x4: {  	s12 =	stileid.u32;
	s3 =	sand.u32 $0x1, s3;
	[smem:$0x7FF] =	sst s4  }
0x5: {  	s6 =	smul.u32 $0x14000, s12;
	s7 =	sadd.s32 $0xC000, s0;
	s8 =	sadd.s32 $0x2200, s0  }
0x6: {  	s10 =	sshll.u32 s12, $0x1;
	s9 =	smul.u32 $0x50000, s12;
	s20 =	sshll.u32 s12, $0x5  }
0x7: {  	s12 =	simm.s32 $0x5;
	s5 =	smul.u32 $0x140000, s3;
	_ =	strace $0x8000004D  }
0x8: {  	s21 =	ssub.s32 $0x2, s3;
	s11 =	sor.u32 s3, s10;
	s3 =	sshll.u32 s3, $0x4  }
0x9: {  	s22 =	sshrl.u32 s21, $0x1;
	s23 =	sshll.u32 s11, $0x4;
	s26 =	sshrl.u32 s9, $0x2  }
0xa: {  	s14 =	sor.u32 $0x980, s11;
	s11 =	simm.s32 $0x8200;
	s5 =	sadd.s32 s6, s5  }
0xb: {  	s13 =	sadd.s32 s7, s23;
	s24 =	sadd.s32 s8, s23;
	s6 =	sor.u32 $0x200, s23  }
0xc: {  	s9 =	sadd.s32 s26, s2;
	s17 =	sshll.u32 s14, $0x4;
	p0 =	sgt.u32 s14, $0x983  }
0xd: {  	s14 =	simm.s32 $0x200;
	s5 =	sshrl.u32 s5, $0x3;
	[dreg:$0x4] =	wrdreg s13  }
0xe: {  	[dreg:$0x5] =	wrdreg s24;
	s25 =	sadd.s32 s7, s6;
	s6 =	sadd.s32 s8, s6  }
0xf: {  	s13 =	sadd.s32 $0x2000, s9;
	s15 =	sadd.s32 $0x3000, s9;
	s16 =	sadd.s32 $0x4000, s9  }
0x10: {  	s18 =	sadd.s32 $0x6000, s9;
	s23 =	sadd.s32 $0x8000, s9;
	[dreg:$0x6] =	wrdreg s25  }
0x11: {  	s24 =	sor.u32 $0x9C0, s10;
	s26 =	sadd.s32 $0xA000, s9;
	[dreg:$0x7] =	wrdreg s6  }
0x12: {  	s28 =	sadd.s32 $0xC000, s9;
	s29 =	sadd.s32 $0xD000, s9;
	[dreg:$0xb] =	wrdreg s13  }
0x13: {  	s30 =	sadd.s32 $0xE000, s9;
	s31 =	sadd.s32 $0xF000, s9;
	[dreg:$0xc] =	wrdreg s15  }
0x14: {  	s10 =	simm.s32 $0x180;
	s0 =	sadd.s32 s5, s0;
	[dreg:$0xd] =	wrdreg s16  }
0x15: {  	s5 =	ssub.s32 s21, s22;
	s6 =	sadd.s32 $0x1000, s9;
	[dreg:$0xf] =	wrdreg s18  }
0x16: {  	s21 =	sadd.s32 s20, s8;
	s22 =	sadd.s32 $0x7000, s9;
	[dreg:$0x13] =	wrdreg s23  }
0x17: {  	s25 =	sadd.s32 $0x9000, s9;
	p1 =	sgt.u32 s24, $0x9C3;
	[dreg:$0x15] =	wrdreg s26  }
0x18: {  	s26 =	sadd.s32 $0xB000, s9;
	s13 =	simm.s32 $0x3;
	[dreg:$0xa] =	wrdreg s6  }
0x19: {  	s15 =	simm.s32 $0x4;
	s16 =	simm.s32 $0x4200;
	[dreg:$0x12] =	wrdreg s22  }
0x1a: {  	s18 =	simm.s32 $0x2;
	s0 =	sadd.s32 $0x65E00, s0;
	[dreg:$0x14] =	wrdreg s25  }
0x1b: {  	s5 =	smax.u32 s5, $0x1;
	s6 =	sadd.s32 $0x5000, s9;
	[dreg:$0x8] =	wrdreg s0  }
0x1c: {  	s21 =	sadd.s32 s3, s21;
	[dreg:$0x9] =	wrdreg s5;
	s5 =	sor.u32 $0x400, s17  }
0x1d: {  	[dreg:$0xe] =	wrdreg s6;
	s0 =	sadd.s32 $0x10000, s9;
	s19 =	sadd.s32 s7, s5  }
0x1e: {  	s6 =	sadd.s32 $0x13000, s9;
	s5 =	sadd.s32 s8, s5;
	[dreg:$0x10] =	wrdreg s19  }
0x1f: {  	s17 =	simm.s32 $0x1;
	s8 =	simm.s32 $0x80;
	[dreg:$0x11] =	wrdreg s5  }
0x20: {  	s5 =	sadd.s32 s20, s7;
	s7 =	simm.s32 $0x100;
	s19 =	simm.s32 $0x0  }
0x21: {  	v0 =	vimm.f32 $0.0e+00;
	s22 =	sadd.s32 s3, s5;
	s3 =	sadd.s32 $0x11000, s9;
	s5 =	sadd.s32 $0x12000, s9  }
.LBB2_1:
0x22: {  	s20 =	rddreg [dreg:$0x4]  }
0x23: {  	[tilespmem:s4], [sflag:$0x3] =	stream.linear.gather [hbm4b:s20+s4], $0x80, $0x38;
	[tilespmem:$0x1D200] =	vst v63  }
0x24: {  	s23 =	rddreg [dreg:$0x5]  }
0x25: {  	[tilespmem:s7], [sflag:$0x3] =	stream.linear.gather [hbm4b:s23+s4], $0x80, $0x38;
	[tilespmem:$0x1D200] =	vst v63  }
0x26: {  	s24 =	rddreg [dreg:$0x6]  }
0x27: {  	[tilespmem:s8], [sflag:$0x4] =	stream.linear.gather [hbm4b:s24+s4], $0x80, $0x38;
	[tilespmem:$0x1D200] =	vst v63  }
0x28: {  	s25 =	rddreg [dreg:$0x7];
	s20 =	simm.s32 $0x0;
	s23 =	simm.s32 $0x200  }
0x29: {  	[tilespmem:s10], [sflag:$0x4] =	stream.linear.gather [hbm4b:s25+s4], $0x80, $0x38;
	[tilespmem:$0x1D200] =	vst v63  }
.LBB2_2:
0x2a: {  	p2 =	sne.s32 s23, $0x3E00;
	[tilespmem:s20+$0x8270] =	vst v0  }
0x2b: {  	[tilespmem:s20+$0x8200] =	vst v0  }
0x2c: {  	[tilespmem:s20+$0x8210] =	vst v0  }
.Ltmp0:
0x2d: {  	[tilespmem:s20+$0x8220] =	vst v0;
	(pc) =	sbr.rel @p2 .LBB2_2-.Ltmp0, $4  }
0x2e: {  	[tilespmem:s20+$0x8230] =	vst v0  }
0x2f: {  	[tilespmem:s20+$0x8240] =	vst v0  }
0x30: {  	[tilespmem:s20+$0x8250] =	vst v0  }
0x31: {  	[tilespmem:s20+$0x8260] =	vst v0;
	s20 =	sshra.s32 s23, $0x2;
	s23 =	sadd.s32 $0x200, s23  }
0x32: {  	[tilespmem:s20+$0x8270] =	vst v0  }
0x33: {  	[tilespmem:s20+$0x8200] =	vst v0  }
0x34: {  	[tilespmem:s20+$0x8210] =	vst v0  }
0x35: {  	[tilespmem:s20+$0x8220] =	vst v0  }
0x36: {  	[tilespmem:s20+$0x8230] =	vst v0  }
0x37: {  	[tilespmem:s20+$0x8240] =	vst v0  }
0x38: {  	[tilespmem:s20+$0x8250] =	vst v0  }
0x39: {  	[tilespmem:s20+$0x8260] =	vst v0  }
0x3a: {  	[spmem:s9] =	stream.linear.scatter [tilespmem:s11], [sflag:$0x5], $0x1000, $0x38;
	[tilespmem:$0x1D200] =	vst v63  }
0x3b: {  	_ =	swait.ge [sflag:s12], $0x1000  }
0x3c: {  	[sflag:s12] =	ssyncset.done $0x0  }
0x3d: {  	s23 =	rddreg [dreg:$0xa];
	[sflag:s12] =	ssyncadd.s32 $0xFFFFF000  }
0x3e: {  	[spmem:s23] =	stream.linear.scatter [tilespmem:s11], [sflag:$0x5], $0x1000, $0x38;
	[tilespmem:$0x1D200] =	vst v63  }
0x3f: {  	_ =	swait.ge [sflag:s12], $0x1000  }
0x40: {  	[sflag:s12] =	ssyncset.done $0x0  }
0x41: {  	s24 =	rddreg [dreg:$0xb];
	[sflag:s12] =	ssyncadd.s32 $0xFFFFF000  }
0x42: {  	[spmem:s24] =	stream.linear.scatter [tilespmem:s11], [sflag:$0x5], $0x1000, $0x38;
	[tilespmem:$0x1D200] =	vst v63  }
0x43: {  	_ =	swait.ge [sflag:s12], $0x1000  }
0x44: {  	[sflag:s12] =	ssyncset.done $0x0  }
0x45: {  	s25 =	rddreg [dreg:$0xc];
	[sflag:s12] =	ssyncadd.s32 $0xFFFFF000  }
0x46: {  	[spmem:s25] =	stream.linear.scatter [tilespmem:s11], [sflag:$0x5], $0x1000, $0x38;
	[tilespmem:$0x1D200] =	vst v63  }
0x47: {  	_ =	swait.ge [sflag:s12], $0x1000  }
0x48: {  	[sflag:s12] =	ssyncset.done $0x0  }
0x49: {  	s23 =	rddreg [dreg:$0xd];
	[sflag:s12] =	ssyncadd.s32 $0xFFFFF000  }
0x4a: {  	[spmem:s23] =	stream.linear.scatter [tilespmem:s11], [sflag:$0x5], $0x1000, $0x38;
	[tilespmem:$0x1D200] =	vst v63  }
0x4b: {  	_ =	swait.ge [sflag:s12], $0x1000  }
0x4c: {  	[sflag:s12] =	ssyncset.done $0x0  }
0x4d: {  	s24 =	rddreg [dreg:$0xe];
	[sflag:s12] =	ssyncadd.s32 $0xFFFFF000  }
0x4e: {  	[spmem:s24] =	stream.linear.scatter [tilespmem:s11], [sflag:$0x5], $0x1000, $0x38;
	[tilespmem:$0x1D200] =	vst v63  }
0x4f: {  	_ =	swait.ge [sflag:s12], $0x1000  }
0x50: {  	[sflag:s12] =	ssyncset.done $0x0  }
0x51: {  	s25 =	rddreg [dreg:$0xf];
	[sflag:s12] =	ssyncadd.s32 $0xFFFFF000  }
0x52: {  	[spmem:s25] =	stream.linear.scatter [tilespmem:s11], [sflag:$0x5], $0x1000, $0x38;
	[tilespmem:$0x1D200] =	vst v63  }
0x53: {  	_ =	swait.ge [sflag:s12], $0x1000  }
0x54: {  	[sflag:s12] =	ssyncset.done $0x0  }
0x55: {  	s23 =	rddreg [dreg:$0x12];
	[sflag:s12] =	ssyncadd.s32 $0xFFFFF000  }
0x56: {  	[spmem:s23] =	stream.linear.scatter [tilespmem:s11], [sflag:$0x5], $0x1000, $0x38;
	[tilespmem:$0x1D200] =	vst v63  }
0x57: {  	_ =	swait.ge [sflag:s12], $0x1000  }
0x58: {  	[sflag:s12] =	ssyncset.done $0x0  }
0x59: {  	s24 =	rddreg [dreg:$0x13];
	[sflag:s12] =	ssyncadd.s32 $0xFFFFF000  }
0x5a: {  	[spmem:s24] =	stream.linear.scatter [tilespmem:s11], [sflag:$0x5], $0x1000, $0x38;
	[tilespmem:$0x1D200] =	vst v63  }
0x5b: {  	_ =	swait.ge [sflag:s12], $0x1000  }
0x5c: {  	[sflag:s12] =	ssyncset.done $0x0  }
0x5d: {  	s25 =	rddreg [dreg:$0x14];
	[sflag:s12] =	ssyncadd.s32 $0xFFFFF000  }
0x5e: {  	[spmem:s25] =	stream.linear.scatter [tilespmem:s11], [sflag:$0x5], $0x1000, $0x38;
	[tilespmem:$0x1D200] =	vst v63  }
0x5f: {  	_ =	swait.ge [sflag:s12], $0x1000  }
0x60: {  	[sflag:s12] =	ssyncset.done $0x0  }
0x61: {  	s23 =	rddreg [dreg:$0x15];
	[sflag:s12] =	ssyncadd.s32 $0xFFFFF000  }
0x62: {  	[spmem:s23] =	stream.linear.scatter [tilespmem:s11], [sflag:$0x5], $0x1000, $0x38;
	[tilespmem:$0x1D200] =	vst v63  }
0x63: {  	_ =	swait.ge [sflag:s12], $0x1000  }
0x64: {  	[sflag:s12] =	ssyncset.done $0x0  }
0x65: {  	[sflag:s12] =	ssyncadd.s32 $0xFFFFF000  }
0x66: {  	[spmem:s26] =	stream.linear.scatter [tilespmem:s11], [sflag:$0x5], $0x1000, $0x38;
	[tilespmem:$0x1D200] =	vst v63  }
0x67: {  	_ =	swait.ge [sflag:s12], $0x1000  }
0x68: {  	[sflag:s12] =	ssyncset.done $0x0  }
0x69: {  	[sflag:s12] =	ssyncadd.s32 $0xFFFFF000  }
0x6a: {  	[spmem:s28] =	stream.linear.scatter [tilespmem:s11], [sflag:$0x5], $0x1000, $0x38;
	[tilespmem:$0x1D200] =	vst v63  }
0x6b: {  	_ =	swait.ge [sflag:s12], $0x1000  }
0x6c: {  	[sflag:s12] =	ssyncset.done $0x0  }
0x6d: {  	[sflag:s12] =	ssyncadd.s32 $0xFFFFF000  }
0x6e: {  	[spmem:s29] =	stream.linear.scatter [tilespmem:s11], [sflag:$0x5], $0x1000, $0x38;
	[tilespmem:$0x1D200] =	vst v63  }
0x6f: {  	_ =	swait.ge [sflag:s12], $0x1000  }
0x70: {  	[sflag:s12] =	ssyncset.done $0x0  }
0x71: {  	[sflag:s12] =	ssyncadd.s32 $0xFFFFF000  }
0x72: {  	[spmem:s30] =	stream.linear.scatter [tilespmem:s11], [sflag:$0x5], $0x1000, $0x38;
	[tilespmem:$0x1D200] =	vst v63  }
0x73: {  	_ =	swait.ge [sflag:s12], $0x1000  }
0x74: {  	[sflag:s12] =	ssyncset.done $0x0  }
0x75: {  	[sflag:s12] =	ssyncadd.s32 $0xFFFFF000  }
0x76: {  	[spmem:s31] =	stream.linear.scatter [tilespmem:s11], [sflag:$0x5], $0x1000, $0x38;
	[tilespmem:$0x1D200] =	vst v63  }
0x77: {  	_ =	swait.ge [sflag:s12], $0x1000  }
0x78: {  	[sflag:s12] =	ssyncset.done $0x0  }
0x79: {  	[sflag:s12] =	ssyncadd.s32 $0xFFFFF000  }
0x7a: {  	[spmem:s0] =	stream.linear.scatter [tilespmem:s11], [sflag:$0x5], $0x1000, $0x38;
	[tilespmem:$0x1D200] =	vst v63  }
0x7b: {  	_ =	swait.ge [sflag:s12], $0x1000  }
0x7c: {  	[sflag:s12] =	ssyncset.done $0x0  }
0x7d: {  	[sflag:s12] =	ssyncadd.s32 $0xFFFFF000  }
0x7e: {  	[spmem:s3] =	stream.linear.scatter [tilespmem:s11], [sflag:$0x5], $0x1000, $0x38;
	[tilespmem:$0x1D200] =	vst v63  }
0x7f: {  	_ =	swait.ge [sflag:s12], $0x1000  }
0x80: {  	[sflag:s12] =	ssyncset.done $0x0  }
0x81: {  	[sflag:s12] =	ssyncadd.s32 $0xFFFFF000  }
0x82: {  	[spmem:s5] =	stream.linear.scatter [tilespmem:s11], [sflag:$0x5], $0x1000, $0x38;
	[tilespmem:$0x1D200] =	vst v63  }
0x83: {  	_ =	swait.ge [sflag:s12], $0x1000  }
0x84: {  	[sflag:s12] =	ssyncset.done $0x0  }
0x85: {  	[sflag:s12] =	ssyncadd.s32 $0xFFFFF000  }
0x86: {  	[spmem:s6] =	stream.linear.scatter [tilespmem:s11], [sflag:$0x5], $0x1000, $0x38;
	[tilespmem:$0x1D200] =	vst v63  }
0x87: {  	_ =	swait.ge [sflag:s12], $0x1000  }
0x88: {  	[sflag:s12] =	ssyncset.done $0x0  }
0x89: {  	[sflag:s12] =	ssyncadd.s32 $0xFFFFF000  }
0x8a: {  	_ =	swait.ge [sflag:s13], $0x80  }
0x8b: {  	[sflag:s13] =	ssyncset.done $0x0  }
0x8c: {  	[sflag:s13] =	ssyncadd.s32 $0xFFFFFF80  }
0x8d: {  	_ =	swait.ge [sflag:s13], $0x80  }
0x8e: {  	[sflag:s13] =	ssyncset.done $0x0  }
0x8f: {  	s24 =	simm.s32 $0x0;
	[sflag:s13] =	ssyncadd.s32 $0xFFFFFF80  }
0x90: {  	[tilespmem:s14], [sflag:$0x1] =	stream.indirect.gather [hbm4b:s1+s8], $0x80, s24, s8, $0xb8;
	[tilespmem:$0x1D200] =	vst v63  }
0x91: {  	[bflag:$0x0] =	sbarrier.arrive $0xFFFF  }
0x92: {  	_ =	swait.ge [sflag:s15], $0x80  }
0x93: {  	[sflag:s15] =	ssyncset.done $0x0  }
0x94: {  	[sflag:s15] =	ssyncadd.s32 $0xFFFFFF80  }
0x95: {  	_ =	swait.ge [sflag:s15], $0x80  }
0x96: {  	[sflag:s15] =	ssyncset.done $0x0  }
0x97: {  	[sflag:s15] =	ssyncadd.s32 $0xFFFFFF80  }
0x98: {  	[tilespmem:s16], [sflag:$0x2] =	stream.indirect.gather [hbm4b:s1+s8], $0x80, s8, s8, $0xb8;
	[tilespmem:$0x1D200] =	vst v63  }
0x99: {  	_ =	swait.ge [sflag:s17], $0x4000  }
0x9a: {  	[sflag:s17] =	ssyncset.done $0x0  }
0x9b: {  	[sflag:s17] =	ssyncadd.s32 $0xFFFFC000  }
0x9c: {  	[spmem:s2] =	stream.indirect.scatter.add.f32 [tilespmem:s14], [sflag:$0x5], $0x80, s7, s8, $0xb8;
	[tilespmem:$0x1D200] =	vst v63  }
0x9d: {  	_ =	swait.ge [sflag:s12], $0x4000  }
0x9e: {  	s20 =	sadd.s32 $0x0, s22;
	[sflag:s12] =	ssyncset.done $0x0  }
0x9f: {  	s23 =	sadd.s32 $0x400, s20;
	s24 =	sadd.s32 $0x0, s21;
	[sflag:s12] =	ssyncadd.s32 $0xFFFFC000  }
0xa0: {  	[tilespmem:s4], [sflag:$0x3] =	stream.linear.gather [hbm4b:s23+s4], $0x80, $0x38;
	[tilespmem:$0x1D200] =	vst v63  }
0xa1: {  	s25 =	sadd.s32 $0x400, s24  }
0xa2: {  	[tilespmem:s7], [sflag:$0x3] =	stream.linear.gather [hbm4b:s25+s4], $0x80, $0x38;
	[tilespmem:$0x1D200] =	vst v63  }
0xa3: {  	_ =	swait.ge [sflag:s13], $0x80  }
0xa4: {  	[sflag:s13] =	ssyncset.done $0x0  }
0xa5: {  	[sflag:s13] =	ssyncadd.s32 $0xFFFFFF80  }
0xa6: {  	_ =	swait.ge [sflag:s13], $0x80  }
0xa7: {  	[sflag:s13] =	ssyncset.done $0x0  }
0xa8: {  	[sflag:s13] =	ssyncadd.s32 $0xFFFFFF80  }
0xa9: {  	[tilespmem:s14], [sflag:$0x1] =	stream.indirect.gather [hbm4b:s1+s8], $0x80, s4, s8, $0xb8;
	[tilespmem:$0x1D200] =	vst v63  }
0xaa: {  	_ =	swait.ge [sflag:s18], $0x4000  }
0xab: {  	[sflag:s18] =	ssyncset.done $0x0  }
0xac: {  	[sflag:s18] =	ssyncadd.s32 $0xFFFFC000  }
0xad: {  	[spmem:s2] =	stream.indirect.scatter.add.f32 [tilespmem:s16], [sflag:$0x5], $0x80, s10, s8, $0xb8;
	[tilespmem:$0x1D200] =	vst v63  }
0xae: {  	_ =	swait.ge [sflag:s12], $0x4000  }
0xaf: {  	[sflag:s12] =	ssyncset.done $0x0  }
0xb0: {  	s20 =	sadd.s32 $0x600, s20;
	[sflag:s12] =	ssyncadd.s32 $0xFFFFC000  }
0xb1: {  	[tilespmem:s8], [sflag:$0x4] =	stream.linear.gather [hbm4b:s20+s4], $0x80, $0x38;
	[tilespmem:$0x1D200] =	vst v63  }
0xb2: {  	s23 =	sadd.s32 $0x600, s24;
	s20 =	simm.s32 $0x400  }
.LBB2_4:
0xb3: {  	[tilespmem:s10], [sflag:$0x4] =	stream.linear.gather [hbm4b:s23+s4], $0x80, $0x38;
	[tilespmem:$0x1D200] =	vst v63  }
0xb4: {  	s23 =	smov.u32 s20  }
0xb5: {  	p2 =	sne.s32 s20, $0x9400;
	s20 =	sadd.s32 $0x400, s20;
	_ =	swait.ge [sflag:s15], $0x80  }
0xb6: {  	[sflag:s15] =	ssyncset.done $0x0  }
0xb7: {  	[sflag:s15] =	ssyncadd.s32 $0xFFFFFF80  }
0xb8: {  	_ =	swait.ge [sflag:s15], $0x80  }
0xb9: {  	[sflag:s15] =	ssyncset.done $0x0  }
0xba: {  	[sflag:s15] =	ssyncadd.s32 $0xFFFFFF80  }
0xbb: {  	[tilespmem:s16], [sflag:$0x2] =	stream.indirect.gather [hbm4b:s1+s8], $0x80, s8, s8, $0xb8;
	[tilespmem:$0x1D200] =	vst v63  }
0xbc: {  	_ =	swait.ge [sflag:s17], $0x4000  }
0xbd: {  	[sflag:s17] =	ssyncset.done $0x0  }
0xbe: {  	[sflag:s17] =	ssyncadd.s32 $0xFFFFC000  }
0xbf: {  	[spmem:s2] =	stream.indirect.scatter.add.f32 [tilespmem:s14], [sflag:$0x5], $0x80, s7, s8, $0xb8;
	[tilespmem:$0x1D200] =	vst v63  }
0xc0: {  	_ =	swait.ge [sflag:s12], $0x4000  }
0xc1: {  	s24 =	sadd.s32 s23, s22;
	[sflag:s12] =	ssyncset.done $0x0  }
0xc2: {  	s23 =	sadd.s32 s23, s21;
	s25 =	sadd.s32 $0x400, s24;
	[sflag:s12] =	ssyncadd.s32 $0xFFFFC000  }
0xc3: {  	[tilespmem:s4], [sflag:$0x3] =	stream.linear.gather [hbm4b:s25+s4], $0x80, $0x38;
	[tilespmem:$0x1D200] =	vst v63  }
0xc4: {  	s25 =	sadd.s32 $0x400, s23  }
0xc5: {  	[tilespmem:s7], [sflag:$0x3] =	stream.linear.gather [hbm4b:s25+s4], $0x80, $0x38;
	[tilespmem:$0x1D200] =	vst v63  }
0xc6: {  	_ =	swait.ge [sflag:s13], $0x80  }
0xc7: {  	[sflag:s13] =	ssyncset.done $0x0  }
0xc8: {  	[sflag:s13] =	ssyncadd.s32 $0xFFFFFF80  }
0xc9: {  	_ =	swait.ge [sflag:s13], $0x80  }
0xca: {  	[sflag:s13] =	ssyncset.done $0x0  }
0xcb: {  	[sflag:s13] =	ssyncadd.s32 $0xFFFFFF80  }
0xcc: {  	[tilespmem:s14], [sflag:$0x1] =	stream.indirect.gather [hbm4b:s1+s8], $0x80, s4, s8, $0xb8;
	[tilespmem:$0x1D200] =	vst v63  }
0xcd: {  	_ =	swait.ge [sflag:s18], $0x4000  }
0xce: {  	[sflag:s18] =	ssyncset.done $0x0  }
0xcf: {  	[sflag:s18] =	ssyncadd.s32 $0xFFFFC000  }
0xd0: {  	[spmem:s2] =	stream.indirect.scatter.add.f32 [tilespmem:s16], [sflag:$0x5], $0x80, s10, s8, $0xb8;
	[tilespmem:$0x1D200] =	vst v63  }
.Ltmp1:
0xd1: {  	_ =	swait.ge [sflag:s12], $0x4000;
	(pc) =	sbr.rel @p2 .LBB2_4-.Ltmp1, $4  }
0xd2: {  	[sflag:s12] =	ssyncset.done $0x0  }
0xd3: {  	s24 =	sadd.s32 $0x600, s24;
	[sflag:s12] =	ssyncadd.s32 $0xFFFFC000  }
0xd4: {  	[tilespmem:s8], [sflag:$0x4] =	stream.linear.gather [hbm4b:s24+s4], $0x80, $0x38;
	[tilespmem:$0x1D200] =	vst v63  }
0xd5: {  	s23 =	sadd.s32 $0x600, s23  }
0xd6: {  	[tilespmem:s10], [sflag:$0x4] =	stream.linear.gather [hbm4b:s23+s4], $0x80, $0x38;
	[tilespmem:$0x1D200] =	vst v63  }
0xd7: {  	_ =	swait.ge [sflag:s15], $0x80  }
0xd8: {  	[sflag:s15] =	ssyncset.done $0x0  }
0xd9: {  	[sflag:s15] =	ssyncadd.s32 $0xFFFFFF80  }
0xda: {  	_ =	swait.ge [sflag:s15], $0x80  }
0xdb: {  	[sflag:s15] =	ssyncset.done $0x0  }
0xdc: {  	[sflag:s15] =	ssyncadd.s32 $0xFFFFFF80  }
0xdd: {  	[tilespmem:s16], [sflag:$0x2] =	stream.indirect.gather [hbm4b:s1+s8], $0x80, s8, s8, $0xb8;
	[tilespmem:$0x1D200] =	vst v63  }
0xde: {  	_ =	swait.ge [sflag:s17], $0x4000  }
0xdf: {  	[sflag:s17] =	ssyncset.done $0x0  }
0xe0: {  	[sflag:s17] =	ssyncadd.s32 $0xFFFFC000  }
0xe1: {  	[spmem:s2] =	stream.indirect.scatter.add.f32 [tilespmem:s14], [sflag:$0x5], $0x80, s7, s8, $0xb8;
	[tilespmem:$0x1D200] =	vst v63  }
0xe2: {  	_ =	swait.ge [sflag:s12], $0x4000  }
0xe3: {  	[sflag:s12] =	ssyncset.done $0x0  }
0xe4: {  	s20 =	simm.s32 @!p0 $0x0;
	s23 =	rddreg [dreg:$0x10];
	[sflag:s12] =	ssyncadd.s32 $0xFFFFC000  }
0xe5: {  	[tilespmem:s20], [sflag:$0x3] =	stream.linear.gather @!p0 [hbm4b:s23+s20], $0x80, $0x38;
	[tilespmem:$0x1D200] =	vst v63  }
0xe6: {  	s24 =	rddreg [dreg:$0x11];
	s23 =	simm.s32 @!p0 $0x100  }
0xe7: {  	[tilespmem:s23], [sflag:$0x3] =	stream.linear.gather @!p0 [hbm4b:s24+s20], $0x80, $0x38;
	[tilespmem:$0x1D200] =	vst v63  }
0xe8: {  	s23 =	simm.s32 @!p0 $0x3  }
0xe9: {  	_ =	swait.ge @!p0 [sflag:s23], $0x80  }
0xea: {  	[sflag:s23] =	ssyncset.done @!p0 $0x0  }
0xeb: {  	[sflag:s23] =	ssyncadd.s32 @!p0 $0xFFFFFF80  }
0xec: {  	_ =	swait.ge @!p0 [sflag:s23], $0x80  }
0xed: {  	[sflag:s23] =	ssyncset.done @!p0 $0x0  }
0xee: {  	s24 =	simm.s32 @!p0 $0x200;
	[sflag:s23] =	ssyncadd.s32 @!p0 $0xFFFFFF80;
	s23 =	simm.s32 @!p0 $0x80  }
0xef: {  	[tilespmem:s24], [sflag:$0x1] =	stream.indirect.gather @!p0 [hbm4b:s1+s23], $0x80, s20, s23, $0xb8;
	[tilespmem:$0x1D200] =	vst v63  }
0xf0: {  	_ =	swait.ge [sflag:s18], $0x4000  }
0xf1: {  	[sflag:s18] =	ssyncset.done $0x0  }
0xf2: {  	[sflag:s18] =	ssyncadd.s32 $0xFFFFC000  }
0xf3: {  	[spmem:s2] =	stream.indirect.scatter.add.f32 [tilespmem:s16], [sflag:$0x5], $0x80, s10, s8, $0xb8;
	[tilespmem:$0x1D200] =	vst v63  }
0xf4: {  	_ =	swait.ge [sflag:s12], $0x4000  }
0xf5: {  	[sflag:s12] =	ssyncset.done $0x0  }
0xf6: {  	s20 =	simm.s32 @!p1 $0x1;
	[sflag:s12] =	ssyncadd.s32 $0xFFFFC000  }
0xf7: {  	_ =	swait.ge @!p1 [sflag:s20], $0x4000  }
0xf8: {  	s23 =	simm.s32 @!p1 $0x100;
	[sflag:s20] =	ssyncset.done @!p1 $0x0  }
0xf9: {  	s24 =	simm.s32 @!p1 $0x200;
	[sflag:s20] =	ssyncadd.s32 @!p1 $0xFFFFC000;
	s20 =	simm.s32 @!p1 $0x80  }
0xfa: {  	[spmem:s2] =	stream.indirect.scatter.add.f32 @!p1 [tilespmem:s24], [sflag:$0x5], $0x80, s23, s20, $0xb8;
	[tilespmem:$0x1D200] =	vst v63  }
0xfb: {  	s20 =	simm.s32 @!p1 $0x5  }
0xfc: {  	_ =	swait.ge @!p1 [sflag:s20], $0x4000  }
0xfd: {  	[sflag:s20] =	ssyncset.done @!p1 $0x0  }
0xfe: {  	s23 =	stileid.u32;
	[sflag:s20] =	ssyncadd.s32 @!p1 $0xFFFFC000  }
0xff: {  	s20 =	sshll.u32 s23, $0x6;
	[bflag:$0x0] =	sbarrier.arrive $0xFFFF  }
0x100: {  	s24 =	sshrl.u32 s9, $0x3;
	s20 =	sor.u32 $0x1C05, s20;
	s25 =	rddreg [dreg:$0x8]  }
0x101: {  	[hbm:s25], [sflag:s20] =	dma.local [spmem:s24], $0x2800  }
0x102: {  	_ =	swait.ge [sflag:s12], $0x2800  }
0x103: {  	s19 =	sadd.s32 $0x1, s19;
	s25 =	rddreg [dreg:$0x9]  }
0x104: {  	p2 =	sne.s32 s19, s25  }
.Ltmp2:
0x105: {  	_ = 	snop;
	(pc) =	sbr.rel @p2 .LBB2_1-.Ltmp2, $3  }
0x106: {  	_ =	sdelay $0x1  }
0x107: {  	[sflag:s12] =	ssyncset.done $0x0  }
0x108: {  	[sflag:s12] =	ssyncadd.s32 $0xFFFFD800  }
0x109: {  	_ =	sfence.sel $0x180000  }
0x10a: {  	[bflag:$0x0] =	sbarrier.arrive $0xFFFF  }
0x10b: {  	_ =	strace $0x9000004D  }
0x10c: {  	s0 =	stileid.u32;
	[bflag:$0x2] =	sbarrier.arrive $0xFFFF  }
0x10d: {  	p0 =	sne.s32 s0, $0x0;
	s0 =	rddreg [dreg:$0x3]  }
0x10e: {  	s0 =	sadd.s32 @!p0 $0x100000, s0  }
0x10f: {  	[sflag:s0] =	ssyncadd.tile.s32 @!p0 $0x1;
	_ =	shalt  }
.Lfunc_end2:
_tile_overlayer_lowered:
.L_overlay_start_2:
0x110: {  	(tag) =	ssettag $0x2  }
0x111: {  	s0 =	rddreg [dreg:$0x0];
	s2 =	stileid.u32  }
0x112: {  	s1 =	rddreg [dreg:$0x1];
	p0 =	sne.s32 s2, $0x0  }
0x113: {  	s3 =	rddreg [dreg:$0x2];
	[bflag:$0x3] =	sbarrier.arrive $0xFFFF;
	s2 =	simm.s32 @!p0 $0x1C05  }
0x114: {  	[timem:s3], [sflag:s2] =	dma.local @!p0 [hbm:s0], s1  }
0x115: {  	s0 =	simm.s32 @!p0 $0x5  }
0x116: {  	_ =	swait.ge @!p0 [sflag:s0], s1  }
0x117: {  	s1 =	ssub.s32 @!p0 $0x0, s1;
	[sflag:s0] =	ssyncset.done @!p0 $0x0  }
0x118: {  	[sflag:s0] =	ssyncadd.s32 @!p0 s1  }
0x119: {  	[bflag:$0x3] =	sbarrier.arrive $0xFFFF  }
0x11a: {  	_ =	shalt  }

// kernel: kernel.8.cloned.1.call-start
scs
__scs_entry_jumppad:
0x0: {  	(pc) =	sbr.rel $0x88, $3  }
0x1: {  	(tag) =	ssettag $0x0;
	lr =	simm.s32 $0x1  }
0x2: {  	[smem:$0x3F9B] =	sst lr;
	_ =	strace $0xD0000000  }
0x3: {  	_ = 	snop  }
0x4: {  	_ = 	snop  }
0x5: {  	_ = 	snop  }
0x6: {  	_ = 	snop  }
0x7: {  	_ = 	snop  }
__scs_overlays_trampoline_lowered:
0x8: {  	[smem:$0x3FAA] =	sst s0  }
0x9: {  	[smem:$0x3FAB] =	sst s1  }
0xa: {  	[smem:$0x3FAC] =	sst s2  }
0xb: {  	[smem:$0x3FAD] =	sst s3  }
0xc: {  	[smem:$0x3FAE] =	sst s4  }
0xd: {  	[smem:$0x3FAF] =	sst s5  }
0xe: {  	[smem:$0x3FB0] =	sst s6  }
0xf: {  	[smem:$0x3FB1] =	sst s7  }
0x10: {  	[smem:$0x3FB2] =	sst s8  }
0x11: {  	[smem:$0x3FB3] =	sst s9;
	s0 =	simm.s32 @!p0 $0x0  }
0x12: {  	s1 =	sld [smem:$0x3F99];
	s0 =	simm.s32 @p0 $0x1  }
0x13: {  	[smem:$0x3FB4] =	sst s0;
	s0 =	simm.s32 @!p1 $0x0  }
0x14: {  	s2 =	sld [smem:$0x3F98];
	s0 =	simm.s32 @p1 $0x1  }
0x15: {  	[smem:$0x3FB5] =	sst s0;
	s0 =	simm.s32 @!p2 $0x0  }
0x16: {  	s3 =	sld [smem:$0x3FDB];
	s0 =	simm.s32 @p2 $0x1  }
0x17: {  	s4 =	simm.s32 $0x1BF5;
	[smem:$0x3FB7] =	sst s0  }
0x18: {  	s0 =	sld [smem:$0x3F9A];
	_ =	swait.ge [sflag:s4], $0x0  }
0x19: {  	s7 =	sld [smem:$0x3F9B]  }
0x1a: {  	s8 =	sadd.s32 $0xFFFFE003, lr  }
0x1b: {  	s9 =	sadd.s32 $0xFFFFFEF7, lr;
	s5 =	simm.s32 $0xFFFFFFFF;
	p2 =	slt.u32 s8, $0xFFFFF086  }
0x1c: {  	p1 =	slt.u32 s9, $0xF7A;
	s5 =	simm.s32 @!p2 $0x0  }
0x1d: {  	s5 =	simm.s32 @p1 $0x1;
	p0 =	seq.s32 s7, s2  }
0x1e: {  	s7 =	smul.u32 @!p0 $0xF7A, s2;
	p2 =	seq.s32 @!p0 s5, $0x0  }
0x1f: {  	s9 =	smul.u32 $0xF7A, s1;
	s8 =	simm.s32 @!p0 $0x1BF5;
	p2 =	por !p2, p0  }
0x20: {  	[sflag:s8] =	ssyncset.s32 @!p0 $0xFFFFF086;
	s6 =	sadd.s32 @!p0 s3, s7;
	s7 =	simm.s32 @!p0 $0x108  }
0x21: {  	s3 =	sadd.s32 s3, s9;
	s6 =	sadd.s32 @!p0 $0x88, s6;
	s7 =	simm.s32 @p2 $0x1082  }
0x22: {  	[simem:s7], [sflag:s8] =	dma.local @!p0 [hbm:s6], $0xF7A  }
0x23: {  	s9 =	sor.u32 $0xD0000000, s2;
	s6 =	simm.s32 $0x108;
	_ =	swait.ge @!p0 [sflag:s8], $0x0  }
0x24: {  	s3 =	sadd.s32 $0x88, s3;
	s6 =	simm.s32 @!p1 $0x1082;
	[sflag:s4] =	ssyncset.s32 $0xFFFFF086  }
0x25: {  	[simem:s6], [sflag:s4] =	dma.local [hbm:s3], $0xF7A  }
0x26: {  	[smem:$0x3F9B] =	sst s1;
	(tag) =	ssettag s2;
	_ =	strace s9  }
0x27: {  	s1 =	sld [smem:$0x3FAB]  }
0x28: {  	s2 =	sld [smem:$0x3FAC]  }
0x29: {  	s4 =	sld [smem:$0x3FAE]  }
0x2a: {  	p0 =	seq.s32 s5, $0x0;
	s5 =	sld [smem:$0x3FAF]  }
0x2b: {  	s6 =	sld [smem:$0x3FB0]  }
0x2c: {  	s7 =	sld [smem:$0x3FB1]  }
0x2d: {  	s3 =	simm.s32 $0x108;
	s8 =	sld [smem:$0x3FB2]  }
0x2e: {  	s3 =	simm.s32 @!p0 $0x1082;
	s9 =	sld [smem:$0x3FB3]  }
0x2f: {  	lr =	sadd.s32 s0, s3;
	s0 =	sld [smem:$0x3FAA]  }
0x30: {  	s3 =	sld [smem:$0x3FAD]  }
0x31: {  	[smem:$0x3FB6] =	sst s10  }
0x32: {  	s10 =	sld [smem:$0x3FB4];
	_ =	sdelay $0x3  }
0x33: {  	p0 =	seq.s32 s10, $0x1;
	s10 =	sld [smem:$0x3FB6];
	_ =	sdelay $0x3  }
0x34: {  	[smem:$0x3FB6] =	sst s10  }
0x35: {  	s10 =	sld [smem:$0x3FB5];
	_ =	sdelay $0x3  }
0x36: {  	p1 =	seq.s32 s10, $0x1;
	s10 =	sld [smem:$0x3FB6];
	_ =	sdelay $0x3  }
0x37: {  	[smem:$0x3FB6] =	sst s10  }
0x38: {  	s10 =	sld [smem:$0x3FB7]  }
0x39: {  	_ = 	snop;
	(pc) =	sbr.ind lr, $3  }
0x3a: {  	_ = 	snop  }
0x3b: {  	_ = 	snop  }
0x3c: {  	p2 =	seq.s32 s10, $0x1;
	s10 =	sld [smem:$0x3FB6]  }
0x3d: {  	_ =	shalt  }
0x3e: {  	_ =	shalt  }
0x3f: {  	_ =	shalt  }
0x40: {  	_ =	shalt  }
0x41: {  	_ =	shalt  }
0x42: {  	_ =	shalt  }
0x43: {  	_ =	shalt  }
0x44: {  	_ =	shalt  }
0x45: {  	_ =	shalt  }
0x46: {  	_ =	shalt  }
0x47: {  	_ =	shalt  }
0x48: {  	_ =	shalt  }
0x49: {  	_ =	shalt  }
0x4a: {  	_ =	shalt  }
0x4b: {  	_ =	shalt  }
0x4c: {  	_ =	shalt  }
0x4d: {  	_ =	shalt  }
0x4e: {  	_ =	shalt  }
0x4f: {  	_ =	shalt  }
0x50: {  	_ =	shalt  }
0x51: {  	_ =	shalt  }
0x52: {  	_ =	shalt  }
0x53: {  	_ =	shalt  }
0x54: {  	_ =	shalt  }
0x55: {  	_ =	shalt  }
0x56: {  	_ =	shalt  }
0x57: {  	_ =	shalt  }
0x58: {  	_ =	shalt  }
0x59: {  	_ =	shalt  }
0x5a: {  	_ =	shalt  }
0x5b: {  	_ =	shalt  }
0x5c: {  	_ =	shalt  }
0x5d: {  	_ =	shalt  }
0x5e: {  	_ =	shalt  }
0x5f: {  	_ =	shalt  }
0x60: {  	_ =	shalt  }
0x61: {  	_ =	shalt  }
0x62: {  	_ =	shalt  }
0x63: {  	_ =	shalt  }
0x64: {  	_ =	shalt  }
0x65: {  	_ =	shalt  }
0x66: {  	_ =	shalt  }
0x67: {  	_ =	shalt  }
0x68: {  	_ =	shalt  }
0x69: {  	_ =	shalt  }
0x6a: {  	_ =	shalt  }
0x6b: {  	_ =	shalt  }
0x6c: {  	_ =	shalt  }
0x6d: {  	_ =	shalt  }
0x6e: {  	_ =	shalt  }
0x6f: {  	_ =	shalt  }
0x70: {  	_ =	shalt  }
0x71: {  	_ =	shalt  }
0x72: {  	_ =	shalt  }
0x73: {  	_ =	shalt  }
0x74: {  	_ =	shalt  }
0x75: {  	_ =	shalt  }
0x76: {  	_ =	shalt  }
0x77: {  	_ =	shalt  }
0x78: {  	_ =	shalt  }
0x79: {  	_ =	shalt  }
0x7a: {  	_ =	shalt  }
0x7b: {  	_ =	shalt  }
0x7c: {  	_ =	shalt  }
0x7d: {  	_ =	shalt  }
0x7e: {  	_ =	shalt  }
0x7f: {  	_ =	shalt  }
0x80: {  	_ =	shalt  }
0x81: {  	_ =	shalt  }
0x82: {  	_ =	shalt  }
0x83: {  	_ =	shalt  }
0x84: {  	_ =	shalt  }
0x85: {  	_ =	shalt  }
0x86: {  	_ =	shalt  }
0x87: {  	_ =	shalt  }
.Lfunc_end0:
.L_simem_size_0:
called_computation_lowered:
.L_overlay_start_0:
0x88: {  	s2 =	sld [smem:$0x3FD9]  }
0x89: {  	s3 =	sld [smem:$0x3FFE];
	_ =	sdelay $0x1  }
0x8a: {  	s1 =	srdreg.scid  }
0x8b: {  	s0 =	sand.u32 $0x1, s1  }
0x8c: {  	s16 =	sshll.u32 s0, $0xA;
	s2 =	sadd.s32 s3, s2  }
0x8d: {  	s2 =	sadd.s32 s2, s16  }
0x8e: {  	[smem:$0x3FC2] =	sst s2  }
0x8f: {  	_ = 	snop  }
0x90: {  	(tm) =	ssettm $0x1  }
0x91: {  	s17 =	sld [smem:$0x3FFB];
	_ =	sdelay $0x3  }
0x92: {  	_ =	strace s17  }
0x93: {  	s2 =	sld [smem:$0x3FFC];
	_ =	sdelay $0x3  }
0x94: {  	_ =	strace s2  }
0x95: {  	s2 =	sld [smem:$0x3FFD];
	_ =	sdelay $0x3  }
0x96: {  	_ =	strace s2  }
0x97: {  	_ =	strace $0x8FFFFFFF  }
0x98: {  	s18 =	sld [smem:$0x3FDB];
	_ =	sdelay $0x1  }
0x99: {  	s19 =	simm.s32 $_scs_section_size  }
0x9a: {  	s4 =	simm.s32 $_size__tile_overlayer_lowered;
	s5 =	simm.s32 $_tile_overlayer_lowered  }
0x9b: {  	s22 =	simm.s32 $0x1BFF;
	s21 =	sshll.u32 s5, $0x1;
	s2 =	sadd.s32 s19, s18  }
0x9c: {  	s6 =	simm.s32 $0x0;
	s20 =	sshll.u32 s4, $0x1;
	s4 =	sadd.s32 s21, s2  }
0x9d: {  	[timem:s6], [sflag:s22] =	dma.local [hbm:s4], s20  }
0x9e: {  	_ =	swait.ge [sflag:s22], s20  }
0x9f: {  	s3 =	ssub.s32 $0x0, s20;
	[sflag:s22] =	ssyncset.done $0x0  }
0xa0: {  	[sflag:s22] =	ssyncadd.s32 s3;
	_ =	sdelay $0x1  }
0xa1: {  	s23 =	simm.s32 $0x1B8B  }
0xa2: {  	_ =	swait.ge [sflag:s23], $0x1  }
0xa3: {  	[sflag:s23] =	ssyncset.done $0x0  }
0xa4: {  	s25 =	simm.s32 $0x1B8E;
	s24 =	sld [smem:$0x3FFE];
	[sflag:s23] =	ssyncadd.s32 $0xFFFFFFFF  }
0xa5: {  	s26 =	simm.s32 $execute0_lowered;
	[smem:$0x3FD2] =	sst s25  }
0xa6: {  	s4 =	sshll.u32 s26, $0x1;
	_ =	strace $0x80000046;
	[dreg:$0x1] =	wrdreg $0xFFFFFFFF  }
0xa7: {  	s28 =	simm.s32 $_size_execute0_lowered;
	s2 =	sadd.s32 s2, s4;
	[dreg:$0x0] =	wrdreg $0x0  }
0xa8: {  	s4 =	sshll.u32 s28, $0x1;
	[dreg:$0x2] =	wrdreg s2  }
0xa9: {  	[dreg:$0x3] =	wrdreg s4  }
0xaa: {  	[dreg:$0x4] =	wrdreg $0xC0  }
0xab: {  	_ =	task [dreg:s6], $0x5FFFF  }
0xac: {  	[dreg:$0x1] =	wrdreg $0xFFFFFFFF  }
0xad: {  	[dreg:$0x0] =	wrdreg $0x60  }
0xae: {  	[dreg:$0x2] =	wrdreg s24  }
0xaf: {  	[dreg:$0x3] =	wrdreg $0x51800  }
0xb0: {  	[dreg:$0x4] =	wrdreg $0x9  }
0xb1: {  	_ =	task.clear_ibuf [dreg:s6], $0x5FFFF;
	_ =	strace $0x90000046  }
0xb2: {  	s29 =	simm.s32 $0x9;
	_ =	strace $0x80000048  }
0xb3: {  	_ =	swait.ge [sflag:s29], $0x1  }
0xb4: {  	[sflag:s29] =	ssyncadd.s32 $0xFFFFFFFF  }
0xb5: {  	_ =	strace $0x90000048  }
0xb6: {  	_ =	sfence  }
0xb7: {  	s30 =	sld [smem:$0x0];
	_ =	sdelay $0x2  }
0xb8: {  	s31 =	sshll.u32 s1, $0xD;
	s1 =	sshrl.u32 s1, $0x2  }
0xb9: {  	s3 =	sand.u32 $0x4000, s31;
	s1 =	sadd.s32 s1, s30  }
0xba: {  	s0 =	sor.u32 s3, s0;
	s1 =	sshll.u32 s1, $0x11  }
0xbb: {  	s0 =	sor.u32 s1, s0  }
0xbc: {  	s0 =	sadd.s32 $0x8F2B, s0  }
0xbd: {  	[sflag:s0] =	ssyncadd.remote.s32 $0x1  }
0xbe: {  	_ =	sfence.sel $0xFFFF  }
0xbf: {  	[dreg:$0x0] =	wrdreg $0xFFFFFFFF;
	(pc) =	sbr.abs _section_cstart, $3  }
0xc0: {  	[dreg:$0x1] =	wrdreg $0xFFFFFFFF  }
0xc1: {  	_ =	task.clear_ibuf [dreg:s6], $0x2FFFF;
	_ =	strace $0x9FFFFFFF  }
0xc2: {  	(tm) =	ssettm $0x7FFFFFFF  }
0xc3: {  	_ =	shalt  }
tec
execute0_lowered:
.L_overlay_start_1:
0x0: {  	(tag) =	ssettag $0x1  }
0x1: {  	s1 =	rddreg [dreg:$0x0]  }
0x2: {  	s0 =	srdreg.scid;
	s2 =	rddreg [dreg:$0x1]  }
0x3: {  	s3 =	simm.s32 $0x0;
	s4 =	sand.u32 $0x1, s0;
	s0 =	stileid.u32  }
0x4: {  	[smem:$0x7FF] =	sst s3;
	s5 =	smul.u32 $0x140000, s4  }
0x5: {  	s6 =	smul.u32 $0x14000, s0;
	s26 =	ssub.s32 $0x2, s4;
	_ =	strace $0x80000047  }
0x6: {  	s31 =	smul.u32 $0x50000, s0;
	p0 =	seq.s32 s4, $0x1;
	s9 =	ssub.s32 $0x9C4, s0  }
0x7: {  	s7 =	sshrl.u32 s26, $0x1;
	[dreg:$0x3] =	wrdreg s9;
	s9 =	ssub.s32 $0x954, s0  }
0x8: {  	s5 =	sadd.s32 s6, s5;
	s6 =	ssub.s32 s26, s7;
	s7 =	sshrl.u32 s31, $0x2  }
0x9: {  	[dreg:$0x4] =	wrdreg s9;
	s4 =	sadd.s32 s7, s2;
	s10 =	smax.u32 s6, $0x1  }
0xa: {  	[dreg:$0x6] =	wrdreg s10;
	s11 =	sadd.s32 $0x1000, s4  }
0xb: {  	s12 =	sadd.s32 $0x2000, s4;
	[dreg:$0x7] =	wrdreg s11  }
0xc: {  	s13 =	sadd.s32 $0x3000, s4;
	[dreg:$0x8] =	wrdreg s12  }
0xd: {  	s14 =	sadd.s32 $0x4000, s4;
	[dreg:$0x9] =	wrdreg s13  }
0xe: {  	s15 =	sadd.s32 $0x5000, s4;
	[dreg:$0xa] =	wrdreg s14  }
0xf: {  	s16 =	sadd.s32 $0x6000, s4;
	[dreg:$0xb] =	wrdreg s15  }
0x10: {  	s17 =	sadd.s32 $0x7000, s4;
	[dreg:$0xc] =	wrdreg s16  }
0x11: {  	s18 =	sadd.s32 $0x8000, s4;
	[dreg:$0xd] =	wrdreg s17  }
0x12: {  	s19 =	sadd.s32 $0x9000, s4;
	[dreg:$0xe] =	wrdreg s18  }
0x13: {  	s20 =	sadd.s32 $0xA000, s4;
	[dreg:$0xf] =	wrdreg s19  }
0x14: {  	s21 =	sadd.s32 $0xB000, s4;
	[dreg:$0x10] =	wrdreg s20  }
0x15: {  	s8 =	sshll.u32 s0, $0x4;
	s22 =	sadd.s32 $0xC000, s4;
	[dreg:$0x11] =	wrdreg s21  }
0x16: {  	s9 =	simm.s32 $0x100;
	s23 =	sadd.s32 $0xD000, s4;
	[dreg:$0x12] =	wrdreg s22  }
0x17: {  	s5 =	sshrl.u32 s5, $0x3;
	s24 =	sadd.s32 $0xE000, s4;
	[dreg:$0x13] =	wrdreg s23  }
0x18: {  	s6 =	simm.s32 $0x6;
	s25 =	sadd.s32 $0xF000, s4;
	[dreg:$0x14] =	wrdreg s24  }
0x19: {  	s7 =	simm.s32 $0x1;
	s26 =	sadd.s32 $0x10000, s4;
	[dreg:$0x15] =	wrdreg s25  }
0x1a: {  	s5 =	sadd.s32 s5, s1;
	s31 =	sadd.s32 $0x11000, s4;
	[dreg:$0x16] =	wrdreg s26  }
0x1b: {  	s10 =	simm.s32 $0x2;
	s5 =	sadd.s32 $0x15E00, s5;
	[dreg:$0x17] =	wrdreg s31  }
0x1c: {  	s25 =	sadd.s32 $0x12000, s4;
	[dreg:$0x5] =	wrdreg s5;
	s5 =	simm.s32 $0x2200  }
0x1d: {  	s26 =	sadd.s32 $0x13000, s4;
	s11 =	simm.s32 $0x4;
	s5 =	simm.s32 @!p0 $0xC000  }
0x1e: {  	s12 =	simm.s32 $0x3;
	s13 =	simm.s32 $0x5;
	s1 =	sadd.s32 s5, s1  }
0x1f: {  	s14 =	simm.s32 $0x0;
	s5 =	simm.s32 $0x4180;
	s24 =	sadd.s32 s1, s8  }
0x20: {  	s1 =	simm.s32 $0x80;
	s8 =	simm.s32 $0x180;
	s28 =	sadd.s32 $0x100, s24  }
0x21: {  	v0 =	vimm.f32 $1.000000000e+00;
	v1 =	vimm.f32 $0.0e+00;
	s29 =	sadd.s32 $0x200, s24;
	s30 =	sadd.s32 $0x300, s24;
	s17 =	sadd.s32 $0x900, s24  }
.LBB2_1:
0x22: {  	p0 =	por $0x0, $0x0  }
.Ltmp0:
0x23: {  	_ = 	snop;
	(pc) =	sbr.rel @p0 .LBB2_3-.Ltmp0, $4  }
0x24: {  	_ = 	snop  }
0x25: {  	[tilespmem:s3], [sflag:$0x1] =	stream.linear.gather [hbm4b:s24+s3], $0x80, $0x38;
	[tilespmem:$0x19180] =	vst v63  }
0x26: {  	s15 =	simm.s32 $0x0;
	s16 =	simm.s32 $0x200  }
0x27: {  	[tilespmem:s1], [sflag:$0x2] =	stream.linear.gather [hbm4b:s28+s3], $0x80, $0x38;
	[tilespmem:$0x19180] =	vst v63  }
.LBB2_2:
0x28: {  	p0 =	seq.s32 s16, $0xFE00;
	[tilespmem:s15+$0x1F0] =	vst v0  }
0x29: {  	[tilespmem:s15+$0x180] =	vst v0  }
0x2a: {  	[tilespmem:s15+$0x190] =	vst v0  }
.Ltmp1:
0x2b: {  	[tilespmem:s15+$0x1A0] =	vst v0;
	(pc) =	sbr.rel @!p0 .LBB2_2-.Ltmp1, $4  }
0x2c: {  	[tilespmem:s15+$0x1B0] =	vst v0  }
0x2d: {  	[tilespmem:s15+$0x1C0] =	vst v0  }
0x2e: {  	[tilespmem:s15+$0x1D0] =	vst v0  }
0x2f: {  	[tilespmem:s15+$0x1E0] =	vst v0;
	s15 =	sshra.s32 s16, $0x2;
	s16 =	sadd.s32 $0x200, s16  }
.LBB2_3:
0x30: {  	[tilespmem:s15+$0x1F0] =	vst v0  }
0x31: {  	[tilespmem:s15+$0x180] =	vst v0  }
0x32: {  	[tilespmem:s15+$0x190] =	vst v0  }
0x33: {  	[tilespmem:s15+$0x1A0] =	vst v0  }
0x34: {  	[tilespmem:s15+$0x1B0] =	vst v0  }
0x35: {  	[tilespmem:s15+$0x1C0] =	vst v0  }
0x36: {  	[tilespmem:s15+$0x1D0] =	vst v0  }
0x37: {  	[tilespmem:s15+$0x1E0] =	vst v0;
	s15 =	simm.s32 $0x0;
	s16 =	simm.s32 $0x200  }
.LBB2_4:
0x38: {  	p0 =	seq.s32 s16, $0x3E00;
	[tilespmem:s15+$0x41F0] =	vst v1  }
0x39: {  	[tilespmem:s15+$0x4180] =	vst v1  }
0x3a: {  	[tilespmem:s15+$0x4190] =	vst v1  }
.Ltmp2:
0x3b: {  	[tilespmem:s15+$0x41A0] =	vst v1;
	(pc) =	sbr.rel @!p0 .LBB2_4-.Ltmp2, $4  }
0x3c: {  	[tilespmem:s15+$0x41B0] =	vst v1  }
0x3d: {  	[tilespmem:s15+$0x41C0] =	vst v1  }
0x3e: {  	[tilespmem:s15+$0x41D0] =	vst v1  }
0x3f: {  	[tilespmem:s15+$0x41E0] =	vst v1;
	s15 =	sshra.s32 s16, $0x2;
	s16 =	sadd.s32 $0x200, s16  }
0x40: {  	[tilespmem:s15+$0x41F0] =	vst v1  }
0x41: {  	[tilespmem:s15+$0x4180] =	vst v1  }
0x42: {  	[tilespmem:s15+$0x4190] =	vst v1  }
0x43: {  	[tilespmem:s15+$0x41A0] =	vst v1  }
0x44: {  	[tilespmem:s15+$0x41B0] =	vst v1  }
0x45: {  	[tilespmem:s15+$0x41C0] =	vst v1  }
0x46: {  	[tilespmem:s15+$0x41D0] =	vst v1  }
0x47: {  	[tilespmem:s15+$0x41E0] =	vst v1  }
0x48: {  	[spmem:s4] =	stream.linear.scatter [tilespmem:s5], [sflag:$0x6], $0x1000, $0x38;
	[tilespmem:$0x19180] =	vst v63  }
0x49: {  	_ =	swait.ge [sflag:s6], $0x1000  }
0x4a: {  	[sflag:s6] =	ssyncset.done $0x0  }
0x4b: {  	s22 =	rddreg [dreg:$0x7];
	[sflag:s6] =	ssyncadd.s32 $0xFFFFF000  }
0x4c: {  	[spmem:s22] =	stream.linear.scatter [tilespmem:s5], [sflag:$0x6], $0x1000, $0x38;
	[tilespmem:$0x19180] =	vst v63  }
0x4d: {  	_ =	swait.ge [sflag:s6], $0x1000  }
0x4e: {  	[sflag:s6] =	ssyncset.done $0x0  }
0x4f: {  	s23 =	rddreg [dreg:$0x8];
	[sflag:s6] =	ssyncadd.s32 $0xFFFFF000  }
0x50: {  	[spmem:s23] =	stream.linear.scatter [tilespmem:s5], [sflag:$0x6], $0x1000, $0x38;
	[tilespmem:$0x19180] =	vst v63  }
0x51: {  	_ =	swait.ge [sflag:s6], $0x1000  }
0x52: {  	[sflag:s6] =	ssyncset.done $0x0  }
0x53: {  	s16 =	rddreg [dreg:$0x9];
	[sflag:s6] =	ssyncadd.s32 $0xFFFFF000  }
0x54: {  	[spmem:s16] =	stream.linear.scatter [tilespmem:s5], [sflag:$0x6], $0x1000, $0x38;
	[tilespmem:$0x19180] =	vst v63  }
0x55: {  	_ =	swait.ge [sflag:s6], $0x1000  }
0x56: {  	[sflag:s6] =	ssyncset.done $0x0  }
0x57: {  	s18 =	rddreg [dreg:$0xa];
	[sflag:s6] =	ssyncadd.s32 $0xFFFFF000  }
0x58: {  	[spmem:s18] =	stream.linear.scatter [tilespmem:s5], [sflag:$0x6], $0x1000, $0x38;
	[tilespmem:$0x19180] =	vst v63  }
0x59: {  	_ =	swait.ge [sflag:s6], $0x1000  }
0x5a: {  	[sflag:s6] =	ssyncset.done $0x0  }
0x5b: {  	s19 =	rddreg [dreg:$0xb];
	[sflag:s6] =	ssyncadd.s32 $0xFFFFF000  }
0x5c: {  	[spmem:s19] =	stream.linear.scatter [tilespmem:s5], [sflag:$0x6], $0x1000, $0x38;
	[tilespmem:$0x19180] =	vst v63  }
0x5d: {  	_ =	swait.ge [sflag:s6], $0x1000  }
0x5e: {  	[sflag:s6] =	ssyncset.done $0x0  }
0x5f: {  	s20 =	rddreg [dreg:$0xc];
	[sflag:s6] =	ssyncadd.s32 $0xFFFFF000  }
0x60: {  	[spmem:s20] =	stream.linear.scatter [tilespmem:s5], [sflag:$0x6], $0x1000, $0x38;
	[tilespmem:$0x19180] =	vst v63  }
0x61: {  	_ =	swait.ge [sflag:s6], $0x1000  }
0x62: {  	[sflag:s6] =	ssyncset.done $0x0  }
0x63: {  	s21 =	rddreg [dreg:$0xd];
	[sflag:s6] =	ssyncadd.s32 $0xFFFFF000  }
0x64: {  	[spmem:s21] =	stream.linear.scatter [tilespmem:s5], [sflag:$0x6], $0x1000, $0x38;
	[tilespmem:$0x19180] =	vst v63  }
0x65: {  	_ =	swait.ge [sflag:s6], $0x1000  }
0x66: {  	[sflag:s6] =	ssyncset.done $0x0  }
0x67: {  	s22 =	rddreg [dreg:$0xe];
	[sflag:s6] =	ssyncadd.s32 $0xFFFFF000  }
0x68: {  	[spmem:s22] =	stream.linear.scatter [tilespmem:s5], [sflag:$0x6], $0x1000, $0x38;
	[tilespmem:$0x19180] =	vst v63  }
0x69: {  	_ =	swait.ge [sflag:s6], $0x1000  }
0x6a: {  	[sflag:s6] =	ssyncset.done $0x0  }
0x6b: {  	s23 =	rddreg [dreg:$0xf];
	[sflag:s6] =	ssyncadd.s32 $0xFFFFF000  }
0x6c: {  	[spmem:s23] =	stream.linear.scatter [tilespmem:s5], [sflag:$0x6], $0x1000, $0x38;
	[tilespmem:$0x19180] =	vst v63  }
0x6d: {  	_ =	swait.ge [sflag:s6], $0x1000  }
0x6e: {  	[sflag:s6] =	ssyncset.done $0x0  }
0x6f: {  	s16 =	rddreg [dreg:$0x10];
	[sflag:s6] =	ssyncadd.s32 $0xFFFFF000  }
0x70: {  	[spmem:s16] =	stream.linear.scatter [tilespmem:s5], [sflag:$0x6], $0x1000, $0x38;
	[tilespmem:$0x19180] =	vst v63  }
0x71: {  	_ =	swait.ge [sflag:s6], $0x1000  }
0x72: {  	[sflag:s6] =	ssyncset.done $0x0  }
0x73: {  	s18 =	rddreg [dreg:$0x11];
	[sflag:s6] =	ssyncadd.s32 $0xFFFFF000  }
0x74: {  	[spmem:s18] =	stream.linear.scatter [tilespmem:s5], [sflag:$0x6], $0x1000, $0x38;
	[tilespmem:$0x19180] =	vst v63  }
0x75: {  	_ =	swait.ge [sflag:s6], $0x1000  }
0x76: {  	[sflag:s6] =	ssyncset.done $0x0  }
0x77: {  	s19 =	rddreg [dreg:$0x12];
	[sflag:s6] =	ssyncadd.s32 $0xFFFFF000  }
0x78: {  	[spmem:s19] =	stream.linear.scatter [tilespmem:s5], [sflag:$0x6], $0x1000, $0x38;
	[tilespmem:$0x19180] =	vst v63  }
0x79: {  	_ =	swait.ge [sflag:s6], $0x1000  }
0x7a: {  	[sflag:s6] =	ssyncset.done $0x0  }
0x7b: {  	s20 =	rddreg [dreg:$0x13];
	[sflag:s6] =	ssyncadd.s32 $0xFFFFF000  }
0x7c: {  	[spmem:s20] =	stream.linear.scatter [tilespmem:s5], [sflag:$0x6], $0x1000, $0x38;
	[tilespmem:$0x19180] =	vst v63  }
0x7d: {  	_ =	swait.ge [sflag:s6], $0x1000  }
0x7e: {  	[sflag:s6] =	ssyncset.done $0x0  }
0x7f: {  	s21 =	rddreg [dreg:$0x14];
	[sflag:s6] =	ssyncadd.s32 $0xFFFFF000  }
0x80: {  	[spmem:s21] =	stream.linear.scatter [tilespmem:s5], [sflag:$0x6], $0x1000, $0x38;
	[tilespmem:$0x19180] =	vst v63  }
0x81: {  	_ =	swait.ge [sflag:s6], $0x1000  }
0x82: {  	[sflag:s6] =	ssyncset.done $0x0  }
0x83: {  	s22 =	rddreg [dreg:$0x15];
	[sflag:s6] =	ssyncadd.s32 $0xFFFFF000  }
0x84: {  	[spmem:s22] =	stream.linear.scatter [tilespmem:s5], [sflag:$0x6], $0x1000, $0x38;
	[tilespmem:$0x19180] =	vst v63  }
0x85: {  	_ =	swait.ge [sflag:s6], $0x1000  }
0x86: {  	[sflag:s6] =	ssyncset.done $0x0  }
0x87: {  	s23 =	rddreg [dreg:$0x16];
	[sflag:s6] =	ssyncadd.s32 $0xFFFFF000  }
0x88: {  	[spmem:s23] =	stream.linear.scatter [tilespmem:s5], [sflag:$0x6], $0x1000, $0x38;
	[tilespmem:$0x19180] =	vst v63  }
0x89: {  	_ =	swait.ge [sflag:s6], $0x1000  }
0x8a: {  	[sflag:s6] =	ssyncset.done $0x0  }
0x8b: {  	s16 =	rddreg [dreg:$0x17];
	[sflag:s6] =	ssyncadd.s32 $0xFFFFF000  }
0x8c: {  	[spmem:s16] =	stream.linear.scatter [tilespmem:s5], [sflag:$0x6], $0x1000, $0x38;
	[tilespmem:$0x19180] =	vst v63  }
0x8d: {  	_ =	swait.ge [sflag:s6], $0x1000  }
0x8e: {  	[sflag:s6] =	ssyncset.done $0x0  }
0x8f: {  	[sflag:s6] =	ssyncadd.s32 $0xFFFFF000  }
0x90: {  	[spmem:s25] =	stream.linear.scatter [tilespmem:s5], [sflag:$0x6], $0x1000, $0x38;
	[tilespmem:$0x19180] =	vst v63  }
0x91: {  	_ =	swait.ge [sflag:s6], $0x1000  }
0x92: {  	[sflag:s6] =	ssyncset.done $0x0  }
0x93: {  	[sflag:s6] =	ssyncadd.s32 $0xFFFFF000  }
0x94: {  	[spmem:s26] =	stream.linear.scatter [tilespmem:s5], [sflag:$0x6], $0x1000, $0x38;
	[tilespmem:$0x19180] =	vst v63  }
0x95: {  	_ =	swait.ge [sflag:s6], $0x1000  }
0x96: {  	[sflag:s6] =	ssyncset.done $0x0  }
0x97: {  	[sflag:s6] =	ssyncadd.s32 $0xFFFFF000  }
0x98: {  	[bflag:$0x0] =	sbarrier.arrive $0xFFFF  }
0x99: {  	_ =	swait.ge [sflag:s7], $0x80  }
0x9a: {  	[sflag:s7] =	ssyncset.done $0x0  }
0x9b: {  	s18 =	simm.s32 $0x0;
	[sflag:s7] =	ssyncadd.s32 $0xFFFFFF80  }
0x9c: {  	[spmem:s2] =	stream.indirect.scatter.add.f32 [tilespmem:s8], [sflag:$0x4], $0x80, s18, s1, $0xb8;
	[tilespmem:$0x19180] =	vst v63  }
0x9d: {  	_ = 	snop  }
0x9e: {  	[tilespmem:s9], [sflag:$0x3] =	stream.linear.gather [hbm4b:s29+s18], $0x80, $0x38;
	[tilespmem:$0x19180] =	vst v63  }
0x9f: {  	_ =	swait.ge [sflag:s10], $0x80  }
0xa0: {  	[sflag:s10] =	ssyncset.done $0x0  }
0xa1: {  	[sflag:s10] =	ssyncadd.s32 $0xFFFFFF80  }
0xa2: {  	[spmem:s2] =	stream.indirect.scatter.add.f32 [tilespmem:s8], [sflag:$0x5], $0x80, s1, s1, $0xb8;
	[tilespmem:$0x19180] =	vst v63  }
0xa3: {  	_ =	swait.ge [sflag:s11], $0x4000  }
0xa4: {  	[sflag:s11] =	ssyncset.done $0x0  }
0xa5: {  	[sflag:s11] =	ssyncadd.s32 $0xFFFFC000  }
0xa6: {  	[tilespmem:s18], [sflag:$0x1] =	stream.linear.gather [hbm4b:s30+s18], $0x80, $0x38;
	[tilespmem:$0x19180] =	vst v63  }
0xa7: {  	_ =	swait.ge [sflag:s12], $0x80  }
0xa8: {  	[sflag:s12] =	ssyncset.done $0x0  }
0xa9: {  	[sflag:s12] =	ssyncadd.s32 $0xFFFFFF80  }
0xaa: {  	[spmem:s2] =	stream.indirect.scatter.add.f32 [tilespmem:s8], [sflag:$0x4], $0x80, s9, s1, $0xb8;
	[tilespmem:$0x19180] =	vst v63  }
0xab: {  	_ =	swait.ge [sflag:s13], $0x4000  }
0xac: {  	[sflag:s13] =	ssyncset.done $0x0  }
0xad: {  	s19 =	sadd.s32 $0xFFFFFB00, s17;
	[sflag:s13] =	ssyncadd.s32 $0xFFFFC000  }
0xae: {  	[tilespmem:s1], [sflag:$0x2] =	stream.linear.gather [hbm4b:s19+s3], $0x80, $0x38;
	[tilespmem:$0x19180] =	vst v63  }
0xaf: {  	_ =	swait.ge [sflag:s7], $0x80  }
0xb0: {  	[sflag:s7] =	ssyncset.done $0x0  }
0xb1: {  	[sflag:s7] =	ssyncadd.s32 $0xFFFFFF80  }
0xb2: {  	[spmem:s2] =	stream.indirect.scatter.add.f32 [tilespmem:s8], [sflag:$0x5], $0x80, s3, s1, $0xb8;
	[tilespmem:$0x19180] =	vst v63  }
0xb3: {  	_ =	swait.ge [sflag:s11], $0x4000  }
0xb4: {  	[sflag:s11] =	ssyncset.done $0x0  }
0xb5: {  	s20 =	sadd.s32 $0xFFFFFC00, s17;
	[sflag:s11] =	ssyncadd.s32 $0xFFFFC000  }
0xb6: {  	[tilespmem:s9], [sflag:$0x3] =	stream.linear.gather [hbm4b:s20+s3], $0x80, $0x38;
	[tilespmem:$0x19180] =	vst v63  }
0xb7: {  	_ =	swait.ge [sflag:s10], $0x80  }
0xb8: {  	[sflag:s10] =	ssyncset.done $0x0  }
0xb9: {  	s21 =	sadd.s32 $0x0, s0;
	[sflag:s10] =	ssyncadd.s32 $0xFFFFFF80  }
0xba: {  	[spmem:s2] =	stream.indirect.scatter.add.f32 [tilespmem:s8], [sflag:$0x4], $0x80, s1, s1, $0xb8;
	[tilespmem:$0x19180] =	vst v63  }
0xbb: {  	s16 =	sadd.s32 $0x60, s21;
	_ =	swait.ge [sflag:s13], $0x4000  }
0xbc: {  	p0 =	sgt.u32 s16, $0x9C3;
	[sflag:s13] =	ssyncset.done $0x0  }
0xbd: {  	s16 =	sadd.s32 @!p0 $0xFFFFFD00, s17;
	s18 =	simm.s32 @!p0 $0x0;
	[sflag:s13] =	ssyncadd.s32 $0xFFFFC000  }
0xbe: {  	[tilespmem:s18], [sflag:$0x1] =	stream.linear.gather @!p0 [hbm4b:s16+s18], $0x80, $0x38;
	[tilespmem:$0x19180] =	vst v63  }
0xbf: {  	_ =	swait.ge [sflag:s12], $0x80  }
0xc0: {  	s22 =	sadd.s32 $0x70, s21;
	[sflag:s12] =	ssyncset.done $0x0  }
0xc1: {  	p0 =	sgt.u32 s22, $0x9C3;
	[sflag:s12] =	ssyncadd.s32 $0xFFFFFF80  }
0xc2: {  	[spmem:s2] =	stream.indirect.scatter.add.f32 [tilespmem:s8], [sflag:$0x5], $0x80, s9, s1, $0xb8;
	[tilespmem:$0x19180] =	vst v63  }
0xc3: {  	s16 =	sadd.s32 @!p0 $0xFFFFFE00, s17;
	_ =	swait.ge [sflag:s11], $0x4000  }
0xc4: {  	s19 =	simm.s32 @!p0 $0x0;
	[sflag:s11] =	ssyncset.done $0x0;
	s23 =	rddreg [dreg:$0x3]  }
0xc5: {  	s31 =	simm.s32 @!p0 $0x80;
	[sflag:s11] =	ssyncadd.s32 $0xFFFFC000;
	p1 =	sle.u32 s23, $0x60  }
0xc6: {  	[tilespmem:s31], [sflag:$0x2] =	stream.linear.gather @!p0 [hbm4b:s16+s19], $0x80, $0x38;
	[tilespmem:$0x19180] =	vst v63  }
0xc7: {  	s16 =	simm.s32 @!p1 $0x1  }
0xc8: {  	_ =	swait.ge @!p1 [sflag:s16], $0x80  }
0xc9: {  	s15 =	sadd.s32 $0x80, s21;
	s18 =	simm.s32 @!p1 $0x80;
	[sflag:s16] =	ssyncset.done @!p1 $0x0  }
0xca: {  	s19 =	simm.s32 @!p1 $0x0;
	[sflag:s16] =	ssyncadd.s32 @!p1 $0xFFFFFF80;
	s16 =	simm.s32 @!p1 $0x180  }
0xcb: {  	[spmem:s2] =	stream.indirect.scatter.add.f32 @!p1 [tilespmem:s16], [sflag:$0x4], $0x80, s19, s18, $0xb8;
	[tilespmem:$0x19180] =	vst v63  }
0xcc: {  	p0 =	sgt.u32 s15, $0x9C3;
	_ =	swait.ge [sflag:s13], $0x4000  }
0xcd: {  	s15 =	sadd.s32 @!p0 $0xFFFFFF00, s17;
	s16 =	rddreg [dreg:$0x4]  }
0xce: {  	s18 =	simm.s32 @!p0 $0x100;
	[sflag:s13] =	ssyncset.done $0x0;
	p2 =	sle.u32 @!p1 s16, $0x0  }
0xcf: {  	s16 =	simm.s32 @!p0 $0x0;
	[sflag:s13] =	ssyncadd.s32 $0xFFFFC000;
	p2 =	por p2, p1  }
0xd0: {  	[tilespmem:s18], [sflag:$0x3] =	stream.linear.gather @!p0 [hbm4b:s15+s16], $0x80, $0x38;
	[tilespmem:$0x19180] =	vst v63  }
0xd1: {  	s15 =	sadd.s32 @!p1 $0x0, s0;
	s19 =	simm.s32 @!p2 $0x2  }
0xd2: {  	s31 =	smov.u32 s17;
	s15 =	sadd.s32 @!p1 $0x90, s15;
	_ =	swait.ge @!p2 [sflag:s19], $0x80  }
0xd3: {  	s16 =	simm.s32 @!p2 $0x80;
	s18 =	simm.s32 @!p2 $0x180;
	[sflag:s19] =	ssyncset.done @!p2 $0x0  }
0xd4: {  	p0 =	sgt.u32 @!p1 s15, $0x9C3;
	s15 =	simm.s32 $0x60;
	[sflag:s19] =	ssyncadd.s32 @!p2 $0xFFFFFF80  }
0xd5: {  	[spmem:s2] =	stream.indirect.scatter.add.f32 @!p2 [tilespmem:s18], [sflag:$0x5], $0x80, s16, s16, $0xb8;
	[tilespmem:$0x19180] =	vst v63  }
0xd6: {  	s19 =	simm.s32 @!p1 $0x4;
	p2 =	por p0, p1;
	s16 =	smov.u32 s17  }
.LBB2_6:
0xd7: {  	_ =	swait.ge @!p1 [sflag:s19], $0x4000  }
0xd8: {  	[sflag:s19] =	ssyncset.done @!p1 $0x0  }
0xd9: {  	s20 =	simm.s32 @!p2 $0x0;
	[sflag:s19] =	ssyncadd.s32 @!p1 $0xFFFFC000  }
0xda: {  	[tilespmem:s20], [sflag:$0x1] =	stream.linear.gather @!p2 [hbm4b:s31+s20], $0x80, $0x38;
	[tilespmem:$0x19180] =	vst v63  }
0xdb: {  	_ =	swait.ge [sflag:s12], $0x80  }
0xdc: {  	[sflag:s12] =	ssyncset.done $0x0  }
0xdd: {  	[sflag:s12] =	ssyncadd.s32 $0xFFFFFF80  }
0xde: {  	[spmem:s2] =	stream.indirect.scatter.add.f32 [tilespmem:s8], [sflag:$0x4], $0x80, s9, s1, $0xb8;
	[tilespmem:$0x19180] =	vst v63  }
0xdf: {  	_ =	swait.ge [sflag:s13], $0x4000  }
0xe0: {  	s16 =	sadd.s32 $0x600, s16;
	[sflag:s13] =	ssyncset.done $0x0  }
0xe1: {  	s21 =	sadd.s32 $0xFFFFFB00, s16;
	[sflag:s13] =	ssyncadd.s32 $0xFFFFC000  }
0xe2: {  	[tilespmem:s1], [sflag:$0x2] =	stream.linear.gather [hbm4b:s21+s3], $0x80, $0x38;
	[tilespmem:$0x19180] =	vst v63  }
0xe3: {  	_ =	swait.ge [sflag:s7], $0x80  }
0xe4: {  	[sflag:s7] =	ssyncset.done $0x0  }
0xe5: {  	[sflag:s7] =	ssyncadd.s32 $0xFFFFFF80  }
0xe6: {  	[spmem:s2] =	stream.indirect.scatter.add.f32 [tilespmem:s8], [sflag:$0x5], $0x80, s3, s1, $0xb8;
	[tilespmem:$0x19180] =	vst v63  }
0xe7: {  	_ =	swait.ge [sflag:s11], $0x4000  }
0xe8: {  	[sflag:s11] =	ssyncset.done $0x0  }
0xe9: {  	s22 =	sadd.s32 $0xFFFFFC00, s16;
	[sflag:s11] =	ssyncadd.s32 $0xFFFFC000  }
0xea: {  	[tilespmem:s9], [sflag:$0x3] =	stream.linear.gather [hbm4b:s22+s3], $0x80, $0x38;
	[tilespmem:$0x19180] =	vst v63  }
0xeb: {  	_ =	swait.ge [sflag:s10], $0x80  }
0xec: {  	s18 =	smov.u32 s15;
	[sflag:s10] =	ssyncset.done $0x0  }
0xed: {  	s19 =	sadd.s32 s18, s0;
	[sflag:s10] =	ssyncadd.s32 $0xFFFFFF80  }
0xee: {  	[spmem:s2] =	stream.indirect.scatter.add.f32 [tilespmem:s8], [sflag:$0x4], $0x80, s1, s1, $0xb8;
	[tilespmem:$0x19180] =	vst v63  }
0xef: {  	s23 =	sadd.s32 $0x60, s19;
	_ =	swait.ge [sflag:s13], $0x4000  }
0xf0: {  	p1 =	sgt.u32 s23, $0x9C3;
	[sflag:s13] =	ssyncset.done $0x0  }
0xf1: {  	s20 =	sadd.s32 @!p1 $0xFFFFFD00, s16;
	s22 =	simm.s32 @!p1 $0x0;
	[sflag:s13] =	ssyncadd.s32 $0xFFFFC000  }
0xf2: {  	[tilespmem:s22], [sflag:$0x1] =	stream.linear.gather @!p1 [hbm4b:s20+s22], $0x80, $0x38;
	[tilespmem:$0x19180] =	vst v63  }
0xf3: {  	_ =	swait.ge [sflag:s12], $0x80  }
0xf4: {  	[sflag:s12] =	ssyncset.done $0x0  }
0xf5: {  	s21 =	sadd.s32 $0x70, s19;
	[sflag:s12] =	ssyncadd.s32 $0xFFFFFF80  }
0xf6: {  	[spmem:s2] =	stream.indirect.scatter.add.f32 [tilespmem:s8], [sflag:$0x5], $0x80, s9, s1, $0xb8;
	[tilespmem:$0x19180] =	vst v63  }
0xf7: {  	s15 =	sadd.s32 $0x60, s15;
	p1 =	sgt.u32 s21, $0x9C3;
	_ =	swait.ge [sflag:s11], $0x4000  }
0xf8: {  	s20 =	sadd.s32 @!p1 $0xFFFFFE00, s16;
	s21 =	simm.s32 @!p1 $0x0;
	[sflag:s11] =	ssyncset.done $0x0  }
0xf9: {  	s22 =	simm.s32 @!p1 $0x80;
	s23 =	rddreg [dreg:$0x3];
	[sflag:s11] =	ssyncadd.s32 $0xFFFFC000  }
0xfa: {  	[tilespmem:s22], [sflag:$0x2] =	stream.linear.gather @!p1 [hbm4b:s20+s21], $0x80, $0x38;
	[tilespmem:$0x19180] =	vst v63  }
0xfb: {  	p1 =	sge.u32 s15, s23  }
0xfc: {  	s20 =	simm.s32 @!p1 $0x1  }
0xfd: {  	p0 =	sne.s32 s15, $0x9C0;
	s19 =	sadd.s32 $0x80, s19;
	_ =	swait.ge @!p1 [sflag:s20], $0x80  }
0xfe: {  	s21 =	sadd.s32 @!p1 s18, s0;
	s22 =	simm.s32 @!p1 $0x80;
	[sflag:s20] =	ssyncset.done @!p1 $0x0  }
0xff: {  	s23 =	simm.s32 @!p1 $0x0;
	[sflag:s20] =	ssyncadd.s32 @!p1 $0xFFFFFF80;
	s20 =	simm.s32 @!p1 $0x180  }
0x100: {  	[spmem:s2] =	stream.indirect.scatter.add.f32 @!p1 [tilespmem:s20], [sflag:$0x4], $0x80, s23, s22, $0xb8;
	[tilespmem:$0x19180] =	vst v63  }
0x101: {  	p3 =	sgt.u32 s19, $0x9C3;
	s21 =	sadd.s32 @!p1 $0x90, s21;
	_ =	swait.ge [sflag:s13], $0x4000  }
0x102: {  	s19 =	sadd.s32 @!p3 $0xFFFFFF00, s16;
	p2 =	sgt.u32 @!p1 s21, $0x9C3;
	s21 =	rddreg [dreg:$0x4]  }
0x103: {  	s20 =	simm.s32 @!p3 $0x0;
	[sflag:s13] =	ssyncset.done $0x0;
	p4 =	sge.u32 @!p1 s18, s21  }
0x104: {  	s22 =	simm.s32 @!p3 $0x100;
	[sflag:s13] =	ssyncadd.s32 $0xFFFFC000;
	p4 =	por p4, p1  }
0x105: {  	[tilespmem:s22], [sflag:$0x3] =	stream.linear.gather @!p3 [hbm4b:s19+s20], $0x80, $0x38;
	[tilespmem:$0x19180] =	vst v63  }
.Ltmp3:
0x106: {  	s18 =	simm.s32 @!p4 $0x2;
	(pc) =	sbr.rel @p0 .LBB2_6-.Ltmp3, $4  }
0x107: {  	s31 =	smov.u32 s16;
	_ =	swait.ge @!p4 [sflag:s18], $0x80  }
0x108: {  	p2 =	por p2, p1;
	s19 =	simm.s32 @!p1 $0x4;
	[sflag:s18] =	ssyncset.done @!p4 $0x0  }
0x109: {  	s20 =	simm.s32 @!p4 $0x80;
	s21 =	simm.s32 @!p4 $0x180;
	[sflag:s18] =	ssyncadd.s32 @!p4 $0xFFFFFF80  }
0x10a: {  	[spmem:s2] =	stream.indirect.scatter.add.f32 @!p4 [tilespmem:s21], [sflag:$0x5], $0x80, s20, s20, $0xb8;
	[tilespmem:$0x19180] =	vst v63  }
0x10b: {  	_ =	swait.ge @!p1 [sflag:s19], $0x4000  }
0x10c: {  	[sflag:s19] =	ssyncset.done @!p1 $0x0  }
0x10d: {  	s15 =	simm.s32 @!p2 $0x0;
	[sflag:s19] =	ssyncadd.s32 @!p1 $0xFFFFC000  }
0x10e: {  	[tilespmem:s15], [sflag:$0x1] =	stream.linear.gather @!p2 [hbm4b:s31+s15], $0x80, $0x38;
	[tilespmem:$0x19180] =	vst v63  }
0x10f: {  	s23 =	sshll.u32 s0, $0x6;
	[bflag:$0x0] =	sbarrier.arrive $0xFFFF  }
0x110: {  	s16 =	sshrl.u32 s4, $0x3;
	s15 =	sor.u32 $0x1C06, s23;
	s18 =	rddreg [dreg:$0x5]  }
0x111: {  	[hbm:s18], [sflag:s15] =	dma.local [spmem:s16], $0x2800  }
0x112: {  	_ =	swait.ge [sflag:s6], $0x2800  }
0x113: {  	s14 =	sadd.s32 $0x1, s14;
	s31 =	rddreg [dreg:$0x6]  }
0x114: {  	p0 =	sne.s32 s14, s31  }
.Ltmp4:
0x115: {  	_ = 	snop;
	(pc) =	sbr.rel @p0 .LBB2_1-.Ltmp4, $3  }
0x116: {  	_ =	sdelay $0x1  }
0x117: {  	[sflag:s6] =	ssyncset.done $0x0  }
0x118: {  	[sflag:s6] =	ssyncadd.s32 $0xFFFFD800  }
0x119: {  	_ =	sfence.sel $0x180000  }
0x11a: {  	[bflag:$0x0] =	sbarrier.arrive $0xFFFF  }
0x11b: {  	_ =	strace $0x90000047  }
0x11c: {  	[bflag:$0x2] =	sbarrier.arrive $0xFFFF  }
0x11d: {  	p0 =	sne.s32 s0, $0x0;
	s0 =	rddreg [dreg:$0x2]  }
0x11e: {  	s0 =	sadd.s32 @!p0 $0x100000, s0  }
0x11f: {  	[sflag:s0] =	ssyncadd.tile.s32 @!p0 $0x1;
	_ =	shalt  }
.Lfunc_end2:
_tile_overlayer_lowered:
.L_overlay_start_2:
0x120: {  	(tag) =	ssettag $0x2  }
0x121: {  	s0 =	rddreg [dreg:$0x0];
	s2 =	stileid.u32  }
0x122: {  	s1 =	rddreg [dreg:$0x1];
	p0 =	sne.s32 s2, $0x0  }
0x123: {  	s3 =	rddreg [dreg:$0x2];
	[bflag:$0x3] =	sbarrier.arrive $0xFFFF;
	s2 =	simm.s32 @!p0 $0x1C06  }
0x124: {  	[timem:s3], [sflag:s2] =	dma.local @!p0 [hbm:s0], s1  }
0x125: {  	s0 =	simm.s32 @!p0 $0x6  }
0x126: {  	_ =	swait.ge @!p0 [sflag:s0], s1  }
0x127: {  	s1 =	ssub.s32 @!p0 $0x0, s1;
	[sflag:s0] =	ssyncset.done @!p0 $0x0  }
0x128: {  	[sflag:s0] =	ssyncadd.s32 @!p0 s1  }
0x129: {  	[bflag:$0x3] =	sbarrier.arrive $0xFFFF  }
0x12a: {  	_ =	shalt  }

</sc_bundles>
